<compile_context>
chip_gen: v7x
topology: tpu7x:2x2x1
jax: 0.10.2.dev20260603
libtpu: 0.0.44.dev20260713+nightly
codegen_flags: <defaults>
</compile_context>

<pallas_src>
import functools

import jax
import jax.numpy as jnp
from jax import lax
from jax.experimental import pallas as pl
from jax.experimental.pallas import tpu as pltpu
from jax.experimental.pallas import tpu_sc as plsc

B = 4096
H = 50
N = B * H
D = 64
NC = 2
NS = 16
NW = NC * NS
CH = 128
PER_W = N // NW
NCHUNK = PER_W // CH
L = 16
G = CH // L
V_CLS, V_SUB, V_WT = 30, 300, 5
SH_CLS, SH_SUB, SH_WT = 13, 18, 27
MASK_LOC, MASK_CLS, MASK_SUB, MASK_WT = 0x1FFF, 0x1F, 0x1FF, 0x1F


@functools.partial(
    pl.kernel,
    out_type=(jax.ShapeDtypeStruct((H, B, D), jnp.float32),)
             + tuple(jax.ShapeDtypeStruct((H, D, B), jnp.float32)
                     for _ in range(3)),
    mesh=plsc.VectorSubcoreMesh(core_axis_name="c", subcore_axis_name="s"),
    compiler_params=pltpu.CompilerParams(use_tc_tiling_on_sc=False,
                                         needs_layout_passes=False),
    scratch_types=[
        pltpu.VMEM((NCHUNK, CH), jnp.int32),
        pltpu.VMEM((2, CH), jnp.int32),
        pltpu.VMEM((2, 4, CH), jnp.int32),
        pltpu.VMEM((2, CH, D), jnp.float32),
        pltpu.VMEM((2, 3, D, CH), jnp.float32),
        pltpu.VMEM((V_CLS, D + 1), jnp.float32),
        pltpu.VMEM((V_SUB, D + 1), jnp.float32),
        pltpu.VMEM((V_WT, D + 1), jnp.float32),
        pltpu.SemaphoreType.DMA((2,)),
        pltpu.SemaphoreType.DMA((2,)),
        pltpu.SemaphoreType.DMA,
    ],
)
def _sc_lookup(jobs, mpacked, tloc, tcls, tsub, twt,
               o0, o1, o2, o3, idx_v, pk_v, fid_v, loc_v, small_v,
               cls_v, sub_v, wt_v, sem_m, sem_l, sem_s):
    wid = lax.axis_index("s") * NC + lax.axis_index("c")
    bbase = wid * CH
    outs = (o0, o1, o2, o3)
    iota = lax.iota(jnp.int32, L)

    def meta_copy(k):
        buf = lax.rem(k, 2)
        return pltpu.make_async_copy(mpacked.at[idx_v.at[k]],
                                     pk_v.at[buf], sem_m.at[buf])

    def unpack_fids(k):
        buf = lax.rem(k, 2)
        for g in range(G):
            sl = pl.ds(g * L, L)
            p16 = pk_v[buf, sl]
            fid_v[buf, 0, sl] = p16 & MASK_LOC
            fid_v[buf, 1, sl] = lax.shift_right_logical(p16, SH_CLS) & MASK_CLS
            fid_v[buf, 2, sl] = lax.shift_right_logical(p16, SH_SUB) & MASK_SUB
            fid_v[buf, 3, sl] = lax.shift_right_logical(p16, SH_WT) & MASK_WT

    def loc_copy(k):
        buf = lax.rem(k, 2)
        return pltpu.make_async_copy(tloc.at[fid_v.at[buf, 0]],
                                     loc_v.at[buf], sem_l.at[buf])

    def small_gathers(k):
        buf = lax.rem(k, 2)
        for f, tbl in ((1, cls_v), (2, sub_v), (3, wt_v)):
            dst = small_v.at[buf, f - 1]

            @plsc.parallel_loop(0, G * D, unroll=8)
            def gc_body(i):
                g = lax.shift_right_logical(i, 6)
                c = lax.bitwise_and(i, D - 1)
                vfid = fid_v[buf, f, pl.ds(g * L, L)]
                colc = jnp.full((L,), 0, jnp.int32) + c
                v = plsc.load_gather(tbl, [vfid, colc])
                dst[c, pl.ds(g * L, L)] = v

    def store_copies(k):
        buf = lax.rem(k, 2)
        cps = [pltpu.make_async_copy(loc_v.at[buf],
                                     outs[0].at[k, pl.ds(bbase, CH)],
                                     sem_s)]
        for f in range(1, 4):
            cps.append(pltpu.make_async_copy(
                small_v.at[buf, f - 1],
                outs[f].at[k, slice(None), pl.ds(bbase, CH)], sem_s))
        return cps

    def fire(copies):
        for c in copies:
            c.start()

    def drain(copies):
        for c in copies:
            c.wait()

    pltpu.sync_copy(jobs.at[wid], idx_v)
    pltpu.sync_copy(tcls, cls_v)
    pltpu.sync_copy(tsub, sub_v)
    pltpu.sync_copy(twt, wt_v)

    meta_copy(0).start()
    meta_copy(1).start()
    meta_copy(0).wait()
    unpack_fids(0)
    loc_copy(0).start()
    small_gathers(0)

    def chunk_body(k, carry):

        @pl.when(k + 2 < NCHUNK)
        def _():
            meta_copy(k + 2).start()

        @pl.when(k >= 1)
        def _():
            with jax.named_scope("p_storewait"):
                drain(store_copies(k - 1))

        @pl.when(k + 1 < NCHUNK)
        def _():
            with jax.named_scope("p_metawait"):
                meta_copy(k + 1).wait()
            with jax.named_scope("p_unpack"):
                unpack_fids(k + 1)
            loc_copy(k + 1).start()
            with jax.named_scope("p_small"):
                small_gathers(k + 1)

        with jax.named_scope("p_locwait"):
            loc_copy(k).wait()
        fire(store_copies(k))
        return carry

    lax.fori_loop(0, NCHUNK, chunk_body, 0)
    drain(store_copies(NCHUNK - 1))


def kernel(job_ids, metadata_table, loc_emb, cls_emb, sub_emb, wt_emb):
    jobs = job_ids.T.reshape(NCHUNK, NW, CH).transpose(1, 0, 2).astype(jnp.int32)
    mpacked = (metadata_table[:, 0]
               + (metadata_table[:, 1] << SH_CLS)
               + (metadata_table[:, 2] << SH_SUB)
               + (metadata_table[:, 3] << SH_WT))
    pad1 = ((0, 0), (0, 1))
    outs = _sc_lookup(jobs, mpacked, loc_emb, jnp.pad(cls_emb, pad1),
                      jnp.pad(sub_emb, pad1), jnp.pad(wt_emb, pad1))
    return (outs[0].transpose(1, 0, 2),) + tuple(
        o.transpose(2, 0, 1) for o in outs[1:])

# --- scband reference (transcript-rebuilt; emitter-appended) ---
"""Pipeline reference for scband-job-feature-embeddings-22720376995918 (READ-ONLY COPY).

The authoritative reference and input builder live on the scoring server;
editing this copy changes nothing except your own understanding.
"""

import jax, jax.numpy as jnp
import numpy as np

NUM_JOBS = 1000000
D_MODEL = 64
VOCABS = [5000, 30, 300, 5]  # location, classification, sub_classification, work_type
BATCH = 4096
HIST = 50


def setup_inputs(seed: int = 0) -> dict:
    key = jax.random.key(seed)
    ks = jax.random.split(key, 10)
    job_ids = jax.random.randint(ks[0], (BATCH, HIST), 0, NUM_JOBS, dtype=jnp.int64) if jax.config.read('jax_enable_x64') else jax.random.randint(ks[0], (BATCH, HIST), 0, NUM_JOBS, dtype=jnp.int32)
    # frozen metadata lookup table: job_id -> [location_id, classification_id, sub_classification_id, work_type_id]
    cols = [jax.random.randint(ks[1 + i], (NUM_JOBS,), 0, VOCABS[i], dtype=jnp.int32) for i in range(4)]
    metadata_table = jnp.stack(cols, axis=1).at[0].set(0)  # padding row 0 -> all zeros
    names = ['loc_emb', 'cls_emb', 'sub_emb', 'wt_emb']
    out = {'job_ids': job_ids, 'metadata_table': metadata_table}
    for i in range(4):
        t = jax.random.normal(ks[5 + i], (VOCABS[i], D_MODEL), dtype=jnp.float32) * 0.02
        t = t.at[0].set(0.0)  # padding_idx=0 zeroed
        out[names[i]] = t
    return out


def reference(job_ids, metadata_table, loc_emb, cls_emb, sub_emb, wt_emb):
    # metadata lookup: job_ids -> feature ids [B, L, 4]
    feat_ids = jnp.take(metadata_table, job_ids, axis=0)
    tables = [loc_emb, cls_emb, sub_emb, wt_emb]
    outputs = []
    for i in range(4):
        ids = feat_ids[..., i]
        outputs.append(jnp.take(tables[i], ids, axis=0))
    return tuple(outputs)

if __name__ == "__main__":
    import jax
    _d = setup_inputs()
    print(jax.jit(kernel)(*tuple(_d.values())))

</pallas_src>

<mosaic_0001>
#map = affine_map<(d0, d1) -> (0, 0, 0)>
#map1 = affine_map<(d0, d1) -> (0)>
#map2 = affine_map<(d0, d1) -> (0, 0)>
module attributes {stable_mosaic.version = 14 : i64} {
  func.func @_sc_lookup(%arg0: i32, %arg1: i32, %arg2: memref<32x50x128xi32, #tpu.memory_space<hbm>>, %arg3: memref<1000000xi32, #tpu.memory_space<hbm>>, %arg4: memref<5000x64xf32, #tpu.memory_space<hbm>>, %arg5: memref<30x65xf32, #tpu.memory_space<hbm>>, %arg6: memref<300x65xf32, #tpu.memory_space<hbm>>, %arg7: memref<5x65xf32, #tpu.memory_space<hbm>>, %arg8: memref<50x4096x64xf32, #tpu.memory_space<hbm>>, %arg9: memref<50x64x4096xf32, #tpu.memory_space<hbm>>, %arg10: memref<50x64x4096xf32, #tpu.memory_space<hbm>>, %arg11: memref<50x64x4096xf32, #tpu.memory_space<hbm>>, %arg12: memref<50x128xi32, #tpu.memory_space<vmem>>, %arg13: memref<2x128xi32, #tpu.memory_space<vmem>>, %arg14: memref<2x4x128xi32, #tpu.memory_space<vmem>>, %arg15: memref<2x128x64xf32, #tpu.memory_space<vmem>>, %arg16: memref<2x3x64x128xf32, #tpu.memory_space<vmem>>, %arg17: memref<30x65xf32, #tpu.memory_space<vmem>>, %arg18: memref<300x65xf32, #tpu.memory_space<vmem>>, %arg19: memref<5x65xf32, #tpu.memory_space<vmem>>, %arg20: memref<2x!tpu.dma_semaphore, #tpu.memory_space<semaphore_mem>>, %arg21: memref<2x!tpu.dma_semaphore, #tpu.memory_space<semaphore_mem>>, %arg22: memref<!tpu.dma_semaphore, #tpu.memory_space<semaphore_mem>>) attributes {dimension_semantics = [#tpu.dimension_semantics<core_parallel>, #tpu.dimension_semantics<subcore_parallel>], iteration_bounds = array<i64: 2, 16>, scalar_prefetch = 0 : i64, scratch_operands = 11 : i64, tpu.core_type = #tpu.core_type<sc_vector_subcore>, window_params = [{transform_indices = #map}, {transform_indices = #map1}, {transform_indices = #map2}, {transform_indices = #map2}, {transform_indices = #map2}, {transform_indices = #map2}, {transform_indices = #map}, {transform_indices = #map}, {transform_indices = #map}, {transform_indices = #map}]} {
    %mul3A = arith.constant 2 : i32
    %mul3A_0 = arith.muli %arg1, %mul3A : i32
    %add3A = arith.addi %mul3A_0, %arg0 : i32
    %mul3A_1 = arith.constant 128 : i32
    %mul3A_2 = arith.muli %add3A, %mul3A_1 : i32
    %iota3A = tpu.iota {dimensions = array<i32: 0>} : vector<16xi32>
    "tpu.region"() ({
      %run_scoped3A = tpu.sem_alloc : memref<!tpu.dma_semaphore, #tpu.memory_space<semaphore_mem>>
      %dma_start3A_494 = arith.constant 0 : i32
      %dma_start3A_495 = arith.constant 0 : i32
      %dma_start3A_496 = tpu.memref_slice %arg2[%add3A, %dma_start3A_494, %dma_start3A_495] : memref<32x50x128xi32, #tpu.memory_space<hbm>> -> memref<1x50x128xi32, #tpu.memory_space<hbm>>
      %dma_start3A_497 = tpu.memref_squeeze %dma_start3A_496 : memref<1x50x128xi32, #tpu.memory_space<hbm>> -> memref<50x128xi32, #tpu.memory_space<hbm>>
      %dma_start3A_498 = arith.constant 0 : i32
      %dma_start3A_499 = arith.constant 0 : i32
      %dma_start3A_500 = tpu.memref_slice %arg2[%add3A, %dma_start3A_498, %dma_start3A_499] : memref<32x50x128xi32, #tpu.memory_space<hbm>> -> memref<1x50x128xi32, #tpu.memory_space<hbm>>
      %dma_start3A_501 = tpu.memref_squeeze %dma_start3A_500 : memref<1x50x128xi32, #tpu.memory_space<hbm>> -> memref<50x128xi32, #tpu.memory_space<hbm>>
      tpu.enqueue_dma source(%dma_start3A_501 : memref<50x128xi32, #tpu.memory_space<hbm>>) target(%arg12 : memref<50x128xi32, #tpu.memory_space<vmem>>) target_semaphore(%run_scoped3A : memref<!tpu.dma_semaphore, #tpu.memory_space<semaphore_mem>>)
      %dma_wait3A_502 = arith.constant 0 : i32
      %dma_wait3A_503 = arith.constant 0 : i32
      %dma_wait3A_504 = tpu.memref_slice %arg2[%add3A, %dma_wait3A_502, %dma_wait3A_503] : memref<32x50x128xi32, #tpu.memory_space<hbm>> -> memref<1x50x128xi32, #tpu.memory_space<hbm>>
      %dma_wait3A_505 = tpu.memref_squeeze %dma_wait3A_504 : memref<1x50x128xi32, #tpu.memory_space<hbm>> -> memref<50x128xi32, #tpu.memory_space<hbm>>
      %dma_wait3A_506 = arith.constant 0 : i32
      %dma_wait3A_507 = arith.constant 0 : i32
      %dma_wait3A_508 = tpu.memref_slice %arg2[%add3A, %dma_wait3A_506, %dma_wait3A_507] : memref<32x50x128xi32, #tpu.memory_space<hbm>> -> memref<1x50x128xi32, #tpu.memory_space<hbm>>
      %dma_wait3A_509 = tpu.memref_squeeze %dma_wait3A_508 : memref<1x50x128xi32, #tpu.memory_space<hbm>> -> memref<50x128xi32, #tpu.memory_space<hbm>>
      tpu.wait_dma2 semaphore(%run_scoped3A : memref<!tpu.dma_semaphore, #tpu.memory_space<semaphore_mem>>) src(%dma_wait3A_509 : memref<50x128xi32, #tpu.memory_space<hbm>>) dst(%arg12 : memref<50x128xi32, #tpu.memory_space<vmem>>)
      tpu.yield
    }) : () -> ()
    "tpu.region"() ({
      %run_scoped3A = tpu.sem_alloc : memref<!tpu.dma_semaphore, #tpu.memory_space<semaphore_mem>>
      tpu.enqueue_dma source(%arg5 : memref<30x65xf32, #tpu.memory_space<hbm>>) target(%arg17 : memref<30x65xf32, #tpu.memory_space<vmem>>) target_semaphore(%run_scoped3A : memref<!tpu.dma_semaphore, #tpu.memory_space<semaphore_mem>>)
      tpu.wait_dma2 semaphore(%run_scoped3A : memref<!tpu.dma_semaphore, #tpu.memory_space<semaphore_mem>>) src(%arg5 : memref<30x65xf32, #tpu.memory_space<hbm>>) dst(%arg17 : memref<30x65xf32, #tpu.memory_space<vmem>>)
      tpu.yield
    }) : () -> ()
    "tpu.region"() ({
      %run_scoped3A = tpu.sem_alloc : memref<!tpu.dma_semaphore, #tpu.memory_space<semaphore_mem>>
      tpu.enqueue_dma source(%arg6 : memref<300x65xf32, #tpu.memory_space<hbm>>) target(%arg18 : memref<300x65xf32, #tpu.memory_space<vmem>>) target_semaphore(%run_scoped3A : memref<!tpu.dma_semaphore, #tpu.memory_space<semaphore_mem>>)
      tpu.wait_dma2 semaphore(%run_scoped3A : memref<!tpu.dma_semaphore, #tpu.memory_space<semaphore_mem>>) src(%arg6 : memref<300x65xf32, #tpu.memory_space<hbm>>) dst(%arg18 : memref<300x65xf32, #tpu.memory_space<vmem>>)
      tpu.yield
    }) : () -> ()
    "tpu.region"() ({
      %run_scoped3A = tpu.sem_alloc : memref<!tpu.dma_semaphore, #tpu.memory_space<semaphore_mem>>
      tpu.enqueue_dma source(%arg7 : memref<5x65xf32, #tpu.memory_space<hbm>>) target(%arg19 : memref<5x65xf32, #tpu.memory_space<vmem>>) target_semaphore(%run_scoped3A : memref<!tpu.dma_semaphore, #tpu.memory_space<semaphore_mem>>)
      tpu.wait_dma2 semaphore(%run_scoped3A : memref<!tpu.dma_semaphore, #tpu.memory_space<semaphore_mem>>) src(%arg7 : memref<5x65xf32, #tpu.memory_space<hbm>>) dst(%arg19 : memref<5x65xf32, #tpu.memory_space<vmem>>)
      tpu.yield
    }) : () -> ()
    %rem3A = arith.constant 0 : i32
    %rem3A_3 = arith.constant 2 : i32
    %rem3A_4 = arith.remsi %rem3A, %rem3A_3 : i32
    %dma_start3A = arith.constant 0 : i32
    %dma_start3A_5 = arith.constant 0 : i32
    %dma_start3A_6 = tpu.memref_slice %arg13[%rem3A_4, %dma_start3A_5] : memref<2x128xi32, #tpu.memory_space<vmem>> -> memref<1x128xi32, #tpu.memory_space<vmem>>
    %dma_start3A_7 = tpu.memref_squeeze %dma_start3A_6 : memref<1x128xi32, #tpu.memory_space<vmem>> -> memref<128xi32, #tpu.memory_space<vmem>>
    %dma_start3A_8 = arith.constant 0 : i32
    %dma_start3A_9 = tpu.memref_slice %arg12[%dma_start3A, %dma_start3A_8] : memref<50x128xi32, #tpu.memory_space<vmem>> -> memref<1x128xi32, #tpu.memory_space<vmem>>
    %dma_start3A_10 = tpu.memref_squeeze %dma_start3A_9 : memref<1x128xi32, #tpu.memory_space<vmem>> -> memref<128xi32, #tpu.memory_space<vmem>>
    %dma_start3A_11 = arith.constant 0 : i32
    %dma_start3A_12 = tpu.memref_slice %arg3[%dma_start3A_11] : memref<1000000xi32, #tpu.memory_space<hbm>> -> memref<1000000xi32, #tpu.memory_space<hbm>>
    %dma_start3A_13 = tpu.memref_slice %arg20[%rem3A_4] : memref<2x!tpu.dma_semaphore, #tpu.memory_space<semaphore_mem>> -> memref<1x!tpu.dma_semaphore, #tpu.memory_space<semaphore_mem>>
    %dma_start3A_14 = tpu.memref_squeeze %dma_start3A_13 : memref<1x!tpu.dma_semaphore, #tpu.memory_space<semaphore_mem>> -> memref<!tpu.dma_semaphore, #tpu.memory_space<semaphore_mem>>
    tpu.enqueue_indirect_dma source(%dma_start3A_12 : memref<1000000xi32, #tpu.memory_space<hbm>>) target(%dma_start3A_7 : memref<128xi32, #tpu.memory_space<vmem>>) offsets(%dma_start3A_10 : memref<128xi32, #tpu.memory_space<vmem>>) semaphore(%dma_start3A_14 : memref<!tpu.dma_semaphore, #tpu.memory_space<semaphore_mem>>)
    %rem3A_15 = arith.constant 1 : i32
    %rem3A_16 = arith.constant 2 : i32
    %rem3A_17 = arith.remsi %rem3A_15, %rem3A_16 : i32
    %dma_start3A_18 = arith.constant 1 : i32
    %dma_start3A_19 = arith.constant 0 : i32
    %dma_start3A_20 = tpu.memref_slice %arg13[%rem3A_17, %dma_start3A_19] : memref<2x128xi32, #tpu.memory_space<vmem>> -> memref<1x128xi32, #tpu.memory_space<vmem>>
    %dma_start3A_21 = tpu.memref_squeeze %dma_start3A_20 : memref<1x128xi32, #tpu.memory_space<vmem>> -> memref<128xi32, #tpu.memory_space<vmem>>
    %dma_start3A_22 = arith.constant 0 : i32
    %dma_start3A_23 = tpu.memref_slice %arg12[%dma_start3A_18, %dma_start3A_22] : memref<50x128xi32, #tpu.memory_space<vmem>> -> memref<1x128xi32, #tpu.memory_space<vmem>>
    %dma_start3A_24 = tpu.memref_squeeze %dma_start3A_23 : memref<1x128xi32, #tpu.memory_space<vmem>> -> memref<128xi32, #tpu.memory_space<vmem>>
    %dma_start3A_25 = arith.constant 0 : i32
    %dma_start3A_26 = tpu.memref_slice %arg3[%dma_start3A_25] : memref<1000000xi32, #tpu.memory_space<hbm>> -> memref<1000000xi32, #tpu.memory_space<hbm>>
    %dma_start3A_27 = tpu.memref_slice %arg20[%rem3A_17] : memref<2x!tpu.dma_semaphore, #tpu.memory_space<semaphore_mem>> -> memref<1x!tpu.dma_semaphore, #tpu.memory_space<semaphore_mem>>
    %dma_start3A_28 = tpu.memref_squeeze %dma_start3A_27 : memref<1x!tpu.dma_semaphore, #tpu.memory_space<semaphore_mem>> -> memref<!tpu.dma_semaphore, #tpu.memory_space<semaphore_mem>>
    tpu.enqueue_indirect_dma source(%dma_start3A_26 : memref<1000000xi32, #tpu.memory_space<hbm>>) target(%dma_start3A_21 : memref<128xi32, #tpu.memory_space<vmem>>) offsets(%dma_start3A_24 : memref<128xi32, #tpu.memory_space<vmem>>) semaphore(%dma_start3A_28 : memref<!tpu.dma_semaphore, #tpu.memory_space<semaphore_mem>>)
    %rem3A_29 = arith.constant 0 : i32
    %rem3A_30 = arith.constant 2 : i32
    %rem3A_31 = arith.remsi %rem3A_29, %rem3A_30 : i32
    %dma_wait3A = arith.constant 0 : i32
    %dma_wait3A_32 = arith.constant 0 : i32
    %dma_wait3A_33 = tpu.memref_slice %arg13[%rem3A_31, %dma_wait3A_32] : memref<2x128xi32, #tpu.memory_space<vmem>> -> memref<1x128xi32, #tpu.memory_space<vmem>>
    %dma_wait3A_34 = tpu.memref_squeeze %dma_wait3A_33 : memref<1x128xi32, #tpu.memory_space<vmem>> -> memref<128xi32, #tpu.memory_space<vmem>>
    %dma_wait3A_35 = arith.constant 0 : i32
    %dma_wait3A_36 = tpu.memref_slice %arg12[%dma_wait3A, %dma_wait3A_35] : memref<50x128xi32, #tpu.memory_space<vmem>> -> memref<1x128xi32, #tpu.memory_space<vmem>>
    %dma_wait3A_37 = tpu.memref_squeeze %dma_wait3A_36 : memref<1x128xi32, #tpu.memory_space<vmem>> -> memref<128xi32, #tpu.memory_space<vmem>>
    %dma_wait3A_38 = arith.constant 0 : i32
    %dma_wait3A_39 = tpu.memref_slice %arg3[%dma_wait3A_38] : memref<1000000xi32, #tpu.memory_space<hbm>> -> memref<1000000xi32, #tpu.memory_space<hbm>>
    %dma_wait3A_40 = tpu.memref_slice %arg20[%rem3A_31] : memref<2x!tpu.dma_semaphore, #tpu.memory_space<semaphore_mem>> -> memref<1x!tpu.dma_semaphore, #tpu.memory_space<semaphore_mem>>
    %dma_wait3A_41 = tpu.memref_squeeze %dma_wait3A_40 : memref<1x!tpu.dma_semaphore, #tpu.memory_space<semaphore_mem>> -> memref<!tpu.dma_semaphore, #tpu.memory_space<semaphore_mem>>
    tpu.wait_indirect_dma semaphore(%dma_wait3A_41 : memref<!tpu.dma_semaphore, #tpu.memory_space<semaphore_mem>>) src(%dma_wait3A_39 : memref<1000000xi32, #tpu.memory_space<hbm>>) dst(%dma_wait3A_34 : memref<128xi32, #tpu.memory_space<vmem>>)
    %rem3A_42 = arith.constant 0 : i32
    %rem3A_43 = arith.constant 2 : i32
    %rem3A_44 = arith.remsi %rem3A_42, %rem3A_43 : i32
    %get3A = arith.index_cast %rem3A_44 : i32 to index
    %get3A_45 = arith.constant 0 : index
    %get3A_46 = tpu.vector_load %arg13[%get3A, %get3A_45] {strides = array<i32>} : memref<2x128xi32, #tpu.memory_space<vmem>>, vector<16xi32>,
    %and3A = arith.constant 8191 : i32
    %and3A_47 = vector.broadcast %and3A : i32 to vector<16xi32>
    %and3A_48 = arith.andi %get3A_46, %and3A_47 : vector<16xi32>
    %swap3A = arith.constant 0 : i32
    %swap3A_49 = arith.index_cast %rem3A_44 : i32 to index
    %swap3A_50 = arith.index_cast %swap3A : i32 to index
    %swap3A_51 = arith.constant 0 : index
    %swap3A_52 = tpu.vector_load %arg14[%swap3A_49, %swap3A_50, %swap3A_51] {strides = array<i32>} : memref<2x4x128xi32, #tpu.memory_space<vmem>>, vector<16xi32>,
    tpu.vector_store %arg14[%swap3A_49, %swap3A_50, %swap3A_51], %and3A_48 {strides = array<i32>} : memref<2x4x128xi32, #tpu.memory_space<vmem>>, vector<16xi32>,
    %shift_right_logical3A = arith.constant 13 : i32
    %shift_right_logical3A_53 = vector.broadcast %shift_right_logical3A : i32 to vector<16xi32>
    %shift_right_logical3A_54 = arith.shrui %get3A_46, %shift_right_logical3A_53 : vector<16xi32>
    %and3A_55 = arith.constant 31 : i32
    %and3A_56 = vector.broadcast %and3A_55 : i32 to vector<16xi32>
    %and3A_57 = arith.andi %shift_right_logical3A_54, %and3A_56 : vector<16xi32>
    %swap3A_58 = arith.constant 1 : i32
    %swap3A_59 = arith.index_cast %rem3A_44 : i32 to index
    %swap3A_60 = arith.index_cast %swap3A_58 : i32 to index
    %swap3A_61 = arith.constant 0 : index
    %swap3A_62 = tpu.vector_load %arg14[%swap3A_59, %swap3A_60, %swap3A_61] {strides = array<i32>} : memref<2x4x128xi32, #tpu.memory_space<vmem>>, vector<16xi32>,
    tpu.vector_store %arg14[%swap3A_59, %swap3A_60, %swap3A_61], %and3A_57 {strides = array<i32>} : memref<2x4x128xi32, #tpu.memory_space<vmem>>, vector<16xi32>,
    %shift_right_logical3A_63 = arith.constant 18 : i32
    %shift_right_logical3A_64 = vector.broadcast %shift_right_logical3A_63 : i32 to vector<16xi32>
    %shift_right_logical3A_65 = arith.shrui %get3A_46, %shift_right_logical3A_64 : vector<16xi32>
    %and3A_66 = arith.constant 511 : i32
    %and3A_67 = vector.broadcast %and3A_66 : i32 to vector<16xi32>
    %and3A_68 = arith.andi %shift_right_logical3A_65, %and3A_67 : vector<16xi32>
    %swap3A_69 = arith.constant 2 : i32
    %swap3A_70 = arith.index_cast %rem3A_44 : i32 to index
    %swap3A_71 = arith.index_cast %swap3A_69 : i32 to index
    %swap3A_72 = arith.constant 0 : index
    %swap3A_73 = tpu.vector_load %arg14[%swap3A_70, %swap3A_71, %swap3A_72] {strides = array<i32>} : memref<2x4x128xi32, #tpu.memory_space<vmem>>, vector<16xi32>,
    tpu.vector_store %arg14[%swap3A_70, %swap3A_71, %swap3A_72], %and3A_68 {strides = array<i32>} : memref<2x4x128xi32, #tpu.memory_space<vmem>>, vector<16xi32>,
    %shift_right_logical3A_74 = arith.constant 27 : i32
    %shift_right_logical3A_75 = vector.broadcast %shift_right_logical3A_74 : i32 to vector<16xi32>
    %shift_right_logical3A_76 = arith.shrui %get3A_46, %shift_right_logical3A_75 : vector<16xi32>
    %and3A_77 = arith.constant 31 : i32
    %and3A_78 = vector.broadcast %and3A_77 : i32 to vector<16xi32>
    %and3A_79 = arith.andi %shift_right_logical3A_76, %and3A_78 : vector<16xi32>
    %swap3A_80 = arith.constant 3 : i32
    %swap3A_81 = arith.index_cast %rem3A_44 : i32 to index
    %swap3A_82 = arith.index_cast %swap3A_80 : i32 to index
    %swap3A_83 = arith.constant 0 : index
    %swap3A_84 = tpu.vector_load %arg14[%swap3A_81, %swap3A_82, %swap3A_83] {strides = array<i32>} : memref<2x4x128xi32, #tpu.memory_space<vmem>>, vector<16xi32>,
    tpu.vector_store %arg14[%swap3A_81, %swap3A_82, %swap3A_83], %and3A_79 {strides = array<i32>} : memref<2x4x128xi32, #tpu.memory_space<vmem>>, vector<16xi32>,
    %get3A_85 = arith.index_cast %rem3A_44 : i32 to index
    %get3A_86 = arith.constant 16 : index
    %get3A_87 = tpu.vector_load %arg13[%get3A_85, %get3A_86] {strides = array<i32>} : memref<2x128xi32, #tpu.memory_space<vmem>>, vector<16xi32>,
    %and3A_88 = arith.constant 8191 : i32
    %and3A_89 = vector.broadcast %and3A_88 : i32 to vector<16xi32>
    %and3A_90 = arith.andi %get3A_87, %and3A_89 : vector<16xi32>
    %swap3A_91 = arith.constant 0 : i32
    %swap3A_92 = arith.index_cast %rem3A_44 : i32 to index
    %swap3A_93 = arith.index_cast %swap3A_91 : i32 to index
    %swap3A_94 = arith.constant 16 : index
    %swap3A_95 = tpu.vector_load %arg14[%swap3A_92, %swap3A_93, %swap3A_94] {strides = array<i32>} : memref<2x4x128xi32, #tpu.memory_space<vmem>>, vector<16xi32>,
    tpu.vector_store %arg14[%swap3A_92, %swap3A_93, %swap3A_94], %and3A_90 {strides = array<i32>} : memref<2x4x128xi32, #tpu.memory_space<vmem>>, vector<16xi32>,
    %shift_right_logical3A_96 = arith.constant 13 : i32
    %shift_right_logical3A_97 = vector.broadcast %shift_right_logical3A_96 : i32 to vector<16xi32>
    %shift_right_logical3A_98 = arith.shrui %get3A_87, %shift_right_logical3A_97 : vector<16xi32>
    %and3A_99 = arith.constant 31 : i32
    %and3A_100 = vector.broadcast %and3A_99 : i32 to vector<16xi32>
    %and3A_101 = arith.andi %shift_right_logical3A_98, %and3A_100 : vector<16xi32>
    %swap3A_102 = arith.constant 1 : i32
    %swap3A_103 = arith.index_cast %rem3A_44 : i32 to index
    %swap3A_104 = arith.index_cast %swap3A_102 : i32 to index
    %swap3A_105 = arith.constant 16 : index
    %swap3A_106 = tpu.vector_load %arg14[%swap3A_103, %swap3A_104, %swap3A_105] {strides = array<i32>} : memref<2x4x128xi32, #tpu.memory_space<vmem>>, vector<16xi32>,
    tpu.vector_store %arg14[%swap3A_103, %swap3A_104, %swap3A_105], %and3A_101 {strides = array<i32>} : memref<2x4x128xi32, #tpu.memory_space<vmem>>, vector<16xi32>,
    %shift_right_logical3A_107 = arith.constant 18 : i32
    %shift_right_logical3A_108 = vector.broadcast %shift_right_logical3A_107 : i32 to vector<16xi32>
    %shift_right_logical3A_109 = arith.shrui %get3A_87, %shift_right_logical3A_108 : vector<16xi32>
    %and3A_110 = arith.constant 511 : i32
    %and3A_111 = vector.broadcast %and3A_110 : i32 to vector<16xi32>
    %and3A_112 = arith.andi %shift_right_logical3A_109, %and3A_111 : vector<16xi32>
    %swap3A_113 = arith.constant 2 : i32
    %swap3A_114 = arith.index_cast %rem3A_44 : i32 to index
    %swap3A_115 = arith.index_cast %swap3A_113 : i32 to index
    %swap3A_116 = arith.constant 16 : index
    %swap3A_117 = tpu.vector_load %arg14[%swap3A_114, %swap3A_115, %swap3A_116] {strides = array<i32>} : memref<2x4x128xi32, #tpu.memory_space<vmem>>, vector<16xi32>,
    tpu.vector_store %arg14[%swap3A_114, %swap3A_115, %swap3A_116], %and3A_112 {strides = array<i32>} : memref<2x4x128xi32, #tpu.memory_space<vmem>>, vector<16xi32>,
    %shift_right_logical3A_118 = arith.constant 27 : i32
    %shift_right_logical3A_119 = vector.broadcast %shift_right_logical3A_118 : i32 to vector<16xi32>
    %shift_right_logical3A_120 = arith.shrui %get3A_87, %shift_right_logical3A_119 : vector<16xi32>
    %and3A_121 = arith.constant 31 : i32
    %and3A_122 = vector.broadcast %and3A_121 : i32 to vector<16xi32>
    %and3A_123 = arith.andi %shift_right_logical3A_120, %and3A_122 : vector<16xi32>
    %swap3A_124 = arith.constant 3 : i32
    %swap3A_125 = arith.index_cast %rem3A_44 : i32 to index
    %swap3A_126 = arith.index_cast %swap3A_124 : i32 to index
    %swap3A_127 = arith.constant 16 : index
    %swap3A_128 = tpu.vector_load %arg14[%swap3A_125, %swap3A_126, %swap3A_127] {strides = array<i32>} : memref<2x4x128xi32, #tpu.memory_space<vmem>>, vector<16xi32>,
    tpu.vector_store %arg14[%swap3A_125, %swap3A_126, %swap3A_127], %and3A_123 {strides = array<i32>} : memref<2x4x128xi32, #tpu.memory_space<vmem>>, vector<16xi32>,
    %get3A_129 = arith.index_cast %rem3A_44 : i32 to index
    %get3A_130 = arith.constant 32 : index
    %get3A_131 = tpu.vector_load %arg13[%get3A_129, %get3A_130] {strides = array<i32>} : memref<2x128xi32, #tpu.memory_space<vmem>>, vector<16xi32>,
    %and3A_132 = arith.constant 8191 : i32
    %and3A_133 = vector.broadcast %and3A_132 : i32 to vector<16xi32>
    %and3A_134 = arith.andi %get3A_131, %and3A_133 : vector<16xi32>
    %swap3A_135 = arith.constant 0 : i32
    %swap3A_136 = arith.index_cast %rem3A_44 : i32 to index
    %swap3A_137 = arith.index_cast %swap3A_135 : i32 to index
    %swap3A_138 = arith.constant 32 : index
    %swap3A_139 = tpu.vector_load %arg14[%swap3A_136, %swap3A_137, %swap3A_138] {strides = array<i32>} : memref<2x4x128xi32, #tpu.memory_space<vmem>>, vector<16xi32>,
    tpu.vector_store %arg14[%swap3A_136, %swap3A_137, %swap3A_138], %and3A_134 {strides = array<i32>} : memref<2x4x128xi32, #tpu.memory_space<vmem>>, vector<16xi32>,
    %shift_right_logical3A_140 = arith.constant 13 : i32
    %shift_right_logical3A_141 = vector.broadcast %shift_right_logical3A_140 : i32 to vector<16xi32>
    %shift_right_logical3A_142 = arith.shrui %get3A_131, %shift_right_logical3A_141 : vector<16xi32>
    %and3A_143 = arith.constant 31 : i32
    %and3A_144 = vector.broadcast %and3A_143 : i32 to vector<16xi32>
    %and3A_145 = arith.andi %shift_right_logical3A_142, %and3A_144 : vector<16xi32>
    %swap3A_146 = arith.constant 1 : i32
    %swap3A_147 = arith.index_cast %rem3A_44 : i32 to index
    %swap3A_148 = arith.index_cast %swap3A_146 : i32 to index
    %swap3A_149 = arith.constant 32 : index
    %swap3A_150 = tpu.vector_load %arg14[%swap3A_147, %swap3A_148, %swap3A_149] {strides = array<i32>} : memref<2x4x128xi32, #tpu.memory_space<vmem>>, vector<16xi32>,
    tpu.vector_store %arg14[%swap3A_147, %swap3A_148, %swap3A_149], %and3A_145 {strides = array<i32>} : memref<2x4x128xi32, #tpu.memory_space<vmem>>, vector<16xi32>,
    %shift_right_logical3A_151 = arith.constant 18 : i32
    %shift_right_logical3A_152 = vector.broadcast %shift_right_logical3A_151 : i32 to vector<16xi32>
    %shift_right_logical3A_153 = arith.shrui %get3A_131, %shift_right_logical3A_152 : vector<16xi32>
    %and3A_154 = arith.constant 511 : i32
    %and3A_155 = vector.broadcast %and3A_154 : i32 to vector<16xi32>
    %and3A_156 = arith.andi %shift_right_logical3A_153, %and3A_155 : vector<16xi32>
    %swap3A_157 = arith.constant 2 : i32
    %swap3A_158 = arith.index_cast %rem3A_44 : i32 to index
    %swap3A_159 = arith.index_cast %swap3A_157 : i32 to index
    %swap3A_160 = arith.constant 32 : index
    %swap3A_161 = tpu.vector_load %arg14[%swap3A_158, %swap3A_159, %swap3A_160] {strides = array<i32>} : memref<2x4x128xi32, #tpu.memory_space<vmem>>, vector<16xi32>,
    tpu.vector_store %arg14[%swap3A_158, %swap3A_159, %swap3A_160], %and3A_156 {strides = array<i32>} : memref<2x4x128xi32, #tpu.memory_space<vmem>>, vector<16xi32>,
    %shift_right_logical3A_162 = arith.constant 27 : i32
    %shift_right_logical3A_163 = vector.broadcast %shift_right_logical3A_162 : i32 to vector<16xi32>
    %shift_right_logical3A_164 = arith.shrui %get3A_131, %shift_right_logical3A_163 : vector<16xi32>
    %and3A_165 = arith.constant 31 : i32
    %and3A_166 = vector.broadcast %and3A_165 : i32 to vector<16xi32>
    %and3A_167 = arith.andi %shift_right_logical3A_164, %and3A_166 : vector<16xi32>
    %swap3A_168 = arith.constant 3 : i32
    %swap3A_169 = arith.index_cast %rem3A_44 : i32 to index
    %swap3A_170 = arith.index_cast %swap3A_168 : i32 to index
    %swap3A_171 = arith.constant 32 : index
    %swap3A_172 = tpu.vector_load %arg14[%swap3A_169, %swap3A_170, %swap3A_171] {strides = array<i32>} : memref<2x4x128xi32, #tpu.memory_space<vmem>>, vector<16xi32>,
    tpu.vector_store %arg14[%swap3A_169, %swap3A_170, %swap3A_171], %and3A_167 {strides = array<i32>} : memref<2x4x128xi32, #tpu.memory_space<vmem>>, vector<16xi32>,
    %get3A_173 = arith.index_cast %rem3A_44 : i32 to index
    %get3A_174 = arith.constant 48 : index
    %get3A_175 = tpu.vector_load %arg13[%get3A_173, %get3A_174] {strides = array<i32>} : memref<2x128xi32, #tpu.memory_space<vmem>>, vector<16xi32>,
    %and3A_176 = arith.constant 8191 : i32
    %and3A_177 = vector.broadcast %and3A_176 : i32 to vector<16xi32>
    %and3A_178 = arith.andi %get3A_175, %and3A_177 : vector<16xi32>
    %swap3A_179 = arith.constant 0 : i32
    %swap3A_180 = arith.index_cast %rem3A_44 : i32 to index
    %swap3A_181 = arith.index_cast %swap3A_179 : i32 to index
    %swap3A_182 = arith.constant 48 : index
    %swap3A_183 = tpu.vector_load %arg14[%swap3A_180, %swap3A_181, %swap3A_182] {strides = array<i32>} : memref<2x4x128xi32, #tpu.memory_space<vmem>>, vector<16xi32>,
    tpu.vector_store %arg14[%swap3A_180, %swap3A_181, %swap3A_182], %and3A_178 {strides = array<i32>} : memref<2x4x128xi32, #tpu.memory_space<vmem>>, vector<16xi32>,
    %shift_right_logical3A_184 = arith.constant 13 : i32
    %shift_right_logical3A_185 = vector.broadcast %shift_right_logical3A_184 : i32 to vector<16xi32>
    %shift_right_logical3A_186 = arith.shrui %get3A_175, %shift_right_logical3A_185 : vector<16xi32>
    %and3A_187 = arith.constant 31 : i32
    %and3A_188 = vector.broadcast %and3A_187 : i32 to vector<16xi32>
    %and3A_189 = arith.andi %shift_right_logical3A_186, %and3A_188 : vector<16xi32>
    %swap3A_190 = arith.constant 1 : i32
    %swap3A_191 = arith.index_cast %rem3A_44 : i32 to index
    %swap3A_192 = arith.index_cast %swap3A_190 : i32 to index
    %swap3A_193 = arith.constant 48 : index
    %swap3A_194 = tpu.vector_load %arg14[%swap3A_191, %swap3A_192, %swap3A_193] {strides = array<i32>} : memref<2x4x128xi32, #tpu.memory_space<vmem>>, vector<16xi32>,
    tpu.vector_store %arg14[%swap3A_191, %swap3A_192, %swap3A_193], %and3A_189 {strides = array<i32>} : memref<2x4x128xi32, #tpu.memory_space<vmem>>, vector<16xi32>,
    %shift_right_logical3A_195 = arith.constant 18 : i32
    %shift_right_logical3A_196 = vector.broadcast %shift_right_logical3A_195 : i32 to vector<16xi32>
    %shift_right_logical3A_197 = arith.shrui %get3A_175, %shift_right_logical3A_196 : vector<16xi32>
    %and3A_198 = arith.constant 511 : i32
    %and3A_199 = vector.broadcast %and3A_198 : i32 to vector<16xi32>
    %and3A_200 = arith.andi %shift_right_logical3A_197, %and3A_199 : vector<16xi32>
    %swap3A_201 = arith.constant 2 : i32
    %swap3A_202 = arith.index_cast %rem3A_44 : i32 to index
    %swap3A_203 = arith.index_cast %swap3A_201 : i32 to index
    %swap3A_204 = arith.constant 48 : index
    %swap3A_205 = tpu.vector_load %arg14[%swap3A_202, %swap3A_203, %swap3A_204] {strides = array<i32>} : memref<2x4x128xi32, #tpu.memory_space<vmem>>, vector<16xi32>,
    tpu.vector_store %arg14[%swap3A_202, %swap3A_203, %swap3A_204], %and3A_200 {strides = array<i32>} : memref<2x4x128xi32, #tpu.memory_space<vmem>>, vector<16xi32>,
    %shift_right_logical3A_206 = arith.constant 27 : i32
    %shift_right_logical3A_207 = vector.broadcast %shift_right_logical3A_206 : i32 to vector<16xi32>
    %shift_right_logical3A_208 = arith.shrui %get3A_175, %shift_right_logical3A_207 : vector<16xi32>
    %and3A_209 = arith.constant 31 : i32
    %and3A_210 = vector.broadcast %and3A_209 : i32 to vector<16xi32>
    %and3A_211 = arith.andi %shift_right_logical3A_208, %and3A_210 : vector<16xi32>
    %swap3A_212 = arith.constant 3 : i32
    %swap3A_213 = arith.index_cast %rem3A_44 : i32 to index
    %swap3A_214 = arith.index_cast %swap3A_212 : i32 to index
    %swap3A_215 = arith.constant 48 : index
    %swap3A_216 = tpu.vector_load %arg14[%swap3A_213, %swap3A_214, %swap3A_215] {strides = array<i32>} : memref<2x4x128xi32, #tpu.memory_space<vmem>>, vector<16xi32>,
    tpu.vector_store %arg14[%swap3A_213, %swap3A_214, %swap3A_215], %and3A_211 {strides = array<i32>} : memref<2x4x128xi32, #tpu.memory_space<vmem>>, vector<16xi32>,
    %get3A_217 = arith.index_cast %rem3A_44 : i32 to index
    %get3A_218 = arith.constant 64 : index
    %get3A_219 = tpu.vector_load %arg13[%get3A_217, %get3A_218] {strides = array<i32>} : memref<2x128xi32, #tpu.memory_space<vmem>>, vector<16xi32>,
    %and3A_220 = arith.constant 8191 : i32
    %and3A_221 = vector.broadcast %and3A_220 : i32 to vector<16xi32>
    %and3A_222 = arith.andi %get3A_219, %and3A_221 : vector<16xi32>
    %swap3A_223 = arith.constant 0 : i32
    %swap3A_224 = arith.index_cast %rem3A_44 : i32 to index
    %swap3A_225 = arith.index_cast %swap3A_223 : i32 to index
    %swap3A_226 = arith.constant 64 : index
    %swap3A_227 = tpu.vector_load %arg14[%swap3A_224, %swap3A_225, %swap3A_226] {strides = array<i32>} : memref<2x4x128xi32, #tpu.memory_space<vmem>>, vector<16xi32>,
    tpu.vector_store %arg14[%swap3A_224, %swap3A_225, %swap3A_226], %and3A_222 {strides = array<i32>} : memref<2x4x128xi32, #tpu.memory_space<vmem>>, vector<16xi32>,
    %shift_right_logical3A_228 = arith.constant 13 : i32
    %shift_right_logical3A_229 = vector.broadcast %shift_right_logical3A_228 : i32 to vector<16xi32>
    %shift_right_logical3A_230 = arith.shrui %get3A_219, %shift_right_logical3A_229 : vector<16xi32>
    %and3A_231 = arith.constant 31 : i32
    %and3A_232 = vector.broadcast %and3A_231 : i32 to vector<16xi32>
    %and3A_233 = arith.andi %shift_right_logical3A_230, %and3A_232 : vector<16xi32>
    %swap3A_234 = arith.constant 1 : i32
    %swap3A_235 = arith.index_cast %rem3A_44 : i32 to index
    %swap3A_236 = arith.index_cast %swap3A_234 : i32 to index
    %swap3A_237 = arith.constant 64 : index
    %swap3A_238 = tpu.vector_load %arg14[%swap3A_235, %swap3A_236, %swap3A_237] {strides = array<i32>} : memref<2x4x128xi32, #tpu.memory_space<vmem>>, vector<16xi32>,
    tpu.vector_store %arg14[%swap3A_235, %swap3A_236, %swap3A_237], %and3A_233 {strides = array<i32>} : memref<2x4x128xi32, #tpu.memory_space<vmem>>, vector<16xi32>,
    %shift_right_logical3A_239 = arith.constant 18 : i32
    %shift_right_logical3A_240 = vector.broadcast %shift_right_logical3A_239 : i32 to vector<16xi32>
    %shift_right_logical3A_241 = arith.shrui %get3A_219, %shift_right_logical3A_240 : vector<16xi32>
    %and3A_242 = arith.constant 511 : i32
    %and3A_243 = vector.broadcast %and3A_242 : i32 to vector<16xi32>
    %and3A_244 = arith.andi %shift_right_logical3A_241, %and3A_243 : vector<16xi32>
    %swap3A_245 = arith.constant 2 : i32
    %swap3A_246 = arith.index_cast %rem3A_44 : i32 to index
    %swap3A_247 = arith.index_cast %swap3A_245 : i32 to index
    %swap3A_248 = arith.constant 64 : index
    %swap3A_249 = tpu.vector_load %arg14[%swap3A_246, %swap3A_247, %swap3A_248] {strides = array<i32>} : memref<2x4x128xi32, #tpu.memory_space<vmem>>, vector<16xi32>,
    tpu.vector_store %arg14[%swap3A_246, %swap3A_247, %swap3A_248], %and3A_244 {strides = array<i32>} : memref<2x4x128xi32, #tpu.memory_space<vmem>>, vector<16xi32>,
    %shift_right_logical3A_250 = arith.constant 27 : i32
    %shift_right_logical3A_251 = vector.broadcast %shift_right_logical3A_250 : i32 to vector<16xi32>
    %shift_right_logical3A_252 = arith.shrui %get3A_219, %shift_right_logical3A_251 : vector<16xi32>
    %and3A_253 = arith.constant 31 : i32
    %and3A_254 = vector.broadcast %and3A_253 : i32 to vector<16xi32>
    %and3A_255 = arith.andi %shift_right_logical3A_252, %and3A_254 : vector<16xi32>
    %swap3A_256 = arith.constant 3 : i32
    %swap3A_257 = arith.index_cast %rem3A_44 : i32 to index
    %swap3A_258 = arith.index_cast %swap3A_256 : i32 to index
    %swap3A_259 = arith.constant 64 : index
    %swap3A_260 = tpu.vector_load %arg14[%swap3A_257, %swap3A_258, %swap3A_259] {strides = array<i32>} : memref<2x4x128xi32, #tpu.memory_space<vmem>>, vector<16xi32>,
    tpu.vector_store %arg14[%swap3A_257, %swap3A_258, %swap3A_259], %and3A_255 {strides = array<i32>} : memref<2x4x128xi32, #tpu.memory_space<vmem>>, vector<16xi32>,
    %get3A_261 = arith.index_cast %rem3A_44 : i32 to index
    %get3A_262 = arith.constant 80 : index
    %get3A_263 = tpu.vector_load %arg13[%get3A_261, %get3A_262] {strides = array<i32>} : memref<2x128xi32, #tpu.memory_space<vmem>>, vector<16xi32>,
    %and3A_264 = arith.constant 8191 : i32
    %and3A_265 = vector.broadcast %and3A_264 : i32 to vector<16xi32>
    %and3A_266 = arith.andi %get3A_263, %and3A_265 : vector<16xi32>
    %swap3A_267 = arith.constant 0 : i32
    %swap3A_268 = arith.index_cast %rem3A_44 : i32 to index
    %swap3A_269 = arith.index_cast %swap3A_267 : i32 to index
    %swap3A_270 = arith.constant 80 : index
    %swap3A_271 = tpu.vector_load %arg14[%swap3A_268, %swap3A_269, %swap3A_270] {strides = array<i32>} : memref<2x4x128xi32, #tpu.memory_space<vmem>>, vector<16xi32>,
    tpu.vector_store %arg14[%swap3A_268, %swap3A_269, %swap3A_270], %and3A_266 {strides = array<i32>} : memref<2x4x128xi32, #tpu.memory_space<vmem>>, vector<16xi32>,
    %shift_right_logical3A_272 = arith.constant 13 : i32
    %shift_right_logical3A_273 = vector.broadcast %shift_right_logical3A_272 : i32 to vector<16xi32>
    %shift_right_logical3A_274 = arith.shrui %get3A_263, %shift_right_logical3A_273 : vector<16xi32>
    %and3A_275 = arith.constant 31 : i32
    %and3A_276 = vector.broadcast %and3A_275 : i32 to vector<16xi32>
    %and3A_277 = arith.andi %shift_right_logical3A_274, %and3A_276 : vector<16xi32>
    %swap3A_278 = arith.constant 1 : i32
    %swap3A_279 = arith.index_cast %rem3A_44 : i32 to index
    %swap3A_280 = arith.index_cast %swap3A_278 : i32 to index
    %swap3A_281 = arith.constant 80 : index
    %swap3A_282 = tpu.vector_load %arg14[%swap3A_279, %swap3A_280, %swap3A_281] {strides = array<i32>} : memref<2x4x128xi32, #tpu.memory_space<vmem>>, vector<16xi32>,
    tpu.vector_store %arg14[%swap3A_279, %swap3A_280, %swap3A_281], %and3A_277 {strides = array<i32>} : memref<2x4x128xi32, #tpu.memory_space<vmem>>, vector<16xi32>,
    %shift_right_logical3A_283 = arith.constant 18 : i32
    %shift_right_logical3A_284 = vector.broadcast %shift_right_logical3A_283 : i32 to vector<16xi32>
    %shift_right_logical3A_285 = arith.shrui %get3A_263, %shift_right_logical3A_284 : vector<16xi32>
    %and3A_286 = arith.constant 511 : i32
    %and3A_287 = vector.broadcast %and3A_286 : i32 to vector<16xi32>
    %and3A_288 = arith.andi %shift_right_logical3A_285, %and3A_287 : vector<16xi32>
    %swap3A_289 = arith.constant 2 : i32
    %swap3A_290 = arith.index_cast %rem3A_44 : i32 to index
    %swap3A_291 = arith.index_cast %swap3A_289 : i32 to index
    %swap3A_292 = arith.constant 80 : index
    %swap3A_293 = tpu.vector_load %arg14[%swap3A_290, %swap3A_291, %swap3A_292] {strides = array<i32>} : memref<2x4x128xi32, #tpu.memory_space<vmem>>, vector<16xi32>,
    tpu.vector_store %arg14[%swap3A_290, %swap3A_291, %swap3A_292], %and3A_288 {strides = array<i32>} : memref<2x4x128xi32, #tpu.memory_space<vmem>>, vector<16xi32>,
    %shift_right_logical3A_294 = arith.constant 27 : i32
    %shift_right_logical3A_295 = vector.broadcast %shift_right_logical3A_294 : i32 to vector<16xi32>
    %shift_right_logical3A_296 = arith.shrui %get3A_263, %shift_right_logical3A_295 : vector<16xi32>
    %and3A_297 = arith.constant 31 : i32
    %and3A_298 = vector.broadcast %and3A_297 : i32 to vector<16xi32>
    %and3A_299 = arith.andi %shift_right_logical3A_296, %and3A_298 : vector<16xi32>
    %swap3A_300 = arith.constant 3 : i32
    %swap3A_301 = arith.index_cast %rem3A_44 : i32 to index
    %swap3A_302 = arith.index_cast %swap3A_300 : i32 to index
    %swap3A_303 = arith.constant 80 : index
    %swap3A_304 = tpu.vector_load %arg14[%swap3A_301, %swap3A_302, %swap3A_303] {strides = array<i32>} : memref<2x4x128xi32, #tpu.memory_space<vmem>>, vector<16xi32>,
    tpu.vector_store %arg14[%swap3A_301, %swap3A_302, %swap3A_303], %and3A_299 {strides = array<i32>} : memref<2x4x128xi32, #tpu.memory_space<vmem>>, vector<16xi32>,
    %get3A_305 = arith.index_cast %rem3A_44 : i32 to index
    %get3A_306 = arith.constant 96 : index
    %get3A_307 = tpu.vector_load %arg13[%get3A_305, %get3A_306] {strides = array<i32>} : memref<2x128xi32, #tpu.memory_space<vmem>>, vector<16xi32>,
    %and3A_308 = arith.constant 8191 : i32
    %and3A_309 = vector.broadcast %and3A_308 : i32 to vector<16xi32>
    %and3A_310 = arith.andi %get3A_307, %and3A_309 : vector<16xi32>
    %swap3A_311 = arith.constant 0 : i32
    %swap3A_312 = arith.index_cast %rem3A_44 : i32 to index
    %swap3A_313 = arith.index_cast %swap3A_311 : i32 to index
    %swap3A_314 = arith.constant 96 : index
    %swap3A_315 = tpu.vector_load %arg14[%swap3A_312, %swap3A_313, %swap3A_314] {strides = array<i32>} : memref<2x4x128xi32, #tpu.memory_space<vmem>>, vector<16xi32>,
    tpu.vector_store %arg14[%swap3A_312, %swap3A_313, %swap3A_314], %and3A_310 {strides = array<i32>} : memref<2x4x128xi32, #tpu.memory_space<vmem>>, vector<16xi32>,
    %shift_right_logical3A_316 = arith.constant 13 : i32
    %shift_right_logical3A_317 = vector.broadcast %shift_right_logical3A_316 : i32 to vector<16xi32>
    %shift_right_logical3A_318 = arith.shrui %get3A_307, %shift_right_logical3A_317 : vector<16xi32>
    %and3A_319 = arith.constant 31 : i32
    %and3A_320 = vector.broadcast %and3A_319 : i32 to vector<16xi32>
    %and3A_321 = arith.andi %shift_right_logical3A_318, %and3A_320 : vector<16xi32>
    %swap3A_322 = arith.constant 1 : i32
    %swap3A_323 = arith.index_cast %rem3A_44 : i32 to index
    %swap3A_324 = arith.index_cast %swap3A_322 : i32 to index
    %swap3A_325 = arith.constant 96 : index
    %swap3A_326 = tpu.vector_load %arg14[%swap3A_323, %swap3A_324, %swap3A_325] {strides = array<i32>} : memref<2x4x128xi32, #tpu.memory_space<vmem>>, vector<16xi32>,
    tpu.vector_store %arg14[%swap3A_323, %swap3A_324, %swap3A_325], %and3A_321 {strides = array<i32>} : memref<2x4x128xi32, #tpu.memory_space<vmem>>, vector<16xi32>,
    %shift_right_logical3A_327 = arith.constant 18 : i32
    %shift_right_logical3A_328 = vector.broadcast %shift_right_logical3A_327 : i32 to vector<16xi32>
    %shift_right_logical3A_329 = arith.shrui %get3A_307, %shift_right_logical3A_328 : vector<16xi32>
    %and3A_330 = arith.constant 511 : i32
    %and3A_331 = vector.broadcast %and3A_330 : i32 to vector<16xi32>
    %and3A_332 = arith.andi %shift_right_logical3A_329, %and3A_331 : vector<16xi32>
    %swap3A_333 = arith.constant 2 : i32
    %swap3A_334 = arith.index_cast %rem3A_44 : i32 to index
    %swap3A_335 = arith.index_cast %swap3A_333 : i32 to index
    %swap3A_336 = arith.constant 96 : index
    %swap3A_337 = tpu.vector_load %arg14[%swap3A_334, %swap3A_335, %swap3A_336] {strides = array<i32>} : memref<2x4x128xi32, #tpu.memory_space<vmem>>, vector<16xi32>,
    tpu.vector_store %arg14[%swap3A_334, %swap3A_335, %swap3A_336], %and3A_332 {strides = array<i32>} : memref<2x4x128xi32, #tpu.memory_space<vmem>>, vector<16xi32>,
    %shift_right_logical3A_338 = arith.constant 27 : i32
    %shift_right_logical3A_339 = vector.broadcast %shift_right_logical3A_338 : i32 to vector<16xi32>
    %shift_right_logical3A_340 = arith.shrui %get3A_307, %shift_right_logical3A_339 : vector<16xi32>
    %and3A_341 = arith.constant 31 : i32
    %and3A_342 = vector.broadcast %and3A_341 : i32 to vector<16xi32>
    %and3A_343 = arith.andi %shift_right_logical3A_340, %and3A_342 : vector<16xi32>
    %swap3A_344 = arith.constant 3 : i32
    %swap3A_345 = arith.index_cast %rem3A_44 : i32 to index
    %swap3A_346 = arith.index_cast %swap3A_344 : i32 to index
    %swap3A_347 = arith.constant 96 : index
    %swap3A_348 = tpu.vector_load %arg14[%swap3A_345, %swap3A_346, %swap3A_347] {strides = array<i32>} : memref<2x4x128xi32, #tpu.memory_space<vmem>>, vector<16xi32>,
    tpu.vector_store %arg14[%swap3A_345, %swap3A_346, %swap3A_347], %and3A_343 {strides = array<i32>} : memref<2x4x128xi32, #tpu.memory_space<vmem>>, vector<16xi32>,
    %get3A_349 = arith.index_cast %rem3A_44 : i32 to index
    %get3A_350 = arith.constant 112 : index
    %get3A_351 = tpu.vector_load %arg13[%get3A_349, %get3A_350] {strides = array<i32>} : memref<2x128xi32, #tpu.memory_space<vmem>>, vector<16xi32>,
    %and3A_352 = arith.constant 8191 : i32
    %and3A_353 = vector.broadcast %and3A_352 : i32 to vector<16xi32>
    %and3A_354 = arith.andi %get3A_351, %and3A_353 : vector<16xi32>
    %swap3A_355 = arith.constant 0 : i32
    %swap3A_356 = arith.index_cast %rem3A_44 : i32 to index
    %swap3A_357 = arith.index_cast %swap3A_355 : i32 to index
    %swap3A_358 = arith.constant 112 : index
    %swap3A_359 = tpu.vector_load %arg14[%swap3A_356, %swap3A_357, %swap3A_358] {strides = array<i32>} : memref<2x4x128xi32, #tpu.memory_space<vmem>>, vector<16xi32>,
    tpu.vector_store %arg14[%swap3A_356, %swap3A_357, %swap3A_358], %and3A_354 {strides = array<i32>} : memref<2x4x128xi32, #tpu.memory_space<vmem>>, vector<16xi32>,
    %shift_right_logical3A_360 = arith.constant 13 : i32
    %shift_right_logical3A_361 = vector.broadcast %shift_right_logical3A_360 : i32 to vector<16xi32>
    %shift_right_logical3A_362 = arith.shrui %get3A_351, %shift_right_logical3A_361 : vector<16xi32>
    %and3A_363 = arith.constant 31 : i32
    %and3A_364 = vector.broadcast %and3A_363 : i32 to vector<16xi32>
    %and3A_365 = arith.andi %shift_right_logical3A_362, %and3A_364 : vector<16xi32>
    %swap3A_366 = arith.constant 1 : i32
    %swap3A_367 = arith.index_cast %rem3A_44 : i32 to index
    %swap3A_368 = arith.index_cast %swap3A_366 : i32 to index
    %swap3A_369 = arith.constant 112 : index
    %swap3A_370 = tpu.vector_load %arg14[%swap3A_367, %swap3A_368, %swap3A_369] {strides = array<i32>} : memref<2x4x128xi32, #tpu.memory_space<vmem>>, vector<16xi32>,
    tpu.vector_store %arg14[%swap3A_367, %swap3A_368, %swap3A_369], %and3A_365 {strides = array<i32>} : memref<2x4x128xi32, #tpu.memory_space<vmem>>, vector<16xi32>,
    %shift_right_logical3A_371 = arith.constant 18 : i32
    %shift_right_logical3A_372 = vector.broadcast %shift_right_logical3A_371 : i32 to vector<16xi32>
    %shift_right_logical3A_373 = arith.shrui %get3A_351, %shift_right_logical3A_372 : vector<16xi32>
    %and3A_374 = arith.constant 511 : i32
    %and3A_375 = vector.broadcast %and3A_374 : i32 to vector<16xi32>
    %and3A_376 = arith.andi %shift_right_logical3A_373, %and3A_375 : vector<16xi32>
    %swap3A_377 = arith.constant 2 : i32
    %swap3A_378 = arith.index_cast %rem3A_44 : i32 to index
    %swap3A_379 = arith.index_cast %swap3A_377 : i32 to index
    %swap3A_380 = arith.constant 112 : index
    %swap3A_381 = tpu.vector_load %arg14[%swap3A_378, %swap3A_379, %swap3A_380] {strides = array<i32>} : memref<2x4x128xi32, #tpu.memory_space<vmem>>, vector<16xi32>,
    tpu.vector_store %arg14[%swap3A_378, %swap3A_379, %swap3A_380], %and3A_376 {strides = array<i32>} : memref<2x4x128xi32, #tpu.memory_space<vmem>>, vector<16xi32>,
    %shift_right_logical3A_382 = arith.constant 27 : i32
    %shift_right_logical3A_383 = vector.broadcast %shift_right_logical3A_382 : i32 to vector<16xi32>
    %shift_right_logical3A_384 = arith.shrui %get3A_351, %shift_right_logical3A_383 : vector<16xi32>
    %and3A_385 = arith.constant 31 : i32
    %and3A_386 = vector.broadcast %and3A_385 : i32 to vector<16xi32>
    %and3A_387 = arith.andi %shift_right_logical3A_384, %and3A_386 : vector<16xi32>
    %swap3A_388 = arith.constant 3 : i32
    %swap3A_389 = arith.index_cast %rem3A_44 : i32 to index
    %swap3A_390 = arith.index_cast %swap3A_388 : i32 to index
    %swap3A_391 = arith.constant 112 : index
    %swap3A_392 = tpu.vector_load %arg14[%swap3A_389, %swap3A_390, %swap3A_391] {strides = array<i32>} : memref<2x4x128xi32, #tpu.memory_space<vmem>>, vector<16xi32>,
    tpu.vector_store %arg14[%swap3A_389, %swap3A_390, %swap3A_391], %and3A_387 {strides = array<i32>} : memref<2x4x128xi32, #tpu.memory_space<vmem>>, vector<16xi32>,
    %rem3A_393 = arith.constant 0 : i32
    %rem3A_394 = arith.constant 2 : i32
    %rem3A_395 = arith.remsi %rem3A_393, %rem3A_394 : i32
    %dma_start3A_396 = arith.constant 0 : i32
    %dma_start3A_397 = arith.constant 0 : i32
    %dma_start3A_398 = arith.constant 0 : i32
    %dma_start3A_399 = tpu.memref_slice %arg15[%rem3A_395, %dma_start3A_397, %dma_start3A_398] : memref<2x128x64xf32, #tpu.memory_space<vmem>> -> memref<1x128x64xf32, #tpu.memory_space<vmem>>
    %dma_start3A_400 = tpu.memref_squeeze %dma_start3A_399 : memref<1x128x64xf32, #tpu.memory_space<vmem>> -> memref<128x64xf32, #tpu.memory_space<vmem>>
    %dma_start3A_401 = arith.constant 0 : i32
    %dma_start3A_402 = tpu.memref_slice %arg14[%rem3A_395, %dma_start3A_396, %dma_start3A_401] : memref<2x4x128xi32, #tpu.memory_space<vmem>> -> memref<1x1x128xi32, #tpu.memory_space<vmem>>
    %dma_start3A_403 = tpu.memref_squeeze %dma_start3A_402 : memref<1x1x128xi32, #tpu.memory_space<vmem>> -> memref<128xi32, #tpu.memory_space<vmem>>
    %dma_start3A_404 = arith.constant 0 : i32
    %dma_start3A_405 = arith.constant 0 : i32
    %dma_start3A_406 = tpu.memref_slice %arg4[%dma_start3A_404, %dma_start3A_405] : memref<5000x64xf32, #tpu.memory_space<hbm>> -> memref<5000x64xf32, #tpu.memory_space<hbm>>
    %dma_start3A_407 = tpu.memref_slice %arg21[%rem3A_395] : memref<2x!tpu.dma_semaphore, #tpu.memory_space<semaphore_mem>> -> memref<1x!tpu.dma_semaphore, #tpu.memory_space<semaphore_mem>>
    %dma_start3A_408 = tpu.memref_squeeze %dma_start3A_407 : memref<1x!tpu.dma_semaphore, #tpu.memory_space<semaphore_mem>> -> memref<!tpu.dma_semaphore, #tpu.memory_space<semaphore_mem>>
    tpu.enqueue_indirect_dma source(%dma_start3A_406 : memref<5000x64xf32, #tpu.memory_space<hbm>>) target(%dma_start3A_400 : memref<128x64xf32, #tpu.memory_space<vmem>>) offsets(%dma_start3A_403 : memref<128xi32, #tpu.memory_space<vmem>>) semaphore(%dma_start3A_408 : memref<!tpu.dma_semaphore, #tpu.memory_space<semaphore_mem>>)
    %rem3A_409 = arith.constant 0 : i32
    %rem3A_410 = arith.constant 2 : i32
    %rem3A_411 = arith.remsi %rem3A_409, %rem3A_410 : i32
    %parallel_loop3A = arith.constant 0 : i32
    %parallel_loop3A_412 = arith.constant 512 : i32
    %parallel_loop3A_413 = arith.constant 1 : i32
    %parallel_loop3A_414 = arith.constant 0 : i32
    scf.for %parallel_loop3A_494 = %parallel_loop3A to %parallel_loop3A_412 step %parallel_loop3A_413  : i32 {
      %parallel_loop3A_495 = arith.constant 6 : i32
      %parallel_loop3A_496 = arith.shrui %parallel_loop3A_494, %parallel_loop3A_495 : i32
      %parallel_loop3A_497 = arith.constant 63 : i32
      %parallel_loop3A_498 = arith.andi %parallel_loop3A_494, %parallel_loop3A_497 : i32
      %parallel_loop3A_499 = arith.constant 16 : i32
      %parallel_loop3A_500 = arith.muli %parallel_loop3A_496, %parallel_loop3A_499 : i32
      %parallel_loop3A_501 = arith.constant 1 : i32
      %parallel_loop3A_502 = arith.index_cast %rem3A_411 : i32 to index
      %parallel_loop3A_503 = arith.index_cast %parallel_loop3A_501 : i32 to index
      %parallel_loop3A_504 = arith.index_cast %parallel_loop3A_500 : i32 to index
      %parallel_loop3A_505 = tpu.vector_load %arg14[%parallel_loop3A_502, %parallel_loop3A_503, %parallel_loop3A_504] {strides = array<i32>} : memref<2x4x128xi32, #tpu.memory_space<vmem>>, vector<16xi32>,
      %parallel_loop3A_506 = arith.constant 0 : i32
      %parallel_loop3A_507 = vector.broadcast %parallel_loop3A_506 : i32 to vector<16xi32>
      %parallel_loop3A_508 = vector.broadcast %parallel_loop3A_498 : i32 to vector<16xi32>
      %parallel_loop3A_509 = arith.addi %parallel_loop3A_507, %parallel_loop3A_508 : vector<16xi32>
      %parallel_loop3A_510 = tpu.vector_load_idx %arg17[%parallel_loop3A_505, %parallel_loop3A_509] : memref<30x65xf32, #tpu.memory_space<vmem>>[vector<16xi32>, vector<16xi32>], vector<16xf32>,
      %parallel_loop3A_511 = arith.constant 16 : i32
      %parallel_loop3A_512 = arith.muli %parallel_loop3A_496, %parallel_loop3A_511 : i32
      %parallel_loop3A_513 = arith.constant 0 : i32
      %parallel_loop3A_514 = arith.constant 0 : i32
      %parallel_loop3A_515 = tpu.memref_slice %arg16[%rem3A_411, %parallel_loop3A_414, %parallel_loop3A_513, %parallel_loop3A_514] : memref<2x3x64x128xf32, #tpu.memory_space<vmem>> -> memref<1x1x64x128xf32, #tpu.memory_space<vmem>>
      %parallel_loop3A_516 = tpu.memref_squeeze %parallel_loop3A_515 : memref<1x1x64x128xf32, #tpu.memory_space<vmem>> -> memref<64x128xf32, #tpu.memory_space<vmem>>
      %parallel_loop3A_517 = arith.index_cast %parallel_loop3A_498 : i32 to index
      %parallel_loop3A_518 = arith.index_cast %parallel_loop3A_512 : i32 to index
      %parallel_loop3A_519 = tpu.vector_load %parallel_loop3A_516[%parallel_loop3A_517, %parallel_loop3A_518] {strides = array<i32>} : memref<64x128xf32, #tpu.memory_space<vmem>>, vector<16xf32>,
      tpu.vector_store %parallel_loop3A_516[%parallel_loop3A_517, %parallel_loop3A_518], %parallel_loop3A_510 {strides = array<i32>} : memref<64x128xf32, #tpu.memory_space<vmem>>, vector<16xf32>,
    } {sc.loop_unroll_factor = 8 : i64, sc.parallel_access}
    %parallel_loop3A_415 = arith.constant 0 : i32
    %parallel_loop3A_416 = arith.constant 512 : i32
    %parallel_loop3A_417 = arith.constant 1 : i32
    %parallel_loop3A_418 = arith.constant 1 : i32
    scf.for %parallel_loop3A_494 = %parallel_loop3A_415 to %parallel_loop3A_416 step %parallel_loop3A_417  : i32 {
      %parallel_loop3A_495 = arith.constant 6 : i32
      %parallel_loop3A_496 = arith.shrui %parallel_loop3A_494, %parallel_loop3A_495 : i32
      %parallel_loop3A_497 = arith.constant 63 : i32
      %parallel_loop3A_498 = arith.andi %parallel_loop3A_494, %parallel_loop3A_497 : i32
      %parallel_loop3A_499 = arith.constant 16 : i32
      %parallel_loop3A_500 = arith.muli %parallel_loop3A_496, %parallel_loop3A_499 : i32
      %parallel_loop3A_501 = arith.constant 2 : i32
      %parallel_loop3A_502 = arith.index_cast %rem3A_411 : i32 to index
      %parallel_loop3A_503 = arith.index_cast %parallel_loop3A_501 : i32 to index
      %parallel_loop3A_504 = arith.index_cast %parallel_loop3A_500 : i32 to index
      %parallel_loop3A_505 = tpu.vector_load %arg14[%parallel_loop3A_502, %parallel_loop3A_503, %parallel_loop3A_504] {strides = array<i32>} : memref<2x4x128xi32, #tpu.memory_space<vmem>>, vector<16xi32>,
      %parallel_loop3A_506 = arith.constant 0 : i32
      %parallel_loop3A_507 = vector.broadcast %parallel_loop3A_506 : i32 to vector<16xi32>
      %parallel_loop3A_508 = vector.broadcast %parallel_loop3A_498 : i32 to vector<16xi32>
      %parallel_loop3A_509 = arith.addi %parallel_loop3A_507, %parallel_loop3A_508 : vector<16xi32>
      %parallel_loop3A_510 = tpu.vector_load_idx %arg18[%parallel_loop3A_505, %parallel_loop3A_509] : memref<300x65xf32, #tpu.memory_space<vmem>>[vector<16xi32>, vector<16xi32>], vector<16xf32>,
      %parallel_loop3A_511 = arith.constant 16 : i32
      %parallel_loop3A_512 = arith.muli %parallel_loop3A_496, %parallel_loop3A_511 : i32
      %parallel_loop3A_513 = arith.constant 0 : i32
      %parallel_loop3A_514 = arith.constant 0 : i32
      %parallel_loop3A_515 = tpu.memref_slice %arg16[%rem3A_411, %parallel_loop3A_418, %parallel_loop3A_513, %parallel_loop3A_514] : memref<2x3x64x128xf32, #tpu.memory_space<vmem>> -> memref<1x1x64x128xf32, #tpu.memory_space<vmem>>
      %parallel_loop3A_516 = tpu.memref_squeeze %parallel_loop3A_515 : memref<1x1x64x128xf32, #tpu.memory_space<vmem>> -> memref<64x128xf32, #tpu.memory_space<vmem>>
      %parallel_loop3A_517 = arith.index_cast %parallel_loop3A_498 : i32 to index
      %parallel_loop3A_518 = arith.index_cast %parallel_loop3A_512 : i32 to index
      %parallel_loop3A_519 = tpu.vector_load %parallel_loop3A_516[%parallel_loop3A_517, %parallel_loop3A_518] {strides = array<i32>} : memref<64x128xf32, #tpu.memory_space<vmem>>, vector<16xf32>,
      tpu.vector_store %parallel_loop3A_516[%parallel_loop3A_517, %parallel_loop3A_518], %parallel_loop3A_510 {strides = array<i32>} : memref<64x128xf32, #tpu.memory_space<vmem>>, vector<16xf32>,
    } {sc.loop_unroll_factor = 8 : i64, sc.parallel_access}
    %parallel_loop3A_419 = arith.constant 0 : i32
    %parallel_loop3A_420 = arith.constant 512 : i32
    %parallel_loop3A_421 = arith.constant 1 : i32
    %parallel_loop3A_422 = arith.constant 2 : i32
    scf.for %parallel_loop3A_494 = %parallel_loop3A_419 to %parallel_loop3A_420 step %parallel_loop3A_421  : i32 {
      %parallel_loop3A_495 = arith.constant 6 : i32
      %parallel_loop3A_496 = arith.shrui %parallel_loop3A_494, %parallel_loop3A_495 : i32
      %parallel_loop3A_497 = arith.constant 63 : i32
      %parallel_loop3A_498 = arith.andi %parallel_loop3A_494, %parallel_loop3A_497 : i32
      %parallel_loop3A_499 = arith.constant 16 : i32
      %parallel_loop3A_500 = arith.muli %parallel_loop3A_496, %parallel_loop3A_499 : i32
      %parallel_loop3A_501 = arith.constant 3 : i32
      %parallel_loop3A_502 = arith.index_cast %rem3A_411 : i32 to index
      %parallel_loop3A_503 = arith.index_cast %parallel_loop3A_501 : i32 to index
      %parallel_loop3A_504 = arith.index_cast %parallel_loop3A_500 : i32 to index
      %parallel_loop3A_505 = tpu.vector_load %arg14[%parallel_loop3A_502, %parallel_loop3A_503, %parallel_loop3A_504] {strides = array<i32>} : memref<2x4x128xi32, #tpu.memory_space<vmem>>, vector<16xi32>,
      %parallel_loop3A_506 = arith.constant 0 : i32
      %parallel_loop3A_507 = vector.broadcast %parallel_loop3A_506 : i32 to vector<16xi32>
      %parallel_loop3A_508 = vector.broadcast %parallel_loop3A_498 : i32 to vector<16xi32>
      %parallel_loop3A_509 = arith.addi %parallel_loop3A_507, %parallel_loop3A_508 : vector<16xi32>
      %parallel_loop3A_510 = tpu.vector_load_idx %arg19[%parallel_loop3A_505, %parallel_loop3A_509] : memref<5x65xf32, #tpu.memory_space<vmem>>[vector<16xi32>, vector<16xi32>], vector<16xf32>,
      %parallel_loop3A_511 = arith.constant 16 : i32
      %parallel_loop3A_512 = arith.muli %parallel_loop3A_496, %parallel_loop3A_511 : i32
      %parallel_loop3A_513 = arith.constant 0 : i32
      %parallel_loop3A_514 = arith.constant 0 : i32
      %parallel_loop3A_515 = tpu.memref_slice %arg16[%rem3A_411, %parallel_loop3A_422, %parallel_loop3A_513, %parallel_loop3A_514] : memref<2x3x64x128xf32, #tpu.memory_space<vmem>> -> memref<1x1x64x128xf32, #tpu.memory_space<vmem>>
      %parallel_loop3A_516 = tpu.memref_squeeze %parallel_loop3A_515 : memref<1x1x64x128xf32, #tpu.memory_space<vmem>> -> memref<64x128xf32, #tpu.memory_space<vmem>>
      %parallel_loop3A_517 = arith.index_cast %parallel_loop3A_498 : i32 to index
      %parallel_loop3A_518 = arith.index_cast %parallel_loop3A_512 : i32 to index
      %parallel_loop3A_519 = tpu.vector_load %parallel_loop3A_516[%parallel_loop3A_517, %parallel_loop3A_518] {strides = array<i32>} : memref<64x128xf32, #tpu.memory_space<vmem>>, vector<16xf32>,
      tpu.vector_store %parallel_loop3A_516[%parallel_loop3A_517, %parallel_loop3A_518], %parallel_loop3A_510 {strides = array<i32>} : memref<64x128xf32, #tpu.memory_space<vmem>>, vector<16xf32>,
    } {sc.loop_unroll_factor = 8 : i64, sc.parallel_access}
    %scan3A = arith.constant 0 : i32
    %scan3A_423 = arith.constant 0 : i32
    %scan3A_424 = arith.constant 50 : i32
    %scan3A_425 = arith.addi %scan3A_423, %scan3A_424 : i32
    %scan3A_426 = arith.constant 1 : i32
    scf.for %scan3A_494 = %scan3A_423 to %scan3A_425 step %scan3A_426  : i32 {
      %add3A_495 = arith.constant 2 : i32
      %add3A_496 = arith.addi %scan3A_494, %add3A_495 : i32
      %lt3A = arith.constant 50 : i32
      %lt3A_497 = arith.cmpi slt, %add3A_496, %lt3A : i32
      %convert_element_type3A = arith.extui %lt3A_497 : i1 to i32
      %cond3A = arith.constant 0 : i32
      %cond3A_498 = arith.cmpi ne, %convert_element_type3A, %cond3A : i32
      scf.if %cond3A_498 {
        %add3A_586 = arith.constant 2 : i32
        %add3A_587 = arith.addi %scan3A_494, %add3A_586 : i32
        %rem3A_588 = arith.constant 2 : i32
        %rem3A_589 = arith.remsi %add3A_587, %rem3A_588 : i32
        %dma_start3A_590 = arith.constant 0 : i32
        %dma_start3A_591 = tpu.memref_slice %arg13[%rem3A_589, %dma_start3A_590] : memref<2x128xi32, #tpu.memory_space<vmem>> -> memref<1x128xi32, #tpu.memory_space<vmem>>
        %dma_start3A_592 = tpu.memref_squeeze %dma_start3A_591 : memref<1x128xi32, #tpu.memory_space<vmem>> -> memref<128xi32, #tpu.memory_space<vmem>>
        %dma_start3A_593 = arith.constant 0 : i32
        %dma_start3A_594 = tpu.memref_slice %arg12[%add3A_587, %dma_start3A_593] : memref<50x128xi32, #tpu.memory_space<vmem>> -> memref<1x128xi32, #tpu.memory_space<vmem>>
        %dma_start3A_595 = tpu.memref_squeeze %dma_start3A_594 : memref<1x128xi32, #tpu.memory_space<vmem>> -> memref<128xi32, #tpu.memory_space<vmem>>
        %dma_start3A_596 = arith.constant 0 : i32
        %dma_start3A_597 = tpu.memref_slice %arg3[%dma_start3A_596] : memref<1000000xi32, #tpu.memory_space<hbm>> -> memref<1000000xi32, #tpu.memory_space<hbm>>
        %dma_start3A_598 = tpu.memref_slice %arg20[%rem3A_589] : memref<2x!tpu.dma_semaphore, #tpu.memory_space<semaphore_mem>> -> memref<1x!tpu.dma_semaphore, #tpu.memory_space<semaphore_mem>>
        %dma_start3A_599 = tpu.memref_squeeze %dma_start3A_598 : memref<1x!tpu.dma_semaphore, #tpu.memory_space<semaphore_mem>> -> memref<!tpu.dma_semaphore, #tpu.memory_space<semaphore_mem>>
        tpu.enqueue_indirect_dma source(%dma_start3A_597 : memref<1000000xi32, #tpu.memory_space<hbm>>) target(%dma_start3A_592 : memref<128xi32, #tpu.memory_space<vmem>>) offsets(%dma_start3A_595 : memref<128xi32, #tpu.memory_space<vmem>>) semaphore(%dma_start3A_599 : memref<!tpu.dma_semaphore, #tpu.memory_space<semaphore_mem>>)
      } else {
      }
      %ge3A = arith.constant 1 : i32
      %ge3A_499 = arith.cmpi sge, %scan3A_494, %ge3A : i32
      %convert_element_type3A_500 = arith.extui %ge3A_499 : i1 to i32
      %cond3A_501 = arith.constant 0 : i32
      %cond3A_502 = arith.cmpi ne, %convert_element_type3A_500, %cond3A_501 : i32
      scf.if %cond3A_502 {
        "tpu.trace_start"() <{level = 10 : i32, message = "p_storewait"}> : () -> ()
        %sub3A = arith.constant 1 : i32
        %sub3A_586 = arith.subi %scan3A_494, %sub3A : i32
        %rem3A_587 = arith.constant 2 : i32
        %rem3A_588 = arith.remsi %sub3A_586, %rem3A_587 : i32
        %dma_wait3A_589 = arith.constant 0 : i32
        %dma_wait3A_590 = arith.constant 0 : i32
        %dma_wait3A_591 = tpu.memref_slice %arg15[%rem3A_588, %dma_wait3A_589, %dma_wait3A_590] : memref<2x128x64xf32, #tpu.memory_space<vmem>> -> memref<1x128x64xf32, #tpu.memory_space<vmem>>
        %dma_wait3A_592 = tpu.memref_squeeze %dma_wait3A_591 : memref<1x128x64xf32, #tpu.memory_space<vmem>> -> memref<128x64xf32, #tpu.memory_space<vmem>>
        %dma_wait3A_593 = arith.constant 0 : i32
        %dma_wait3A_594 = tpu.memref_slice %arg8[%sub3A_586, %mul3A_2, %dma_wait3A_593] : memref<50x4096x64xf32, #tpu.memory_space<hbm>> -> memref<1x128x64xf32, #tpu.memory_space<hbm>>
        %dma_wait3A_595 = tpu.memref_squeeze %dma_wait3A_594 : memref<1x128x64xf32, #tpu.memory_space<hbm>> -> memref<128x64xf32, #tpu.memory_space<hbm>>
        %dma_wait3A_596 = arith.constant 0 : i32
        %dma_wait3A_597 = tpu.memref_slice %arg8[%sub3A_586, %mul3A_2, %dma_wait3A_596] : memref<50x4096x64xf32, #tpu.memory_space<hbm>> -> memref<1x128x64xf32, #tpu.memory_space<hbm>>
        %dma_wait3A_598 = tpu.memref_squeeze %dma_wait3A_597 : memref<1x128x64xf32, #tpu.memory_space<hbm>> -> memref<128x64xf32, #tpu.memory_space<hbm>>
        %dma_wait3A_599 = arith.constant 0 : i32
        %dma_wait3A_600 = arith.constant 0 : i32
        %dma_wait3A_601 = tpu.memref_slice %arg15[%rem3A_588, %dma_wait3A_599, %dma_wait3A_600] : memref<2x128x64xf32, #tpu.memory_space<vmem>> -> memref<1x128x64xf32, #tpu.memory_space<vmem>>
        %dma_wait3A_602 = tpu.memref_squeeze %dma_wait3A_601 : memref<1x128x64xf32, #tpu.memory_space<vmem>> -> memref<128x64xf32, #tpu.memory_space<vmem>>
        tpu.wait_dma2 semaphore(%arg22 : memref<!tpu.dma_semaphore, #tpu.memory_space<semaphore_mem>>) src(%dma_wait3A_602 : memref<128x64xf32, #tpu.memory_space<vmem>>) dst(%dma_wait3A_598 : memref<128x64xf32, #tpu.memory_space<hbm>>)
        %dma_wait3A_603 = arith.constant 0 : i32
        %dma_wait3A_604 = arith.constant 0 : i32
        %dma_wait3A_605 = arith.constant 0 : i32
        %dma_wait3A_606 = tpu.memref_slice %arg16[%rem3A_588, %dma_wait3A_603, %dma_wait3A_604, %dma_wait3A_605] : memref<2x3x64x128xf32, #tpu.memory_space<vmem>> -> memref<1x1x64x128xf32, #tpu.memory_space<vmem>>
        %dma_wait3A_607 = tpu.memref_squeeze %dma_wait3A_606 : memref<1x1x64x128xf32, #tpu.memory_space<vmem>> -> memref<64x128xf32, #tpu.memory_space<vmem>>
        %dma_wait3A_608 = arith.constant 0 : i32
        %dma_wait3A_609 = tpu.memref_slice %arg9[%sub3A_586, %dma_wait3A_608, %mul3A_2] : memref<50x64x4096xf32, #tpu.memory_space<hbm>> -> memref<1x64x128xf32, #tpu.memory_space<hbm>>
        %dma_wait3A_610 = tpu.memref_squeeze %dma_wait3A_609 : memref<1x64x128xf32, #tpu.memory_space<hbm>> -> memref<64x128xf32, #tpu.memory_space<hbm>>
        %dma_wait3A_611 = arith.constant 0 : i32
        %dma_wait3A_612 = tpu.memref_slice %arg9[%sub3A_586, %dma_wait3A_611, %mul3A_2] : memref<50x64x4096xf32, #tpu.memory_space<hbm>> -> memref<1x64x128xf32, #tpu.memory_space<hbm>>
        %dma_wait3A_613 = tpu.memref_squeeze %dma_wait3A_612 : memref<1x64x128xf32, #tpu.memory_space<hbm>> -> memref<64x128xf32, #tpu.memory_space<hbm>>
        %dma_wait3A_614 = arith.constant 0 : i32
        %dma_wait3A_615 = arith.constant 0 : i32
        %dma_wait3A_616 = tpu.memref_slice %arg16[%rem3A_588, %dma_wait3A_603, %dma_wait3A_614, %dma_wait3A_615] : memref<2x3x64x128xf32, #tpu.memory_space<vmem>> -> memref<1x1x64x128xf32, #tpu.memory_space<vmem>>
        %dma_wait3A_617 = tpu.memref_squeeze %dma_wait3A_616 : memref<1x1x64x128xf32, #tpu.memory_space<vmem>> -> memref<64x128xf32, #tpu.memory_space<vmem>>
        tpu.wait_dma2 semaphore(%arg22 : memref<!tpu.dma_semaphore, #tpu.memory_space<semaphore_mem>>) src(%dma_wait3A_617 : memref<64x128xf32, #tpu.memory_space<vmem>>) dst(%dma_wait3A_613 : memref<64x128xf32, #tpu.memory_space<hbm>>)
        %dma_wait3A_618 = arith.constant 1 : i32
        %dma_wait3A_619 = arith.constant 0 : i32
        %dma_wait3A_620 = arith.constant 0 : i32
        %dma_wait3A_621 = tpu.memref_slice %arg16[%rem3A_588, %dma_wait3A_618, %dma_wait3A_619, %dma_wait3A_620] : memref<2x3x64x128xf32, #tpu.memory_space<vmem>> -> memref<1x1x64x128xf32, #tpu.memory_space<vmem>>
        %dma_wait3A_622 = tpu.memref_squeeze %dma_wait3A_621 : memref<1x1x64x128xf32, #tpu.memory_space<vmem>> -> memref<64x128xf32, #tpu.memory_space<vmem>>
        %dma_wait3A_623 = arith.constant 0 : i32
        %dma_wait3A_624 = tpu.memref_slice %arg10[%sub3A_586, %dma_wait3A_623, %mul3A_2] : memref<50x64x4096xf32, #tpu.memory_space<hbm>> -> memref<1x64x128xf32, #tpu.memory_space<hbm>>
        %dma_wait3A_625 = tpu.memref_squeeze %dma_wait3A_624 : memref<1x64x128xf32, #tpu.memory_space<hbm>> -> memref<64x128xf32, #tpu.memory_space<hbm>>
        %dma_wait3A_626 = arith.constant 0 : i32
        %dma_wait3A_627 = tpu.memref_slice %arg10[%sub3A_586, %dma_wait3A_626, %mul3A_2] : memref<50x64x4096xf32, #tpu.memory_space<hbm>> -> memref<1x64x128xf32, #tpu.memory_space<hbm>>
        %dma_wait3A_628 = tpu.memref_squeeze %dma_wait3A_627 : memref<1x64x128xf32, #tpu.memory_space<hbm>> -> memref<64x128xf32, #tpu.memory_space<hbm>>
        %dma_wait3A_629 = arith.constant 0 : i32
        %dma_wait3A_630 = arith.constant 0 : i32
        %dma_wait3A_631 = tpu.memref_slice %arg16[%rem3A_588, %dma_wait3A_618, %dma_wait3A_629, %dma_wait3A_630] : memref<2x3x64x128xf32, #tpu.memory_space<vmem>> -> memref<1x1x64x128xf32, #tpu.memory_space<vmem>>
        %dma_wait3A_632 = tpu.memref_squeeze %dma_wait3A_631 : memref<1x1x64x128xf32, #tpu.memory_space<vmem>> -> memref<64x128xf32, #tpu.memory_space<vmem>>
        tpu.wait_dma2 semaphore(%arg22 : memref<!tpu.dma_semaphore, #tpu.memory_space<semaphore_mem>>) src(%dma_wait3A_632 : memref<64x128xf32, #tpu.memory_space<vmem>>) dst(%dma_wait3A_628 : memref<64x128xf32, #tpu.memory_space<hbm>>)
        %dma_wait3A_633 = arith.constant 2 : i32
        %dma_wait3A_634 = arith.constant 0 : i32
        %dma_wait3A_635 = arith.constant 0 : i32
        %dma_wait3A_636 = tpu.memref_slice %arg16[%rem3A_588, %dma_wait3A_633, %dma_wait3A_634, %dma_wait3A_635] : memref<2x3x64x128xf32, #tpu.memory_space<vmem>> -> memref<1x1x64x128xf32, #tpu.memory_space<vmem>>
        %dma_wait3A_637 = tpu.memref_squeeze %dma_wait3A_636 : memref<1x1x64x128xf32, #tpu.memory_space<vmem>> -> memref<64x128xf32, #tpu.memory_space<vmem>>
        %dma_wait3A_638 = arith.constant 0 : i32
        %dma_wait3A_639 = tpu.memref_slice %arg11[%sub3A_586, %dma_wait3A_638, %mul3A_2] : memref<50x64x4096xf32, #tpu.memory_space<hbm>> -> memref<1x64x128xf32, #tpu.memory_space<hbm>>
        %dma_wait3A_640 = tpu.memref_squeeze %dma_wait3A_639 : memref<1x64x128xf32, #tpu.memory_space<hbm>> -> memref<64x128xf32, #tpu.memory_space<hbm>>
        %dma_wait3A_641 = arith.constant 0 : i32
        %dma_wait3A_642 = tpu.memref_slice %arg11[%sub3A_586, %dma_wait3A_641, %mul3A_2] : memref<50x64x4096xf32, #tpu.memory_space<hbm>> -> memref<1x64x128xf32, #tpu.memory_space<hbm>>
        %dma_wait3A_643 = tpu.memref_squeeze %dma_wait3A_642 : memref<1x64x128xf32, #tpu.memory_space<hbm>> -> memref<64x128xf32, #tpu.memory_space<hbm>>
        %dma_wait3A_644 = arith.constant 0 : i32
        %dma_wait3A_645 = arith.constant 0 : i32
        %dma_wait3A_646 = tpu.memref_slice %arg16[%rem3A_588, %dma_wait3A_633, %dma_wait3A_644, %dma_wait3A_645] : memref<2x3x64x128xf32, #tpu.memory_space<vmem>> -> memref<1x1x64x128xf32, #tpu.memory_space<vmem>>
        %dma_wait3A_647 = tpu.memref_squeeze %dma_wait3A_646 : memref<1x1x64x128xf32, #tpu.memory_space<vmem>> -> memref<64x128xf32, #tpu.memory_space<vmem>>
        tpu.wait_dma2 semaphore(%arg22 : memref<!tpu.dma_semaphore, #tpu.memory_space<semaphore_mem>>) src(%dma_wait3A_647 : memref<64x128xf32, #tpu.memory_space<vmem>>) dst(%dma_wait3A_643 : memref<64x128xf32, #tpu.memory_space<hbm>>)
        "tpu.trace_stop"() : () -> ()
      } else {
      }
      %add3A_503 = arith.constant 1 : i32
      %add3A_504 = arith.addi %scan3A_494, %add3A_503 : i32
      %lt3A_505 = arith.constant 50 : i32
      %lt3A_506 = arith.cmpi slt, %add3A_504, %lt3A_505 : i32
      %convert_element_type3A_507 = arith.extui %lt3A_506 : i1 to i32
      %cond3A_508 = arith.constant 0 : i32
      %cond3A_509 = arith.cmpi ne, %convert_element_type3A_507, %cond3A_508 : i32
      scf.if %cond3A_509 {
        "tpu.trace_start"() <{level = 10 : i32, message = "p_metawait"}> : () -> ()
        %add3A_586 = arith.constant 1 : i32
        %add3A_587 = arith.addi %scan3A_494, %add3A_586 : i32
        %rem3A_588 = arith.constant 2 : i32
        %rem3A_589 = arith.remsi %add3A_587, %rem3A_588 : i32
        %dma_wait3A_590 = arith.constant 0 : i32
        %dma_wait3A_591 = tpu.memref_slice %arg13[%rem3A_589, %dma_wait3A_590] : memref<2x128xi32, #tpu.memory_space<vmem>> -> memref<1x128xi32, #tpu.memory_space<vmem>>
        %dma_wait3A_592 = tpu.memref_squeeze %dma_wait3A_591 : memref<1x128xi32, #tpu.memory_space<vmem>> -> memref<128xi32, #tpu.memory_space<vmem>>
        %dma_wait3A_593 = arith.constant 0 : i32
        %dma_wait3A_594 = tpu.memref_slice %arg12[%add3A_587, %dma_wait3A_593] : memref<50x128xi32, #tpu.memory_space<vmem>> -> memref<1x128xi32, #tpu.memory_space<vmem>>
        %dma_wait3A_595 = tpu.memref_squeeze %dma_wait3A_594 : memref<1x128xi32, #tpu.memory_space<vmem>> -> memref<128xi32, #tpu.memory_space<vmem>>
        %dma_wait3A_596 = arith.constant 0 : i32
        %dma_wait3A_597 = tpu.memref_slice %arg3[%dma_wait3A_596] : memref<1000000xi32, #tpu.memory_space<hbm>> -> memref<1000000xi32, #tpu.memory_space<hbm>>
        %dma_wait3A_598 = tpu.memref_slice %arg20[%rem3A_589] : memref<2x!tpu.dma_semaphore, #tpu.memory_space<semaphore_mem>> -> memref<1x!tpu.dma_semaphore, #tpu.memory_space<semaphore_mem>>
        %dma_wait3A_599 = tpu.memref_squeeze %dma_wait3A_598 : memref<1x!tpu.dma_semaphore, #tpu.memory_space<semaphore_mem>> -> memref<!tpu.dma_semaphore, #tpu.memory_space<semaphore_mem>>
        tpu.wait_indirect_dma semaphore(%dma_wait3A_599 : memref<!tpu.dma_semaphore, #tpu.memory_space<semaphore_mem>>) src(%dma_wait3A_597 : memref<1000000xi32, #tpu.memory_space<hbm>>) dst(%dma_wait3A_592 : memref<128xi32, #tpu.memory_space<vmem>>)
        "tpu.trace_stop"() : () -> ()
        "tpu.trace_start"() <{level = 10 : i32, message = "p_unpack"}> : () -> ()
        %add3A_600 = arith.constant 1 : i32
        %add3A_601 = arith.addi %scan3A_494, %add3A_600 : i32
        %rem3A_602 = arith.constant 2 : i32
        %rem3A_603 = arith.remsi %add3A_601, %rem3A_602 : i32
        %get3A_604 = arith.index_cast %rem3A_603 : i32 to index
        %get3A_605 = arith.constant 0 : index
        %get3A_606 = tpu.vector_load %arg13[%get3A_604, %get3A_605] {strides = array<i32>} : memref<2x128xi32, #tpu.memory_space<vmem>>, vector<16xi32>,
        %and3A_607 = arith.constant 8191 : i32
        %and3A_608 = vector.broadcast %and3A_607 : i32 to vector<16xi32>
        %and3A_609 = arith.andi %get3A_606, %and3A_608 : vector<16xi32>
        %swap3A_610 = arith.constant 0 : i32
        %swap3A_611 = arith.index_cast %rem3A_603 : i32 to index
        %swap3A_612 = arith.index_cast %swap3A_610 : i32 to index
        %swap3A_613 = arith.constant 0 : index
        %swap3A_614 = tpu.vector_load %arg14[%swap3A_611, %swap3A_612, %swap3A_613] {strides = array<i32>} : memref<2x4x128xi32, #tpu.memory_space<vmem>>, vector<16xi32>,
        tpu.vector_store %arg14[%swap3A_611, %swap3A_612, %swap3A_613], %and3A_609 {strides = array<i32>} : memref<2x4x128xi32, #tpu.memory_space<vmem>>, vector<16xi32>,
        %shift_right_logical3A_615 = arith.constant 13 : i32
        %shift_right_logical3A_616 = vector.broadcast %shift_right_logical3A_615 : i32 to vector<16xi32>
        %shift_right_logical3A_617 = arith.shrui %get3A_606, %shift_right_logical3A_616 : vector<16xi32>
        %and3A_618 = arith.constant 31 : i32
        %and3A_619 = vector.broadcast %and3A_618 : i32 to vector<16xi32>
        %and3A_620 = arith.andi %shift_right_logical3A_617, %and3A_619 : vector<16xi32>
        %swap3A_621 = arith.constant 1 : i32
        %swap3A_622 = arith.index_cast %rem3A_603 : i32 to index
        %swap3A_623 = arith.index_cast %swap3A_621 : i32 to index
        %swap3A_624 = arith.constant 0 : index
        %swap3A_625 = tpu.vector_load %arg14[%swap3A_622, %swap3A_623, %swap3A_624] {strides = array<i32>} : memref<2x4x128xi32, #tpu.memory_space<vmem>>, vector<16xi32>,
        tpu.vector_store %arg14[%swap3A_622, %swap3A_623, %swap3A_624], %and3A_620 {strides = array<i32>} : memref<2x4x128xi32, #tpu.memory_space<vmem>>, vector<16xi32>,
        %shift_right_logical3A_626 = arith.constant 18 : i32
        %shift_right_logical3A_627 = vector.broadcast %shift_right_logical3A_626 : i32 to vector<16xi32>
        %shift_right_logical3A_628 = arith.shrui %get3A_606, %shift_right_logical3A_627 : vector<16xi32>
        %and3A_629 = arith.constant 511 : i32
        %and3A_630 = vector.broadcast %and3A_629 : i32 to vector<16xi32>
        %and3A_631 = arith.andi %shift_right_logical3A_628, %and3A_630 : vector<16xi32>
        %swap3A_632 = arith.constant 2 : i32
        %swap3A_633 = arith.index_cast %rem3A_603 : i32 to index
        %swap3A_634 = arith.index_cast %swap3A_632 : i32 to index
        %swap3A_635 = arith.constant 0 : index
        %swap3A_636 = tpu.vector_load %arg14[%swap3A_633, %swap3A_634, %swap3A_635] {strides = array<i32>} : memref<2x4x128xi32, #tpu.memory_space<vmem>>, vector<16xi32>,
        tpu.vector_store %arg14[%swap3A_633, %swap3A_634, %swap3A_635], %and3A_631 {strides = array<i32>} : memref<2x4x128xi32, #tpu.memory_space<vmem>>, vector<16xi32>,
        %shift_right_logical3A_637 = arith.constant 27 : i32
        %shift_right_logical3A_638 = vector.broadcast %shift_right_logical3A_637 : i32 to vector<16xi32>
        %shift_right_logical3A_639 = arith.shrui %get3A_606, %shift_right_logical3A_638 : vector<16xi32>
        %and3A_640 = arith.constant 31 : i32
        %and3A_641 = vector.broadcast %and3A_640 : i32 to vector<16xi32>
        %and3A_642 = arith.andi %shift_right_logical3A_639, %and3A_641 : vector<16xi32>
        %swap3A_643 = arith.constant 3 : i32
        %swap3A_644 = arith.index_cast %rem3A_603 : i32 to index
        %swap3A_645 = arith.index_cast %swap3A_643 : i32 to index
        %swap3A_646 = arith.constant 0 : index
        %swap3A_647 = tpu.vector_load %arg14[%swap3A_644, %swap3A_645, %swap3A_646] {strides = array<i32>} : memref<2x4x128xi32, #tpu.memory_space<vmem>>, vector<16xi32>,
        tpu.vector_store %arg14[%swap3A_644, %swap3A_645, %swap3A_646], %and3A_642 {strides = array<i32>} : memref<2x4x128xi32, #tpu.memory_space<vmem>>, vector<16xi32>,
        %get3A_648 = arith.index_cast %rem3A_603 : i32 to index
        %get3A_649 = arith.constant 16 : index
        %get3A_650 = tpu.vector_load %arg13[%get3A_648, %get3A_649] {strides = array<i32>} : memref<2x128xi32, #tpu.memory_space<vmem>>, vector<16xi32>,
        %and3A_651 = arith.constant 8191 : i32
        %and3A_652 = vector.broadcast %and3A_651 : i32 to vector<16xi32>
        %and3A_653 = arith.andi %get3A_650, %and3A_652 : vector<16xi32>
        %swap3A_654 = arith.constant 0 : i32
        %swap3A_655 = arith.index_cast %rem3A_603 : i32 to index
        %swap3A_656 = arith.index_cast %swap3A_654 : i32 to index
        %swap3A_657 = arith.constant 16 : index
        %swap3A_658 = tpu.vector_load %arg14[%swap3A_655, %swap3A_656, %swap3A_657] {strides = array<i32>} : memref<2x4x128xi32, #tpu.memory_space<vmem>>, vector<16xi32>,
        tpu.vector_store %arg14[%swap3A_655, %swap3A_656, %swap3A_657], %and3A_653 {strides = array<i32>} : memref<2x4x128xi32, #tpu.memory_space<vmem>>, vector<16xi32>,
        %shift_right_logical3A_659 = arith.constant 13 : i32
        %shift_right_logical3A_660 = vector.broadcast %shift_right_logical3A_659 : i32 to vector<16xi32>
        %shift_right_logical3A_661 = arith.shrui %get3A_650, %shift_right_logical3A_660 : vector<16xi32>
        %and3A_662 = arith.constant 31 : i32
        %and3A_663 = vector.broadcast %and3A_662 : i32 to vector<16xi32>
        %and3A_664 = arith.andi %shift_right_logical3A_661, %and3A_663 : vector<16xi32>
        %swap3A_665 = arith.constant 1 : i32
        %swap3A_666 = arith.index_cast %rem3A_603 : i32 to index
        %swap3A_667 = arith.index_cast %swap3A_665 : i32 to index
        %swap3A_668 = arith.constant 16 : index
        %swap3A_669 = tpu.vector_load %arg14[%swap3A_666, %swap3A_667, %swap3A_668] {strides = array<i32>} : memref<2x4x128xi32, #tpu.memory_space<vmem>>, vector<16xi32>,
        tpu.vector_store %arg14[%swap3A_666, %swap3A_667, %swap3A_668], %and3A_664 {strides = array<i32>} : memref<2x4x128xi32, #tpu.memory_space<vmem>>, vector<16xi32>,
        %shift_right_logical3A_670 = arith.constant 18 : i32
        %shift_right_logical3A_671 = vector.broadcast %shift_right_logical3A_670 : i32 to vector<16xi32>
        %shift_right_logical3A_672 = arith.shrui %get3A_650, %shift_right_logical3A_671 : vector<16xi32>
        %and3A_673 = arith.constant 511 : i32
        %and3A_674 = vector.broadcast %and3A_673 : i32 to vector<16xi32>
        %and3A_675 = arith.andi %shift_right_logical3A_672, %and3A_674 : vector<16xi32>
        %swap3A_676 = arith.constant 2 : i32
        %swap3A_677 = arith.index_cast %rem3A_603 : i32 to index
        %swap3A_678 = arith.index_cast %swap3A_676 : i32 to index
        %swap3A_679 = arith.constant 16 : index
        %swap3A_680 = tpu.vector_load %arg14[%swap3A_677, %swap3A_678, %swap3A_679] {strides = array<i32>} : memref<2x4x128xi32, #tpu.memory_space<vmem>>, vector<16xi32>,
        tpu.vector_store %arg14[%swap3A_677, %swap3A_678, %swap3A_679], %and3A_675 {strides = array<i32>} : memref<2x4x128xi32, #tpu.memory_space<vmem>>, vector<16xi32>,
        %shift_right_logical3A_681 = arith.constant 27 : i32
        %shift_right_logical3A_682 = vector.broadcast %shift_right_logical3A_681 : i32 to vector<16xi32>
        %shift_right_logical3A_683 = arith.shrui %get3A_650, %shift_right_logical3A_682 : vector<16xi32>
        %and3A_684 = arith.constant 31 : i32
        %and3A_685 = vector.broadcast %and3A_684 : i32 to vector<16xi32>
        %and3A_686 = arith.andi %shift_right_logical3A_683, %and3A_685 : vector<16xi32>
        %swap3A_687 = arith.constant 3 : i32
        %swap3A_688 = arith.index_cast %rem3A_603 : i32 to index
        %swap3A_689 = arith.index_cast %swap3A_687 : i32 to index
        %swap3A_690 = arith.constant 16 : index
        %swap3A_691 = tpu.vector_load %arg14[%swap3A_688, %swap3A_689, %swap3A_690] {strides = array<i32>} : memref<2x4x128xi32, #tpu.memory_space<vmem>>, vector<16xi32>,
        tpu.vector_store %arg14[%swap3A_688, %swap3A_689, %swap3A_690], %and3A_686 {strides = array<i32>} : memref<2x4x128xi32, #tpu.memory_space<vmem>>, vector<16xi32>,
        %get3A_692 = arith.index_cast %rem3A_603 : i32 to index
        %get3A_693 = arith.constant 32 : index
        %get3A_694 = tpu.vector_load %arg13[%get3A_692, %get3A_693] {strides = array<i32>} : memref<2x128xi32, #tpu.memory_space<vmem>>, vector<16xi32>,
        %and3A_695 = arith.constant 8191 : i32
        %and3A_696 = vector.broadcast %and3A_695 : i32 to vector<16xi32>
        %and3A_697 = arith.andi %get3A_694, %and3A_696 : vector<16xi32>
        %swap3A_698 = arith.constant 0 : i32
        %swap3A_699 = arith.index_cast %rem3A_603 : i32 to index
        %swap3A_700 = arith.index_cast %swap3A_698 : i32 to index
        %swap3A_701 = arith.constant 32 : index
        %swap3A_702 = tpu.vector_load %arg14[%swap3A_699, %swap3A_700, %swap3A_701] {strides = array<i32>} : memref<2x4x128xi32, #tpu.memory_space<vmem>>, vector<16xi32>,
        tpu.vector_store %arg14[%swap3A_699, %swap3A_700, %swap3A_701], %and3A_697 {strides = array<i32>} : memref<2x4x128xi32, #tpu.memory_space<vmem>>, vector<16xi32>,
        %shift_right_logical3A_703 = arith.constant 13 : i32
        %shift_right_logical3A_704 = vector.broadcast %shift_right_logical3A_703 : i32 to vector<16xi32>
        %shift_right_logical3A_705 = arith.shrui %get3A_694, %shift_right_logical3A_704 : vector<16xi32>
        %and3A_706 = arith.constant 31 : i32
        %and3A_707 = vector.broadcast %and3A_706 : i32 to vector<16xi32>
        %and3A_708 = arith.andi %shift_right_logical3A_705, %and3A_707 : vector<16xi32>
        %swap3A_709 = arith.constant 1 : i32
        %swap3A_710 = arith.index_cast %rem3A_603 : i32 to index
        %swap3A_711 = arith.index_cast %swap3A_709 : i32 to index
        %swap3A_712 = arith.constant 32 : index
        %swap3A_713 = tpu.vector_load %arg14[%swap3A_710, %swap3A_711, %swap3A_712] {strides = array<i32>} : memref<2x4x128xi32, #tpu.memory_space<vmem>>, vector<16xi32>,
        tpu.vector_store %arg14[%swap3A_710, %swap3A_711, %swap3A_712], %and3A_708 {strides = array<i32>} : memref<2x4x128xi32, #tpu.memory_space<vmem>>, vector<16xi32>,
        %shift_right_logical3A_714 = arith.constant 18 : i32
        %shift_right_logical3A_715 = vector.broadcast %shift_right_logical3A_714 : i32 to vector<16xi32>
        %shift_right_logical3A_716 = arith.shrui %get3A_694, %shift_right_logical3A_715 : vector<16xi32>
        %and3A_717 = arith.constant 511 : i32
        %and3A_718 = vector.broadcast %and3A_717 : i32 to vector<16xi32>
        %and3A_719 = arith.andi %shift_right_logical3A_716, %and3A_718 : vector<16xi32>
        %swap3A_720 = arith.constant 2 : i32
        %swap3A_721 = arith.index_cast %rem3A_603 : i32 to index
        %swap3A_722 = arith.index_cast %swap3A_720 : i32 to index
        %swap3A_723 = arith.constant 32 : index
        %swap3A_724 = tpu.vector_load %arg14[%swap3A_721, %swap3A_722, %swap3A_723] {strides = array<i32>} : memref<2x4x128xi32, #tpu.memory_space<vmem>>, vector<16xi32>,
        tpu.vector_store %arg14[%swap3A_721, %swap3A_722, %swap3A_723], %and3A_719 {strides = array<i32>} : memref<2x4x128xi32, #tpu.memory_space<vmem>>, vector<16xi32>,
        %shift_right_logical3A_725 = arith.constant 27 : i32
        %shift_right_logical3A_726 = vector.broadcast %shift_right_logical3A_725 : i32 to vector<16xi32>
        %shift_right_logical3A_727 = arith.shrui %get3A_694, %shift_right_logical3A_726 : vector<16xi32>
        %and3A_728 = arith.constant 31 : i32
        %and3A_729 = vector.broadcast %and3A_728 : i32 to vector<16xi32>
        %and3A_730 = arith.andi %shift_right_logical3A_727, %and3A_729 : vector<16xi32>
        %swap3A_731 = arith.constant 3 : i32
        %swap3A_732 = arith.index_cast %rem3A_603 : i32 to index
        %swap3A_733 = arith.index_cast %swap3A_731 : i32 to index
        %swap3A_734 = arith.constant 32 : index
        %swap3A_735 = tpu.vector_load %arg14[%swap3A_732, %swap3A_733, %swap3A_734] {strides = array<i32>} : memref<2x4x128xi32, #tpu.memory_space<vmem>>, vector<16xi32>,
        tpu.vector_store %arg14[%swap3A_732, %swap3A_733, %swap3A_734], %and3A_730 {strides = array<i32>} : memref<2x4x128xi32, #tpu.memory_space<vmem>>, vector<16xi32>,
        %get3A_736 = arith.index_cast %rem3A_603 : i32 to index
        %get3A_737 = arith.constant 48 : index
        %get3A_738 = tpu.vector_load %arg13[%get3A_736, %get3A_737] {strides = array<i32>} : memref<2x128xi32, #tpu.memory_space<vmem>>, vector<16xi32>,
        %and3A_739 = arith.constant 8191 : i32
        %and3A_740 = vector.broadcast %and3A_739 : i32 to vector<16xi32>
        %and3A_741 = arith.andi %get3A_738, %and3A_740 : vector<16xi32>
        %swap3A_742 = arith.constant 0 : i32
        %swap3A_743 = arith.index_cast %rem3A_603 : i32 to index
        %swap3A_744 = arith.index_cast %swap3A_742 : i32 to index
        %swap3A_745 = arith.constant 48 : index
        %swap3A_746 = tpu.vector_load %arg14[%swap3A_743, %swap3A_744, %swap3A_745] {strides = array<i32>} : memref<2x4x128xi32, #tpu.memory_space<vmem>>, vector<16xi32>,
        tpu.vector_store %arg14[%swap3A_743, %swap3A_744, %swap3A_745], %and3A_741 {strides = array<i32>} : memref<2x4x128xi32, #tpu.memory_space<vmem>>, vector<16xi32>,
        %shift_right_logical3A_747 = arith.constant 13 : i32
        %shift_right_logical3A_748 = vector.broadcast %shift_right_logical3A_747 : i32 to vector<16xi32>
        %shift_right_logical3A_749 = arith.shrui %get3A_738, %shift_right_logical3A_748 : vector<16xi32>
        %and3A_750 = arith.constant 31 : i32
        %and3A_751 = vector.broadcast %and3A_750 : i32 to vector<16xi32>
        %and3A_752 = arith.andi %shift_right_logical3A_749, %and3A_751 : vector<16xi32>
        %swap3A_753 = arith.constant 1 : i32
        %swap3A_754 = arith.index_cast %rem3A_603 : i32 to index
        %swap3A_755 = arith.index_cast %swap3A_753 : i32 to index
        %swap3A_756 = arith.constant 48 : index
        %swap3A_757 = tpu.vector_load %arg14[%swap3A_754, %swap3A_755, %swap3A_756] {strides = array<i32>} : memref<2x4x128xi32, #tpu.memory_space<vmem>>, vector<16xi32>,
        tpu.vector_store %arg14[%swap3A_754, %swap3A_755, %swap3A_756], %and3A_752 {strides = array<i32>} : memref<2x4x128xi32, #tpu.memory_space<vmem>>, vector<16xi32>,
        %shift_right_logical3A_758 = arith.constant 18 : i32
        %shift_right_logical3A_759 = vector.broadcast %shift_right_logical3A_758 : i32 to vector<16xi32>
        %shift_right_logical3A_760 = arith.shrui %get3A_738, %shift_right_logical3A_759 : vector<16xi32>
        %and3A_761 = arith.constant 511 : i32
        %and3A_762 = vector.broadcast %and3A_761 : i32 to vector<16xi32>
        %and3A_763 = arith.andi %shift_right_logical3A_760, %and3A_762 : vector<16xi32>
        %swap3A_764 = arith.constant 2 : i32
        %swap3A_765 = arith.index_cast %rem3A_603 : i32 to index
        %swap3A_766 = arith.index_cast %swap3A_764 : i32 to index
        %swap3A_767 = arith.constant 48 : index
        %swap3A_768 = tpu.vector_load %arg14[%swap3A_765, %swap3A_766, %swap3A_767] {strides = array<i32>} : memref<2x4x128xi32, #tpu.memory_space<vmem>>, vector<16xi32>,
        tpu.vector_store %arg14[%swap3A_765, %swap3A_766, %swap3A_767], %and3A_763 {strides = array<i32>} : memref<2x4x128xi32, #tpu.memory_space<vmem>>, vector<16xi32>,
        %shift_right_logical3A_769 = arith.constant 27 : i32
        %shift_right_logical3A_770 = vector.broadcast %shift_right_logical3A_769 : i32 to vector<16xi32>
        %shift_right_logical3A_771 = arith.shrui %get3A_738, %shift_right_logical3A_770 : vector<16xi32>
        %and3A_772 = arith.constant 31 : i32
        %and3A_773 = vector.broadcast %and3A_772 : i32 to vector<16xi32>
        %and3A_774 = arith.andi %shift_right_logical3A_771, %and3A_773 : vector<16xi32>
        %swap3A_775 = arith.constant 3 : i32
        %swap3A_776 = arith.index_cast %rem3A_603 : i32 to index
        %swap3A_777 = arith.index_cast %swap3A_775 : i32 to index
        %swap3A_778 = arith.constant 48 : index
        %swap3A_779 = tpu.vector_load %arg14[%swap3A_776, %swap3A_777, %swap3A_778] {strides = array<i32>} : memref<2x4x128xi32, #tpu.memory_space<vmem>>, vector<16xi32>,
        tpu.vector_store %arg14[%swap3A_776, %swap3A_777, %swap3A_778], %and3A_774 {strides = array<i32>} : memref<2x4x128xi32, #tpu.memory_space<vmem>>, vector<16xi32>,
        %get3A_780 = arith.index_cast %rem3A_603 : i32 to index
        %get3A_781 = arith.constant 64 : index
        %get3A_782 = tpu.vector_load %arg13[%get3A_780, %get3A_781] {strides = array<i32>} : memref<2x128xi32, #tpu.memory_space<vmem>>, vector<16xi32>,
        %and3A_783 = arith.constant 8191 : i32
        %and3A_784 = vector.broadcast %and3A_783 : i32 to vector<16xi32>
        %and3A_785 = arith.andi %get3A_782, %and3A_784 : vector<16xi32>
        %swap3A_786 = arith.constant 0 : i32
        %swap3A_787 = arith.index_cast %rem3A_603 : i32 to index
        %swap3A_788 = arith.index_cast %swap3A_786 : i32 to index
        %swap3A_789 = arith.constant 64 : index
        %swap3A_790 = tpu.vector_load %arg14[%swap3A_787, %swap3A_788, %swap3A_789] {strides = array<i32>} : memref<2x4x128xi32, #tpu.memory_space<vmem>>, vector<16xi32>,
        tpu.vector_store %arg14[%swap3A_787, %swap3A_788, %swap3A_789], %and3A_785 {strides = array<i32>} : memref<2x4x128xi32, #tpu.memory_space<vmem>>, vector<16xi32>,
        %shift_right_logical3A_791 = arith.constant 13 : i32
        %shift_right_logical3A_792 = vector.broadcast %shift_right_logical3A_791 : i32 to vector<16xi32>
        %shift_right_logical3A_793 = arith.shrui %get3A_782, %shift_right_logical3A_792 : vector<16xi32>
        %and3A_794 = arith.constant 31 : i32
        %and3A_795 = vector.broadcast %and3A_794 : i32 to vector<16xi32>
        %and3A_796 = arith.andi %shift_right_logical3A_793, %and3A_795 : vector<16xi32>
        %swap3A_797 = arith.constant 1 : i32
        %swap3A_798 = arith.index_cast %rem3A_603 : i32 to index
        %swap3A_799 = arith.index_cast %swap3A_797 : i32 to index
        %swap3A_800 = arith.constant 64 : index
        %swap3A_801 = tpu.vector_load %arg14[%swap3A_798, %swap3A_799, %swap3A_800] {strides = array<i32>} : memref<2x4x128xi32, #tpu.memory_space<vmem>>, vector<16xi32>,
        tpu.vector_store %arg14[%swap3A_798, %swap3A_799, %swap3A_800], %and3A_796 {strides = array<i32>} : memref<2x4x128xi32, #tpu.memory_space<vmem>>, vector<16xi32>,
        %shift_right_logical3A_802 = arith.constant 18 : i32
        %shift_right_logical3A_803 = vector.broadcast %shift_right_logical3A_802 : i32 to vector<16xi32>
        %shift_right_logical3A_804 = arith.shrui %get3A_782, %shift_right_logical3A_803 : vector<16xi32>
        %and3A_805 = arith.constant 511 : i32
        %and3A_806 = vector.broadcast %and3A_805 : i32 to vector<16xi32>
        %and3A_807 = arith.andi %shift_right_logical3A_804, %and3A_806 : vector<16xi32>
        %swap3A_808 = arith.constant 2 : i32
        %swap3A_809 = arith.index_cast %rem3A_603 : i32 to index
        %swap3A_810 = arith.index_cast %swap3A_808 : i32 to index
        %swap3A_811 = arith.constant 64 : index
        %swap3A_812 = tpu.vector_load %arg14[%swap3A_809, %swap3A_810, %swap3A_811] {strides = array<i32>} : memref<2x4x128xi32, #tpu.memory_space<vmem>>, vector<16xi32>,
        tpu.vector_store %arg14[%swap3A_809, %swap3A_810, %swap3A_811], %and3A_807 {strides = array<i32>} : memref<2x4x128xi32, #tpu.memory_space<vmem>>, vector<16xi32>,
        %shift_right_logical3A_813 = arith.constant 27 : i32
        %shift_right_logical3A_814 = vector.broadcast %shift_right_logical3A_813 : i32 to vector<16xi32>
        %shift_right_logical3A_815 = arith.shrui %get3A_782, %shift_right_logical3A_814 : vector<16xi32>
        %and3A_816 = arith.constant 31 : i32
        %and3A_817 = vector.broadcast %and3A_816 : i32 to vector<16xi32>
        %and3A_818 = arith.andi %shift_right_logical3A_815, %and3A_817 : vector<16xi32>
        %swap3A_819 = arith.constant 3 : i32
        %swap3A_820 = arith.index_cast %rem3A_603 : i32 to index
        %swap3A_821 = arith.index_cast %swap3A_819 : i32 to index
        %swap3A_822 = arith.constant 64 : index
        %swap3A_823 = tpu.vector_load %arg14[%swap3A_820, %swap3A_821, %swap3A_822] {strides = array<i32>} : memref<2x4x128xi32, #tpu.memory_space<vmem>>, vector<16xi32>,
        tpu.vector_store %arg14[%swap3A_820, %swap3A_821, %swap3A_822], %and3A_818 {strides = array<i32>} : memref<2x4x128xi32, #tpu.memory_space<vmem>>, vector<16xi32>,
        %get3A_824 = arith.index_cast %rem3A_603 : i32 to index
        %get3A_825 = arith.constant 80 : index
        %get3A_826 = tpu.vector_load %arg13[%get3A_824, %get3A_825] {strides = array<i32>} : memref<2x128xi32, #tpu.memory_space<vmem>>, vector<16xi32>,
        %and3A_827 = arith.constant 8191 : i32
        %and3A_828 = vector.broadcast %and3A_827 : i32 to vector<16xi32>
        %and3A_829 = arith.andi %get3A_826, %and3A_828 : vector<16xi32>
        %swap3A_830 = arith.constant 0 : i32
        %swap3A_831 = arith.index_cast %rem3A_603 : i32 to index
        %swap3A_832 = arith.index_cast %swap3A_830 : i32 to index
        %swap3A_833 = arith.constant 80 : index
        %swap3A_834 = tpu.vector_load %arg14[%swap3A_831, %swap3A_832, %swap3A_833] {strides = array<i32>} : memref<2x4x128xi32, #tpu.memory_space<vmem>>, vector<16xi32>,
        tpu.vector_store %arg14[%swap3A_831, %swap3A_832, %swap3A_833], %and3A_829 {strides = array<i32>} : memref<2x4x128xi32, #tpu.memory_space<vmem>>, vector<16xi32>,
        %shift_right_logical3A_835 = arith.constant 13 : i32
        %shift_right_logical3A_836 = vector.broadcast %shift_right_logical3A_835 : i32 to vector<16xi32>
        %shift_right_logical3A_837 = arith.shrui %get3A_826, %shift_right_logical3A_836 : vector<16xi32>
        %and3A_838 = arith.constant 31 : i32
        %and3A_839 = vector.broadcast %and3A_838 : i32 to vector<16xi32>
        %and3A_840 = arith.andi %shift_right_logical3A_837, %and3A_839 : vector<16xi32>
        %swap3A_841 = arith.constant 1 : i32
        %swap3A_842 = arith.index_cast %rem3A_603 : i32 to index
        %swap3A_843 = arith.index_cast %swap3A_841 : i32 to index
        %swap3A_844 = arith.constant 80 : index
        %swap3A_845 = tpu.vector_load %arg14[%swap3A_842, %swap3A_843, %swap3A_844] {strides = array<i32>} : memref<2x4x128xi32, #tpu.memory_space<vmem>>, vector<16xi32>,
        tpu.vector_store %arg14[%swap3A_842, %swap3A_843, %swap3A_844], %and3A_840 {strides = array<i32>} : memref<2x4x128xi32, #tpu.memory_space<vmem>>, vector<16xi32>,
        %shift_right_logical3A_846 = arith.constant 18 : i32
        %shift_right_logical3A_847 = vector.broadcast %shift_right_logical3A_846 : i32 to vector<16xi32>
        %shift_right_logical3A_848 = arith.shrui %get3A_826, %shift_right_logical3A_847 : vector<16xi32>
        %and3A_849 = arith.constant 511 : i32
        %and3A_850 = vector.broadcast %and3A_849 : i32 to vector<16xi32>
        %and3A_851 = arith.andi %shift_right_logical3A_848, %and3A_850 : vector<16xi32>
        %swap3A_852 = arith.constant 2 : i32
        %swap3A_853 = arith.index_cast %rem3A_603 : i32 to index
        %swap3A_854 = arith.index_cast %swap3A_852 : i32 to index
        %swap3A_855 = arith.constant 80 : index
        %swap3A_856 = tpu.vector_load %arg14[%swap3A_853, %swap3A_854, %swap3A_855] {strides = array<i32>} : memref<2x4x128xi32, #tpu.memory_space<vmem>>, vector<16xi32>,
        tpu.vector_store %arg14[%swap3A_853, %swap3A_854, %swap3A_855], %and3A_851 {strides = array<i32>} : memref<2x4x128xi32, #tpu.memory_space<vmem>>, vector<16xi32>,
        %shift_right_logical3A_857 = arith.constant 27 : i32
        %shift_right_logical3A_858 = vector.broadcast %shift_right_logical3A_857 : i32 to vector<16xi32>
        %shift_right_logical3A_859 = arith.shrui %get3A_826, %shift_right_logical3A_858 : vector<16xi32>
        %and3A_860 = arith.constant 31 : i32
        %and3A_861 = vector.broadcast %and3A_860 : i32 to vector<16xi32>
        %and3A_862 = arith.andi %shift_right_logical3A_859, %and3A_861 : vector<16xi32>
        %swap3A_863 = arith.constant 3 : i32
        %swap3A_864 = arith.index_cast %rem3A_603 : i32 to index
        %swap3A_865 = arith.index_cast %swap3A_863 : i32 to index
        %swap3A_866 = arith.constant 80 : index
        %swap3A_867 = tpu.vector_load %arg14[%swap3A_864, %swap3A_865, %swap3A_866] {strides = array<i32>} : memref<2x4x128xi32, #tpu.memory_space<vmem>>, vector<16xi32>,
        tpu.vector_store %arg14[%swap3A_864, %swap3A_865, %swap3A_866], %and3A_862 {strides = array<i32>} : memref<2x4x128xi32, #tpu.memory_space<vmem>>, vector<16xi32>,
        %get3A_868 = arith.index_cast %rem3A_603 : i32 to index
        %get3A_869 = arith.constant 96 : index
        %get3A_870 = tpu.vector_load %arg13[%get3A_868, %get3A_869] {strides = array<i32>} : memref<2x128xi32, #tpu.memory_space<vmem>>, vector<16xi32>,
        %and3A_871 = arith.constant 8191 : i32
        %and3A_872 = vector.broadcast %and3A_871 : i32 to vector<16xi32>
        %and3A_873 = arith.andi %get3A_870, %and3A_872 : vector<16xi32>
        %swap3A_874 = arith.constant 0 : i32
        %swap3A_875 = arith.index_cast %rem3A_603 : i32 to index
        %swap3A_876 = arith.index_cast %swap3A_874 : i32 to index
        %swap3A_877 = arith.constant 96 : index
        %swap3A_878 = tpu.vector_load %arg14[%swap3A_875, %swap3A_876, %swap3A_877] {strides = array<i32>} : memref<2x4x128xi32, #tpu.memory_space<vmem>>, vector<16xi32>,
        tpu.vector_store %arg14[%swap3A_875, %swap3A_876, %swap3A_877], %and3A_873 {strides = array<i32>} : memref<2x4x128xi32, #tpu.memory_space<vmem>>, vector<16xi32>,
        %shift_right_logical3A_879 = arith.constant 13 : i32
        %shift_right_logical3A_880 = vector.broadcast %shift_right_logical3A_879 : i32 to vector<16xi32>
        %shift_right_logical3A_881 = arith.shrui %get3A_870, %shift_right_logical3A_880 : vector<16xi32>
        %and3A_882 = arith.constant 31 : i32
        %and3A_883 = vector.broadcast %and3A_882 : i32 to vector<16xi32>
        %and3A_884 = arith.andi %shift_right_logical3A_881, %and3A_883 : vector<16xi32>
        %swap3A_885 = arith.constant 1 : i32
        %swap3A_886 = arith.index_cast %rem3A_603 : i32 to index
        %swap3A_887 = arith.index_cast %swap3A_885 : i32 to index
        %swap3A_888 = arith.constant 96 : index
        %swap3A_889 = tpu.vector_load %arg14[%swap3A_886, %swap3A_887, %swap3A_888] {strides = array<i32>} : memref<2x4x128xi32, #tpu.memory_space<vmem>>, vector<16xi32>,
        tpu.vector_store %arg14[%swap3A_886, %swap3A_887, %swap3A_888], %and3A_884 {strides = array<i32>} : memref<2x4x128xi32, #tpu.memory_space<vmem>>, vector<16xi32>,
        %shift_right_logical3A_890 = arith.constant 18 : i32
        %shift_right_logical3A_891 = vector.broadcast %shift_right_logical3A_890 : i32 to vector<16xi32>
        %shift_right_logical3A_892 = arith.shrui %get3A_870, %shift_right_logical3A_891 : vector<16xi32>
        %and3A_893 = arith.constant 511 : i32
        %and3A_894 = vector.broadcast %and3A_893 : i32 to vector<16xi32>
        %and3A_895 = arith.andi %shift_right_logical3A_892, %and3A_894 : vector<16xi32>
        %swap3A_896 = arith.constant 2 : i32
        %swap3A_897 = arith.index_cast %rem3A_603 : i32 to index
        %swap3A_898 = arith.index_cast %swap3A_896 : i32 to index
        %swap3A_899 = arith.constant 96 : index
        %swap3A_900 = tpu.vector_load %arg14[%swap3A_897, %swap3A_898, %swap3A_899] {strides = array<i32>} : memref<2x4x128xi32, #tpu.memory_space<vmem>>, vector<16xi32>,
        tpu.vector_store %arg14[%swap3A_897, %swap3A_898, %swap3A_899], %and3A_895 {strides = array<i32>} : memref<2x4x128xi32, #tpu.memory_space<vmem>>, vector<16xi32>,
        %shift_right_logical3A_901 = arith.constant 27 : i32
        %shift_right_logical3A_902 = vector.broadcast %shift_right_logical3A_901 : i32 to vector<16xi32>
        %shift_right_logical3A_903 = arith.shrui %get3A_870, %shift_right_logical3A_902 : vector<16xi32>
        %and3A_904 = arith.constant 31 : i32
        %and3A_905 = vector.broadcast %and3A_904 : i32 to vector<16xi32>
        %and3A_906 = arith.andi %shift_right_logical3A_903, %and3A_905 : vector<16xi32>
        %swap3A_907 = arith.constant 3 : i32
        %swap3A_908 = arith.index_cast %rem3A_603 : i32 to index
        %swap3A_909 = arith.index_cast %swap3A_907 : i32 to index
        %swap3A_910 = arith.constant 96 : index
        %swap3A_911 = tpu.vector_load %arg14[%swap3A_908, %swap3A_909, %swap3A_910] {strides = array<i32>} : memref<2x4x128xi32, #tpu.memory_space<vmem>>, vector<16xi32>,
        tpu.vector_store %arg14[%swap3A_908, %swap3A_909, %swap3A_910], %and3A_906 {strides = array<i32>} : memref<2x4x128xi32, #tpu.memory_space<vmem>>, vector<16xi32>,
        %get3A_912 = arith.index_cast %rem3A_603 : i32 to index
        %get3A_913 = arith.constant 112 : index
        %get3A_914 = tpu.vector_load %arg13[%get3A_912, %get3A_913] {strides = array<i32>} : memref<2x128xi32, #tpu.memory_space<vmem>>, vector<16xi32>,
        %and3A_915 = arith.constant 8191 : i32
        %and3A_916 = vector.broadcast %and3A_915 : i32 to vector<16xi32>
        %and3A_917 = arith.andi %get3A_914, %and3A_916 : vector<16xi32>
        %swap3A_918 = arith.constant 0 : i32
        %swap3A_919 = arith.index_cast %rem3A_603 : i32 to index
        %swap3A_920 = arith.index_cast %swap3A_918 : i32 to index
        %swap3A_921 = arith.constant 112 : index
        %swap3A_922 = tpu.vector_load %arg14[%swap3A_919, %swap3A_920, %swap3A_921] {strides = array<i32>} : memref<2x4x128xi32, #tpu.memory_space<vmem>>, vector<16xi32>,
        tpu.vector_store %arg14[%swap3A_919, %swap3A_920, %swap3A_921], %and3A_917 {strides = array<i32>} : memref<2x4x128xi32, #tpu.memory_space<vmem>>, vector<16xi32>,
        %shift_right_logical3A_923 = arith.constant 13 : i32
        %shift_right_logical3A_924 = vector.broadcast %shift_right_logical3A_923 : i32 to vector<16xi32>
        %shift_right_logical3A_925 = arith.shrui %get3A_914, %shift_right_logical3A_924 : vector<16xi32>
        %and3A_926 = arith.constant 31 : i32
        %and3A_927 = vector.broadcast %and3A_926 : i32 to vector<16xi32>
        %and3A_928 = arith.andi %shift_right_logical3A_925, %and3A_927 : vector<16xi32>
        %swap3A_929 = arith.constant 1 : i32
        %swap3A_930 = arith.index_cast %rem3A_603 : i32 to index
        %swap3A_931 = arith.index_cast %swap3A_929 : i32 to index
        %swap3A_932 = arith.constant 112 : index
        %swap3A_933 = tpu.vector_load %arg14[%swap3A_930, %swap3A_931, %swap3A_932] {strides = array<i32>} : memref<2x4x128xi32, #tpu.memory_space<vmem>>, vector<16xi32>,
        tpu.vector_store %arg14[%swap3A_930, %swap3A_931, %swap3A_932], %and3A_928 {strides = array<i32>} : memref<2x4x128xi32, #tpu.memory_space<vmem>>, vector<16xi32>,
        %shift_right_logical3A_934 = arith.constant 18 : i32
        %shift_right_logical3A_935 = vector.broadcast %shift_right_logical3A_934 : i32 to vector<16xi32>
        %shift_right_logical3A_936 = arith.shrui %get3A_914, %shift_right_logical3A_935 : vector<16xi32>
        %and3A_937 = arith.constant 511 : i32
        %and3A_938 = vector.broadcast %and3A_937 : i32 to vector<16xi32>
        %and3A_939 = arith.andi %shift_right_logical3A_936, %and3A_938 : vector<16xi32>
        %swap3A_940 = arith.constant 2 : i32
        %swap3A_941 = arith.index_cast %rem3A_603 : i32 to index
        %swap3A_942 = arith.index_cast %swap3A_940 : i32 to index
        %swap3A_943 = arith.constant 112 : index
        %swap3A_944 = tpu.vector_load %arg14[%swap3A_941, %swap3A_942, %swap3A_943] {strides = array<i32>} : memref<2x4x128xi32, #tpu.memory_space<vmem>>, vector<16xi32>,
        tpu.vector_store %arg14[%swap3A_941, %swap3A_942, %swap3A_943], %and3A_939 {strides = array<i32>} : memref<2x4x128xi32, #tpu.memory_space<vmem>>, vector<16xi32>,
        %shift_right_logical3A_945 = arith.constant 27 : i32
        %shift_right_logical3A_946 = vector.broadcast %shift_right_logical3A_945 : i32 to vector<16xi32>
        %shift_right_logical3A_947 = arith.shrui %get3A_914, %shift_right_logical3A_946 : vector<16xi32>
        %and3A_948 = arith.constant 31 : i32
        %and3A_949 = vector.broadcast %and3A_948 : i32 to vector<16xi32>
        %and3A_950 = arith.andi %shift_right_logical3A_947, %and3A_949 : vector<16xi32>
        %swap3A_951 = arith.constant 3 : i32
        %swap3A_952 = arith.index_cast %rem3A_603 : i32 to index
        %swap3A_953 = arith.index_cast %swap3A_951 : i32 to index
        %swap3A_954 = arith.constant 112 : index
        %swap3A_955 = tpu.vector_load %arg14[%swap3A_952, %swap3A_953, %swap3A_954] {strides = array<i32>} : memref<2x4x128xi32, #tpu.memory_space<vmem>>, vector<16xi32>,
        tpu.vector_store %arg14[%swap3A_952, %swap3A_953, %swap3A_954], %and3A_950 {strides = array<i32>} : memref<2x4x128xi32, #tpu.memory_space<vmem>>, vector<16xi32>,
        "tpu.trace_stop"() : () -> ()
        %add3A_956 = arith.constant 1 : i32
        %add3A_957 = arith.addi %scan3A_494, %add3A_956 : i32
        %rem3A_958 = arith.constant 2 : i32
        %rem3A_959 = arith.remsi %add3A_957, %rem3A_958 : i32
        %dma_start3A_960 = arith.constant 0 : i32
        %dma_start3A_961 = arith.constant 0 : i32
        %dma_start3A_962 = arith.constant 0 : i32
        %dma_start3A_963 = tpu.memref_slice %arg15[%rem3A_959, %dma_start3A_961, %dma_start3A_962] : memref<2x128x64xf32, #tpu.memory_space<vmem>> -> memref<1x128x64xf32, #tpu.memory_space<vmem>>
        %dma_start3A_964 = tpu.memref_squeeze %dma_start3A_963 : memref<1x128x64xf32, #tpu.memory_space<vmem>> -> memref<128x64xf32, #tpu.memory_space<vmem>>
        %dma_start3A_965 = arith.constant 0 : i32
        %dma_start3A_966 = tpu.memref_slice %arg14[%rem3A_959, %dma_start3A_960, %dma_start3A_965] : memref<2x4x128xi32, #tpu.memory_space<vmem>> -> memref<1x1x128xi32, #tpu.memory_space<vmem>>
        %dma_start3A_967 = tpu.memref_squeeze %dma_start3A_966 : memref<1x1x128xi32, #tpu.memory_space<vmem>> -> memref<128xi32, #tpu.memory_space<vmem>>
        %dma_start3A_968 = arith.constant 0 : i32
        %dma_start3A_969 = arith.constant 0 : i32
        %dma_start3A_970 = tpu.memref_slice %arg4[%dma_start3A_968, %dma_start3A_969] : memref<5000x64xf32, #tpu.memory_space<hbm>> -> memref<5000x64xf32, #tpu.memory_space<hbm>>
        %dma_start3A_971 = tpu.memref_slice %arg21[%rem3A_959] : memref<2x!tpu.dma_semaphore, #tpu.memory_space<semaphore_mem>> -> memref<1x!tpu.dma_semaphore, #tpu.memory_space<semaphore_mem>>
        %dma_start3A_972 = tpu.memref_squeeze %dma_start3A_971 : memref<1x!tpu.dma_semaphore, #tpu.memory_space<semaphore_mem>> -> memref<!tpu.dma_semaphore, #tpu.memory_space<semaphore_mem>>
        tpu.enqueue_indirect_dma source(%dma_start3A_970 : memref<5000x64xf32, #tpu.memory_space<hbm>>) target(%dma_start3A_964 : memref<128x64xf32, #tpu.memory_space<vmem>>) offsets(%dma_start3A_967 : memref<128xi32, #tpu.memory_space<vmem>>) semaphore(%dma_start3A_972 : memref<!tpu.dma_semaphore, #tpu.memory_space<semaphore_mem>>)
        "tpu.trace_start"() <{level = 10 : i32, message = "p_small"}> : () -> ()
        %add3A_973 = arith.constant 1 : i32
        %add3A_974 = arith.addi %scan3A_494, %add3A_973 : i32
        %rem3A_975 = arith.constant 2 : i32
        %rem3A_976 = arith.remsi %add3A_974, %rem3A_975 : i32
        %parallel_loop3A_977 = arith.constant 0 : i32
        %parallel_loop3A_978 = arith.constant 512 : i32
        %parallel_loop3A_979 = arith.constant 1 : i32
        %parallel_loop3A_980 = arith.constant 0 : i32
        scf.for %parallel_loop3A_989 = %parallel_loop3A_977 to %parallel_loop3A_978 step %parallel_loop3A_979  : i32 {
          %parallel_loop3A_990 = arith.constant 6 : i32
          %parallel_loop3A_991 = arith.shrui %parallel_loop3A_989, %parallel_loop3A_990 : i32
          %parallel_loop3A_992 = arith.constant 63 : i32
          %parallel_loop3A_993 = arith.andi %parallel_loop3A_989, %parallel_loop3A_992 : i32
          %parallel_loop3A_994 = arith.constant 16 : i32
          %parallel_loop3A_995 = arith.muli %parallel_loop3A_991, %parallel_loop3A_994 : i32
          %parallel_loop3A_996 = arith.constant 1 : i32
          %parallel_loop3A_997 = arith.index_cast %rem3A_976 : i32 to index
          %parallel_loop3A_998 = arith.index_cast %parallel_loop3A_996 : i32 to index
          %parallel_loop3A_999 = arith.index_cast %parallel_loop3A_995 : i32 to index
          %parallel_loop3A_1000 = tpu.vector_load %arg14[%parallel_loop3A_997, %parallel_loop3A_998, %parallel_loop3A_999] {strides = array<i32>} : memref<2x4x128xi32, #tpu.memory_space<vmem>>, vector<16xi32>,
          %parallel_loop3A_1001 = arith.constant 0 : i32
          %parallel_loop3A_1002 = vector.broadcast %parallel_loop3A_1001 : i32 to vector<16xi32>
          %parallel_loop3A_1003 = vector.broadcast %parallel_loop3A_993 : i32 to vector<16xi32>
          %parallel_loop3A_1004 = arith.addi %parallel_loop3A_1002, %parallel_loop3A_1003 : vector<16xi32>
          %parallel_loop3A_1005 = tpu.vector_load_idx %arg17[%parallel_loop3A_1000, %parallel_loop3A_1004] : memref<30x65xf32, #tpu.memory_space<vmem>>[vector<16xi32>, vector<16xi32>], vector<16xf32>,
          %parallel_loop3A_1006 = arith.constant 16 : i32
          %parallel_loop3A_1007 = arith.muli %parallel_loop3A_991, %parallel_loop3A_1006 : i32
          %parallel_loop3A_1008 = arith.constant 0 : i32
          %parallel_loop3A_1009 = arith.constant 0 : i32
          %parallel_loop3A_1010 = tpu.memref_slice %arg16[%rem3A_976, %parallel_loop3A_980, %parallel_loop3A_1008, %parallel_loop3A_1009] : memref<2x3x64x128xf32, #tpu.memory_space<vmem>> -> memref<1x1x64x128xf32, #tpu.memory_space<vmem>>
          %parallel_loop3A_1011 = tpu.memref_squeeze %parallel_loop3A_1010 : memref<1x1x64x128xf32, #tpu.memory_space<vmem>> -> memref<64x128xf32, #tpu.memory_space<vmem>>
          %parallel_loop3A_1012 = arith.index_cast %parallel_loop3A_993 : i32 to index
          %parallel_loop3A_1013 = arith.index_cast %parallel_loop3A_1007 : i32 to index
          %parallel_loop3A_1014 = tpu.vector_load %parallel_loop3A_1011[%parallel_loop3A_1012, %parallel_loop3A_1013] {strides = array<i32>} : memref<64x128xf32, #tpu.memory_space<vmem>>, vector<16xf32>,
          tpu.vector_store %parallel_loop3A_1011[%parallel_loop3A_1012, %parallel_loop3A_1013], %parallel_loop3A_1005 {strides = array<i32>} : memref<64x128xf32, #tpu.memory_space<vmem>>, vector<16xf32>,
        } {sc.loop_unroll_factor = 8 : i64, sc.parallel_access}
        %parallel_loop3A_981 = arith.constant 0 : i32
        %parallel_loop3A_982 = arith.constant 512 : i32
        %parallel_loop3A_983 = arith.constant 1 : i32
        %parallel_loop3A_984 = arith.constant 1 : i32
        scf.for %parallel_loop3A_989 = %parallel_loop3A_981 to %parallel_loop3A_982 step %parallel_loop3A_983  : i32 {
          %parallel_loop3A_990 = arith.constant 6 : i32
          %parallel_loop3A_991 = arith.shrui %parallel_loop3A_989, %parallel_loop3A_990 : i32
          %parallel_loop3A_992 = arith.constant 63 : i32
          %parallel_loop3A_993 = arith.andi %parallel_loop3A_989, %parallel_loop3A_992 : i32
          %parallel_loop3A_994 = arith.constant 16 : i32
          %parallel_loop3A_995 = arith.muli %parallel_loop3A_991, %parallel_loop3A_994 : i32
          %parallel_loop3A_996 = arith.constant 2 : i32
          %parallel_loop3A_997 = arith.index_cast %rem3A_976 : i32 to index
          %parallel_loop3A_998 = arith.index_cast %parallel_loop3A_996 : i32 to index
          %parallel_loop3A_999 = arith.index_cast %parallel_loop3A_995 : i32 to index
          %parallel_loop3A_1000 = tpu.vector_load %arg14[%parallel_loop3A_997, %parallel_loop3A_998, %parallel_loop3A_999] {strides = array<i32>} : memref<2x4x128xi32, #tpu.memory_space<vmem>>, vector<16xi32>,
          %parallel_loop3A_1001 = arith.constant 0 : i32
          %parallel_loop3A_1002 = vector.broadcast %parallel_loop3A_1001 : i32 to vector<16xi32>
          %parallel_loop3A_1003 = vector.broadcast %parallel_loop3A_993 : i32 to vector<16xi32>
          %parallel_loop3A_1004 = arith.addi %parallel_loop3A_1002, %parallel_loop3A_1003 : vector<16xi32>
          %parallel_loop3A_1005 = tpu.vector_load_idx %arg18[%parallel_loop3A_1000, %parallel_loop3A_1004] : memref<300x65xf32, #tpu.memory_space<vmem>>[vector<16xi32>, vector<16xi32>], vector<16xf32>,
          %parallel_loop3A_1006 = arith.constant 16 : i32
          %parallel_loop3A_1007 = arith.muli %parallel_loop3A_991, %parallel_loop3A_1006 : i32
          %parallel_loop3A_1008 = arith.constant 0 : i32
          %parallel_loop3A_1009 = arith.constant 0 : i32
          %parallel_loop3A_1010 = tpu.memref_slice %arg16[%rem3A_976, %parallel_loop3A_984, %parallel_loop3A_1008, %parallel_loop3A_1009] : memref<2x3x64x128xf32, #tpu.memory_space<vmem>> -> memref<1x1x64x128xf32, #tpu.memory_space<vmem>>
          %parallel_loop3A_1011 = tpu.memref_squeeze %parallel_loop3A_1010 : memref<1x1x64x128xf32, #tpu.memory_space<vmem>> -> memref<64x128xf32, #tpu.memory_space<vmem>>
          %parallel_loop3A_1012 = arith.index_cast %parallel_loop3A_993 : i32 to index
          %parallel_loop3A_1013 = arith.index_cast %parallel_loop3A_1007 : i32 to index
          %parallel_loop3A_1014 = tpu.vector_load %parallel_loop3A_1011[%parallel_loop3A_1012, %parallel_loop3A_1013] {strides = array<i32>} : memref<64x128xf32, #tpu.memory_space<vmem>>, vector<16xf32>,
          tpu.vector_store %parallel_loop3A_1011[%parallel_loop3A_1012, %parallel_loop3A_1013], %parallel_loop3A_1005 {strides = array<i32>} : memref<64x128xf32, #tpu.memory_space<vmem>>, vector<16xf32>,
        } {sc.loop_unroll_factor = 8 : i64, sc.parallel_access}
        %parallel_loop3A_985 = arith.constant 0 : i32
        %parallel_loop3A_986 = arith.constant 512 : i32
        %parallel_loop3A_987 = arith.constant 1 : i32
        %parallel_loop3A_988 = arith.constant 2 : i32
        scf.for %parallel_loop3A_989 = %parallel_loop3A_985 to %parallel_loop3A_986 step %parallel_loop3A_987  : i32 {
          %parallel_loop3A_990 = arith.constant 6 : i32
          %parallel_loop3A_991 = arith.shrui %parallel_loop3A_989, %parallel_loop3A_990 : i32
          %parallel_loop3A_992 = arith.constant 63 : i32
          %parallel_loop3A_993 = arith.andi %parallel_loop3A_989, %parallel_loop3A_992 : i32
          %parallel_loop3A_994 = arith.constant 16 : i32
          %parallel_loop3A_995 = arith.muli %parallel_loop3A_991, %parallel_loop3A_994 : i32
          %parallel_loop3A_996 = arith.constant 3 : i32
          %parallel_loop3A_997 = arith.index_cast %rem3A_976 : i32 to index
          %parallel_loop3A_998 = arith.index_cast %parallel_loop3A_996 : i32 to index
          %parallel_loop3A_999 = arith.index_cast %parallel_loop3A_995 : i32 to index
          %parallel_loop3A_1000 = tpu.vector_load %arg14[%parallel_loop3A_997, %parallel_loop3A_998, %parallel_loop3A_999] {strides = array<i32>} : memref<2x4x128xi32, #tpu.memory_space<vmem>>, vector<16xi32>,
          %parallel_loop3A_1001 = arith.constant 0 : i32
          %parallel_loop3A_1002 = vector.broadcast %parallel_loop3A_1001 : i32 to vector<16xi32>
          %parallel_loop3A_1003 = vector.broadcast %parallel_loop3A_993 : i32 to vector<16xi32>
          %parallel_loop3A_1004 = arith.addi %parallel_loop3A_1002, %parallel_loop3A_1003 : vector<16xi32>
          %parallel_loop3A_1005 = tpu.vector_load_idx %arg19[%parallel_loop3A_1000, %parallel_loop3A_1004] : memref<5x65xf32, #tpu.memory_space<vmem>>[vector<16xi32>, vector<16xi32>], vector<16xf32>,
          %parallel_loop3A_1006 = arith.constant 16 : i32
          %parallel_loop3A_1007 = arith.muli %parallel_loop3A_991, %parallel_loop3A_1006 : i32
          %parallel_loop3A_1008 = arith.constant 0 : i32
          %parallel_loop3A_1009 = arith.constant 0 : i32
          %parallel_loop3A_1010 = tpu.memref_slice %arg16[%rem3A_976, %parallel_loop3A_988, %parallel_loop3A_1008, %parallel_loop3A_1009] : memref<2x3x64x128xf32, #tpu.memory_space<vmem>> -> memref<1x1x64x128xf32, #tpu.memory_space<vmem>>
          %parallel_loop3A_1011 = tpu.memref_squeeze %parallel_loop3A_1010 : memref<1x1x64x128xf32, #tpu.memory_space<vmem>> -> memref<64x128xf32, #tpu.memory_space<vmem>>
          %parallel_loop3A_1012 = arith.index_cast %parallel_loop3A_993 : i32 to index
          %parallel_loop3A_1013 = arith.index_cast %parallel_loop3A_1007 : i32 to index
          %parallel_loop3A_1014 = tpu.vector_load %parallel_loop3A_1011[%parallel_loop3A_1012, %parallel_loop3A_1013] {strides = array<i32>} : memref<64x128xf32, #tpu.memory_space<vmem>>, vector<16xf32>,
          tpu.vector_store %parallel_loop3A_1011[%parallel_loop3A_1012, %parallel_loop3A_1013], %parallel_loop3A_1005 {strides = array<i32>} : memref<64x128xf32, #tpu.memory_space<vmem>>, vector<16xf32>,
        } {sc.loop_unroll_factor = 8 : i64, sc.parallel_access}
        "tpu.trace_stop"() : () -> ()
      } else {
      }
      "tpu.trace_start"() <{level = 10 : i32, message = "p_locwait"}> : () -> ()
      %rem3A_510 = arith.constant 2 : i32
      %rem3A_511 = arith.remsi %scan3A_494, %rem3A_510 : i32
      %dma_wait3A_512 = arith.constant 0 : i32
      %dma_wait3A_513 = arith.constant 0 : i32
      %dma_wait3A_514 = arith.constant 0 : i32
      %dma_wait3A_515 = tpu.memref_slice %arg15[%rem3A_511, %dma_wait3A_513, %dma_wait3A_514] : memref<2x128x64xf32, #tpu.memory_space<vmem>> -> memref<1x128x64xf32, #tpu.memory_space<vmem>>
      %dma_wait3A_516 = tpu.memref_squeeze %dma_wait3A_515 : memref<1x128x64xf32, #tpu.memory_space<vmem>> -> memref<128x64xf32, #tpu.memory_space<vmem>>
      %dma_wait3A_517 = arith.constant 0 : i32
      %dma_wait3A_518 = tpu.memref_slice %arg14[%rem3A_511, %dma_wait3A_512, %dma_wait3A_517] : memref<2x4x128xi32, #tpu.memory_space<vmem>> -> memref<1x1x128xi32, #tpu.memory_space<vmem>>
      %dma_wait3A_519 = tpu.memref_squeeze %dma_wait3A_518 : memref<1x1x128xi32, #tpu.memory_space<vmem>> -> memref<128xi32, #tpu.memory_space<vmem>>
      %dma_wait3A_520 = arith.constant 0 : i32
      %dma_wait3A_521 = arith.constant 0 : i32
      %dma_wait3A_522 = tpu.memref_slice %arg4[%dma_wait3A_520, %dma_wait3A_521] : memref<5000x64xf32, #tpu.memory_space<hbm>> -> memref<5000x64xf32, #tpu.memory_space<hbm>>
      %dma_wait3A_523 = tpu.memref_slice %arg21[%rem3A_511] : memref<2x!tpu.dma_semaphore, #tpu.memory_space<semaphore_mem>> -> memref<1x!tpu.dma_semaphore, #tpu.memory_space<semaphore_mem>>
      %dma_wait3A_524 = tpu.memref_squeeze %dma_wait3A_523 : memref<1x!tpu.dma_semaphore, #tpu.memory_space<semaphore_mem>> -> memref<!tpu.dma_semaphore, #tpu.memory_space<semaphore_mem>>
      tpu.wait_indirect_dma semaphore(%dma_wait3A_524 : memref<!tpu.dma_semaphore, #tpu.memory_space<semaphore_mem>>) src(%dma_wait3A_522 : memref<5000x64xf32, #tpu.memory_space<hbm>>) dst(%dma_wait3A_516 : memref<128x64xf32, #tpu.memory_space<vmem>>)
      "tpu.trace_stop"() : () -> ()
      %rem3A_525 = arith.constant 2 : i32
      %rem3A_526 = arith.remsi %scan3A_494, %rem3A_525 : i32
      %dma_start3A_527 = arith.constant 0 : i32
      %dma_start3A_528 = arith.constant 0 : i32
      %dma_start3A_529 = tpu.memref_slice %arg15[%rem3A_526, %dma_start3A_527, %dma_start3A_528] : memref<2x128x64xf32, #tpu.memory_space<vmem>> -> memref<1x128x64xf32, #tpu.memory_space<vmem>>
      %dma_start3A_530 = tpu.memref_squeeze %dma_start3A_529 : memref<1x128x64xf32, #tpu.memory_space<vmem>> -> memref<128x64xf32, #tpu.memory_space<vmem>>
      %dma_start3A_531 = arith.constant 0 : i32
      %dma_start3A_532 = tpu.memref_slice %arg8[%scan3A_494, %mul3A_2, %dma_start3A_531] : memref<50x4096x64xf32, #tpu.memory_space<hbm>> -> memref<1x128x64xf32, #tpu.memory_space<hbm>>
      %dma_start3A_533 = tpu.memref_squeeze %dma_start3A_532 : memref<1x128x64xf32, #tpu.memory_space<hbm>> -> memref<128x64xf32, #tpu.memory_space<hbm>>
      %dma_start3A_534 = arith.constant 0 : i32
      %dma_start3A_535 = tpu.memref_slice %arg8[%scan3A_494, %mul3A_2, %dma_start3A_534] : memref<50x4096x64xf32, #tpu.memory_space<hbm>> -> memref<1x128x64xf32, #tpu.memory_space<hbm>>
      %dma_start3A_536 = tpu.memref_squeeze %dma_start3A_535 : memref<1x128x64xf32, #tpu.memory_space<hbm>> -> memref<128x64xf32, #tpu.memory_space<hbm>>
      %dma_start3A_537 = arith.constant 0 : i32
      %dma_start3A_538 = arith.constant 0 : i32
      %dma_start3A_539 = tpu.memref_slice %arg15[%rem3A_526, %dma_start3A_537, %dma_start3A_538] : memref<2x128x64xf32, #tpu.memory_space<vmem>> -> memref<1x128x64xf32, #tpu.memory_space<vmem>>
      %dma_start3A_540 = tpu.memref_squeeze %dma_start3A_539 : memref<1x128x64xf32, #tpu.memory_space<vmem>> -> memref<128x64xf32, #tpu.memory_space<vmem>>
      tpu.enqueue_dma source(%dma_start3A_540 : memref<128x64xf32, #tpu.memory_space<vmem>>) target(%dma_start3A_536 : memref<128x64xf32, #tpu.memory_space<hbm>>) target_semaphore(%arg22 : memref<!tpu.dma_semaphore, #tpu.memory_space<semaphore_mem>>)
      %dma_start3A_541 = arith.constant 0 : i32
      %dma_start3A_542 = arith.constant 0 : i32
      %dma_start3A_543 = arith.constant 0 : i32
      %dma_start3A_544 = tpu.memref_slice %arg16[%rem3A_526, %dma_start3A_541, %dma_start3A_542, %dma_start3A_543] : memref<2x3x64x128xf32, #tpu.memory_space<vmem>> -> memref<1x1x64x128xf32, #tpu.memory_space<vmem>>
      %dma_start3A_545 = tpu.memref_squeeze %dma_start3A_544 : memref<1x1x64x128xf32, #tpu.memory_space<vmem>> -> memref<64x128xf32, #tpu.memory_space<vmem>>
      %dma_start3A_546 = arith.constant 0 : i32
      %dma_start3A_547 = tpu.memref_slice %arg9[%scan3A_494, %dma_start3A_546, %mul3A_2] : memref<50x64x4096xf32, #tpu.memory_space<hbm>> -> memref<1x64x128xf32, #tpu.memory_space<hbm>>
      %dma_start3A_548 = tpu.memref_squeeze %dma_start3A_547 : memref<1x64x128xf32, #tpu.memory_space<hbm>> -> memref<64x128xf32, #tpu.memory_space<hbm>>
      %dma_start3A_549 = arith.constant 0 : i32
      %dma_start3A_550 = tpu.memref_slice %arg9[%scan3A_494, %dma_start3A_549, %mul3A_2] : memref<50x64x4096xf32, #tpu.memory_space<hbm>> -> memref<1x64x128xf32, #tpu.memory_space<hbm>>
      %dma_start3A_551 = tpu.memref_squeeze %dma_start3A_550 : memref<1x64x128xf32, #tpu.memory_space<hbm>> -> memref<64x128xf32, #tpu.memory_space<hbm>>
      %dma_start3A_552 = arith.constant 0 : i32
      %dma_start3A_553 = arith.constant 0 : i32
      %dma_start3A_554 = tpu.memref_slice %arg16[%rem3A_526, %dma_start3A_541, %dma_start3A_552, %dma_start3A_553] : memref<2x3x64x128xf32, #tpu.memory_space<vmem>> -> memref<1x1x64x128xf32, #tpu.memory_space<vmem>>
      %dma_start3A_555 = tpu.memref_squeeze %dma_start3A_554 : memref<1x1x64x128xf32, #tpu.memory_space<vmem>> -> memref<64x128xf32, #tpu.memory_space<vmem>>
      tpu.enqueue_dma source(%dma_start3A_555 : memref<64x128xf32, #tpu.memory_space<vmem>>) target(%dma_start3A_551 : memref<64x128xf32, #tpu.memory_space<hbm>>) target_semaphore(%arg22 : memref<!tpu.dma_semaphore, #tpu.memory_space<semaphore_mem>>)
      %dma_start3A_556 = arith.constant 1 : i32
      %dma_start3A_557 = arith.constant 0 : i32
      %dma_start3A_558 = arith.constant 0 : i32
      %dma_start3A_559 = tpu.memref_slice %arg16[%rem3A_526, %dma_start3A_556, %dma_start3A_557, %dma_start3A_558] : memref<2x3x64x128xf32, #tpu.memory_space<vmem>> -> memref<1x1x64x128xf32, #tpu.memory_space<vmem>>
      %dma_start3A_560 = tpu.memref_squeeze %dma_start3A_559 : memref<1x1x64x128xf32, #tpu.memory_space<vmem>> -> memref<64x128xf32, #tpu.memory_space<vmem>>
      %dma_start3A_561 = arith.constant 0 : i32
      %dma_start3A_562 = tpu.memref_slice %arg10[%scan3A_494, %dma_start3A_561, %mul3A_2] : memref<50x64x4096xf32, #tpu.memory_space<hbm>> -> memref<1x64x128xf32, #tpu.memory_space<hbm>>
      %dma_start3A_563 = tpu.memref_squeeze %dma_start3A_562 : memref<1x64x128xf32, #tpu.memory_space<hbm>> -> memref<64x128xf32, #tpu.memory_space<hbm>>
      %dma_start3A_564 = arith.constant 0 : i32
      %dma_start3A_565 = tpu.memref_slice %arg10[%scan3A_494, %dma_start3A_564, %mul3A_2] : memref<50x64x4096xf32, #tpu.memory_space<hbm>> -> memref<1x64x128xf32, #tpu.memory_space<hbm>>
      %dma_start3A_566 = tpu.memref_squeeze %dma_start3A_565 : memref<1x64x128xf32, #tpu.memory_space<hbm>> -> memref<64x128xf32, #tpu.memory_space<hbm>>
      %dma_start3A_567 = arith.constant 0 : i32
      %dma_start3A_568 = arith.constant 0 : i32
      %dma_start3A_569 = tpu.memref_slice %arg16[%rem3A_526, %dma_start3A_556, %dma_start3A_567, %dma_start3A_568] : memref<2x3x64x128xf32, #tpu.memory_space<vmem>> -> memref<1x1x64x128xf32, #tpu.memory_space<vmem>>
      %dma_start3A_570 = tpu.memref_squeeze %dma_start3A_569 : memref<1x1x64x128xf32, #tpu.memory_space<vmem>> -> memref<64x128xf32, #tpu.memory_space<vmem>>
      tpu.enqueue_dma source(%dma_start3A_570 : memref<64x128xf32, #tpu.memory_space<vmem>>) target(%dma_start3A_566 : memref<64x128xf32, #tpu.memory_space<hbm>>) target_semaphore(%arg22 : memref<!tpu.dma_semaphore, #tpu.memory_space<semaphore_mem>>)
      %dma_start3A_571 = arith.constant 2 : i32
      %dma_start3A_572 = arith.constant 0 : i32
      %dma_start3A_573 = arith.constant 0 : i32
      %dma_start3A_574 = tpu.memref_slice %arg16[%rem3A_526, %dma_start3A_571, %dma_start3A_572, %dma_start3A_573] : memref<2x3x64x128xf32, #tpu.memory_space<vmem>> -> memref<1x1x64x128xf32, #tpu.memory_space<vmem>>
      %dma_start3A_575 = tpu.memref_squeeze %dma_start3A_574 : memref<1x1x64x128xf32, #tpu.memory_space<vmem>> -> memref<64x128xf32, #tpu.memory_space<vmem>>
      %dma_start3A_576 = arith.constant 0 : i32
      %dma_start3A_577 = tpu.memref_slice %arg11[%scan3A_494, %dma_start3A_576, %mul3A_2] : memref<50x64x4096xf32, #tpu.memory_space<hbm>> -> memref<1x64x128xf32, #tpu.memory_space<hbm>>
      %dma_start3A_578 = tpu.memref_squeeze %dma_start3A_577 : memref<1x64x128xf32, #tpu.memory_space<hbm>> -> memref<64x128xf32, #tpu.memory_space<hbm>>
      %dma_start3A_579 = arith.constant 0 : i32
      %dma_start3A_580 = tpu.memref_slice %arg11[%scan3A_494, %dma_start3A_579, %mul3A_2] : memref<50x64x4096xf32, #tpu.memory_space<hbm>> -> memref<1x64x128xf32, #tpu.memory_space<hbm>>
      %dma_start3A_581 = tpu.memref_squeeze %dma_start3A_580 : memref<1x64x128xf32, #tpu.memory_space<hbm>> -> memref<64x128xf32, #tpu.memory_space<hbm>>
      %dma_start3A_582 = arith.constant 0 : i32
      %dma_start3A_583 = arith.constant 0 : i32
      %dma_start3A_584 = tpu.memref_slice %arg16[%rem3A_526, %dma_start3A_571, %dma_start3A_582, %dma_start3A_583] : memref<2x3x64x128xf32, #tpu.memory_space<vmem>> -> memref<1x1x64x128xf32, #tpu.memory_space<vmem>>
      %dma_start3A_585 = tpu.memref_squeeze %dma_start3A_584 : memref<1x1x64x128xf32, #tpu.memory_space<vmem>> -> memref<64x128xf32, #tpu.memory_space<vmem>>
      tpu.enqueue_dma source(%dma_start3A_585 : memref<64x128xf32, #tpu.memory_space<vmem>>) target(%dma_start3A_581 : memref<64x128xf32, #tpu.memory_space<hbm>>) target_semaphore(%arg22 : memref<!tpu.dma_semaphore, #tpu.memory_space<semaphore_mem>>)
    }
    %scan3A_427 = arith.constant 50 : i32
    %rem3A_428 = arith.constant 49 : i32
    %rem3A_429 = arith.constant 2 : i32
    %rem3A_430 = arith.remsi %rem3A_428, %rem3A_429 : i32
    %dma_wait3A_431 = arith.constant 49 : i32
    %dma_wait3A_432 = arith.constant 0 : i32
    %dma_wait3A_433 = arith.constant 0 : i32
    %dma_wait3A_434 = tpu.memref_slice %arg15[%rem3A_430, %dma_wait3A_432, %dma_wait3A_433] : memref<2x128x64xf32, #tpu.memory_space<vmem>> -> memref<1x128x64xf32, #tpu.memory_space<vmem>>
    %dma_wait3A_435 = tpu.memref_squeeze %dma_wait3A_434 : memref<1x128x64xf32, #tpu.memory_space<vmem>> -> memref<128x64xf32, #tpu.memory_space<vmem>>
    %dma_wait3A_436 = arith.constant 0 : i32
    %dma_wait3A_437 = tpu.memref_slice %arg8[%dma_wait3A_431, %mul3A_2, %dma_wait3A_436] : memref<50x4096x64xf32, #tpu.memory_space<hbm>> -> memref<1x128x64xf32, #tpu.memory_space<hbm>>
    %dma_wait3A_438 = tpu.memref_squeeze %dma_wait3A_437 : memref<1x128x64xf32, #tpu.memory_space<hbm>> -> memref<128x64xf32, #tpu.memory_space<hbm>>
    %dma_wait3A_439 = arith.constant 0 : i32
    %dma_wait3A_440 = tpu.memref_slice %arg8[%dma_wait3A_431, %mul3A_2, %dma_wait3A_439] : memref<50x4096x64xf32, #tpu.memory_space<hbm>> -> memref<1x128x64xf32, #tpu.memory_space<hbm>>
    %dma_wait3A_441 = tpu.memref_squeeze %dma_wait3A_440 : memref<1x128x64xf32, #tpu.memory_space<hbm>> -> memref<128x64xf32, #tpu.memory_space<hbm>>
    %dma_wait3A_442 = arith.constant 0 : i32
    %dma_wait3A_443 = arith.constant 0 : i32
    %dma_wait3A_444 = tpu.memref_slice %arg15[%rem3A_430, %dma_wait3A_442, %dma_wait3A_443] : memref<2x128x64xf32, #tpu.memory_space<vmem>> -> memref<1x128x64xf32, #tpu.memory_space<vmem>>
    %dma_wait3A_445 = tpu.memref_squeeze %dma_wait3A_444 : memref<1x128x64xf32, #tpu.memory_space<vmem>> -> memref<128x64xf32, #tpu.memory_space<vmem>>
    tpu.wait_dma2 semaphore(%arg22 : memref<!tpu.dma_semaphore, #tpu.memory_space<semaphore_mem>>) src(%dma_wait3A_445 : memref<128x64xf32, #tpu.memory_space<vmem>>) dst(%dma_wait3A_441 : memref<128x64xf32, #tpu.memory_space<hbm>>)
    %dma_wait3A_446 = arith.constant 0 : i32
    %dma_wait3A_447 = arith.constant 49 : i32
    %dma_wait3A_448 = arith.constant 0 : i32
    %dma_wait3A_449 = arith.constant 0 : i32
    %dma_wait3A_450 = tpu.memref_slice %arg16[%rem3A_430, %dma_wait3A_446, %dma_wait3A_448, %dma_wait3A_449] : memref<2x3x64x128xf32, #tpu.memory_space<vmem>> -> memref<1x1x64x128xf32, #tpu.memory_space<vmem>>
    %dma_wait3A_451 = tpu.memref_squeeze %dma_wait3A_450 : memref<1x1x64x128xf32, #tpu.memory_space<vmem>> -> memref<64x128xf32, #tpu.memory_space<vmem>>
    %dma_wait3A_452 = arith.constant 0 : i32
    %dma_wait3A_453 = tpu.memref_slice %arg9[%dma_wait3A_447, %dma_wait3A_452, %mul3A_2] : memref<50x64x4096xf32, #tpu.memory_space<hbm>> -> memref<1x64x128xf32, #tpu.memory_space<hbm>>
    %dma_wait3A_454 = tpu.memref_squeeze %dma_wait3A_453 : memref<1x64x128xf32, #tpu.memory_space<hbm>> -> memref<64x128xf32, #tpu.memory_space<hbm>>
    %dma_wait3A_455 = arith.constant 0 : i32
    %dma_wait3A_456 = tpu.memref_slice %arg9[%dma_wait3A_447, %dma_wait3A_455, %mul3A_2] : memref<50x64x4096xf32, #tpu.memory_space<hbm>> -> memref<1x64x128xf32, #tpu.memory_space<hbm>>
    %dma_wait3A_457 = tpu.memref_squeeze %dma_wait3A_456 : memref<1x64x128xf32, #tpu.memory_space<hbm>> -> memref<64x128xf32, #tpu.memory_space<hbm>>
    %dma_wait3A_458 = arith.constant 0 : i32
    %dma_wait3A_459 = arith.constant 0 : i32
    %dma_wait3A_460 = tpu.memref_slice %arg16[%rem3A_430, %dma_wait3A_446, %dma_wait3A_458, %dma_wait3A_459] : memref<2x3x64x128xf32, #tpu.memory_space<vmem>> -> memref<1x1x64x128xf32, #tpu.memory_space<vmem>>
    %dma_wait3A_461 = tpu.memref_squeeze %dma_wait3A_460 : memref<1x1x64x128xf32, #tpu.memory_space<vmem>> -> memref<64x128xf32, #tpu.memory_space<vmem>>
    tpu.wait_dma2 semaphore(%arg22 : memref<!tpu.dma_semaphore, #tpu.memory_space<semaphore_mem>>) src(%dma_wait3A_461 : memref<64x128xf32, #tpu.memory_space<vmem>>) dst(%dma_wait3A_457 : memref<64x128xf32, #tpu.memory_space<hbm>>)
    %dma_wait3A_462 = arith.constant 1 : i32
    %dma_wait3A_463 = arith.constant 49 : i32
    %dma_wait3A_464 = arith.constant 0 : i32
    %dma_wait3A_465 = arith.constant 0 : i32
    %dma_wait3A_466 = tpu.memref_slice %arg16[%rem3A_430, %dma_wait3A_462, %dma_wait3A_464, %dma_wait3A_465] : memref<2x3x64x128xf32, #tpu.memory_space<vmem>> -> memref<1x1x64x128xf32, #tpu.memory_space<vmem>>
    %dma_wait3A_467 = tpu.memref_squeeze %dma_wait3A_466 : memref<1x1x64x128xf32, #tpu.memory_space<vmem>> -> memref<64x128xf32, #tpu.memory_space<vmem>>
    %dma_wait3A_468 = arith.constant 0 : i32
    %dma_wait3A_469 = tpu.memref_slice %arg10[%dma_wait3A_463, %dma_wait3A_468, %mul3A_2] : memref<50x64x4096xf32, #tpu.memory_space<hbm>> -> memref<1x64x128xf32, #tpu.memory_space<hbm>>
    %dma_wait3A_470 = tpu.memref_squeeze %dma_wait3A_469 : memref<1x64x128xf32, #tpu.memory_space<hbm>> -> memref<64x128xf32, #tpu.memory_space<hbm>>
    %dma_wait3A_471 = arith.constant 0 : i32
    %dma_wait3A_472 = tpu.memref_slice %arg10[%dma_wait3A_463, %dma_wait3A_471, %mul3A_2] : memref<50x64x4096xf32, #tpu.memory_space<hbm>> -> memref<1x64x128xf32, #tpu.memory_space<hbm>>
    %dma_wait3A_473 = tpu.memref_squeeze %dma_wait3A_472 : memref<1x64x128xf32, #tpu.memory_space<hbm>> -> memref<64x128xf32, #tpu.memory_space<hbm>>
    %dma_wait3A_474 = arith.constant 0 : i32
    %dma_wait3A_475 = arith.constant 0 : i32
    %dma_wait3A_476 = tpu.memref_slice %arg16[%rem3A_430, %dma_wait3A_462, %dma_wait3A_474, %dma_wait3A_475] : memref<2x3x64x128xf32, #tpu.memory_space<vmem>> -> memref<1x1x64x128xf32, #tpu.memory_space<vmem>>
    %dma_wait3A_477 = tpu.memref_squeeze %dma_wait3A_476 : memref<1x1x64x128xf32, #tpu.memory_space<vmem>> -> memref<64x128xf32, #tpu.memory_space<vmem>>
    tpu.wait_dma2 semaphore(%arg22 : memref<!tpu.dma_semaphore, #tpu.memory_space<semaphore_mem>>) src(%dma_wait3A_477 : memref<64x128xf32, #tpu.memory_space<vmem>>) dst(%dma_wait3A_473 : memref<64x128xf32, #tpu.memory_space<hbm>>)
    %dma_wait3A_478 = arith.constant 2 : i32
    %dma_wait3A_479 = arith.constant 49 : i32
    %dma_wait3A_480 = arith.constant 0 : i32
    %dma_wait3A_481 = arith.constant 0 : i32
    %dma_wait3A_482 = tpu.memref_slice %arg16[%rem3A_430, %dma_wait3A_478, %dma_wait3A_480, %dma_wait3A_481] : memref<2x3x64x128xf32, #tpu.memory_space<vmem>> -> memref<1x1x64x128xf32, #tpu.memory_space<vmem>>
    %dma_wait3A_483 = tpu.memref_squeeze %dma_wait3A_482 : memref<1x1x64x128xf32, #tpu.memory_space<vmem>> -> memref<64x128xf32, #tpu.memory_space<vmem>>
    %dma_wait3A_484 = arith.constant 0 : i32
    %dma_wait3A_485 = tpu.memref_slice %arg11[%dma_wait3A_479, %dma_wait3A_484, %mul3A_2] : memref<50x64x4096xf32, #tpu.memory_space<hbm>> -> memref<1x64x128xf32, #tpu.memory_space<hbm>>
    %dma_wait3A_486 = tpu.memref_squeeze %dma_wait3A_485 : memref<1x64x128xf32, #tpu.memory_space<hbm>> -> memref<64x128xf32, #tpu.memory_space<hbm>>
    %dma_wait3A_487 = arith.constant 0 : i32
    %dma_wait3A_488 = tpu.memref_slice %arg11[%dma_wait3A_479, %dma_wait3A_487, %mul3A_2] : memref<50x64x4096xf32, #tpu.memory_space<hbm>> -> memref<1x64x128xf32, #tpu.memory_space<hbm>>
    %dma_wait3A_489 = tpu.memref_squeeze %dma_wait3A_488 : memref<1x64x128xf32, #tpu.memory_space<hbm>> -> memref<64x128xf32, #tpu.memory_space<hbm>>
    %dma_wait3A_490 = arith.constant 0 : i32
    %dma_wait3A_491 = arith.constant 0 : i32
    %dma_wait3A_492 = tpu.memref_slice %arg16[%rem3A_430, %dma_wait3A_478, %dma_wait3A_490, %dma_wait3A_491] : memref<2x3x64x128xf32, #tpu.memory_space<vmem>> -> memref<1x1x64x128xf32, #tpu.memory_space<vmem>>
    %dma_wait3A_493 = tpu.memref_squeeze %dma_wait3A_492 : memref<1x1x64x128xf32, #tpu.memory_space<vmem>> -> memref<64x128xf32, #tpu.memory_space<vmem>>
    tpu.wait_dma2 semaphore(%arg22 : memref<!tpu.dma_semaphore, #tpu.memory_space<semaphore_mem>>) src(%dma_wait3A_493 : memref<64x128xf32, #tpu.memory_space<vmem>>) dst(%dma_wait3A_489 : memref<64x128xf32, #tpu.memory_space<hbm>>)
    return
  }
}

</mosaic_0001>

<sc_bundles>
// kernel: kernel.3.cloned.1.call-start
scs
__scs_entry_jumppad:
0x0: {  	(pc) =	sbr.rel $0x88, $3  }
0x1: {  	(tag) =	ssettag $0x0;
	lr =	simm.s32 $0x1  }
0x2: {  	[smem:$0x3F9B] =	sst lr;
	_ =	strace $0xD0000000  }
0x3: {  	_ = 	snop  }
0x4: {  	_ = 	snop  }
0x5: {  	_ = 	snop  }
0x6: {  	_ = 	snop  }
0x7: {  	_ = 	snop  }
__scs_overlays_trampoline_lowered:
0x8: {  	[smem:$0x3FAA] =	sst s0  }
0x9: {  	[smem:$0x3FAB] =	sst s1  }
0xa: {  	[smem:$0x3FAC] =	sst s2  }
0xb: {  	[smem:$0x3FAD] =	sst s3  }
0xc: {  	[smem:$0x3FAE] =	sst s4  }
0xd: {  	[smem:$0x3FAF] =	sst s5  }
0xe: {  	[smem:$0x3FB0] =	sst s6  }
0xf: {  	[smem:$0x3FB1] =	sst s7  }
0x10: {  	[smem:$0x3FB2] =	sst s8  }
0x11: {  	[smem:$0x3FB3] =	sst s9;
	s0 =	simm.s32 @!p0 $0x0  }
0x12: {  	s1 =	sld [smem:$0x3F99];
	s0 =	simm.s32 @p0 $0x1  }
0x13: {  	[smem:$0x3FB4] =	sst s0;
	s0 =	simm.s32 @!p1 $0x0  }
0x14: {  	s2 =	sld [smem:$0x3F98];
	s0 =	simm.s32 @p1 $0x1  }
0x15: {  	[smem:$0x3FB5] =	sst s0;
	s0 =	simm.s32 @!p2 $0x0  }
0x16: {  	s3 =	sld [smem:$0x3FDB];
	s0 =	simm.s32 @p2 $0x1  }
0x17: {  	s4 =	simm.s32 $0x1BF5;
	[smem:$0x3FB7] =	sst s0  }
0x18: {  	s0 =	sld [smem:$0x3F9A];
	_ =	swait.ge [sflag:s4], $0x0  }
0x19: {  	s7 =	sld [smem:$0x3F9B]  }
0x1a: {  	s8 =	sadd.s32 $0xFFFFE003, lr  }
0x1b: {  	s9 =	sadd.s32 $0xFFFFFEF7, lr;
	s5 =	simm.s32 $0xFFFFFFFF;
	p2 =	slt.u32 s8, $0xFFFFF086  }
0x1c: {  	p1 =	slt.u32 s9, $0xF7A;
	s5 =	simm.s32 @!p2 $0x0  }
0x1d: {  	s5 =	simm.s32 @p1 $0x1;
	p0 =	seq.s32 s7, s2  }
0x1e: {  	s7 =	smul.u32 @!p0 $0xF7A, s2;
	p2 =	seq.s32 @!p0 s5, $0x0  }
0x1f: {  	s9 =	smul.u32 $0xF7A, s1;
	s8 =	simm.s32 @!p0 $0x1BF5;
	p2 =	por !p2, p0  }
0x20: {  	[sflag:s8] =	ssyncset.s32 @!p0 $0xFFFFF086;
	s6 =	sadd.s32 @!p0 s3, s7;
	s7 =	simm.s32 @!p0 $0x108  }
0x21: {  	s3 =	sadd.s32 s3, s9;
	s6 =	sadd.s32 @!p0 $0x88, s6;
	s7 =	simm.s32 @p2 $0x1082  }
0x22: {  	[simem:s7], [sflag:s8] =	dma.local @!p0 [hbm:s6], $0xF7A  }
0x23: {  	s9 =	sor.u32 $0xD0000000, s2;
	s6 =	simm.s32 $0x108;
	_ =	swait.ge @!p0 [sflag:s8], $0x0  }
0x24: {  	s3 =	sadd.s32 $0x88, s3;
	s6 =	simm.s32 @!p1 $0x1082;
	[sflag:s4] =	ssyncset.s32 $0xFFFFF086  }
0x25: {  	[simem:s6], [sflag:s4] =	dma.local [hbm:s3], $0xF7A  }
0x26: {  	[smem:$0x3F9B] =	sst s1;
	(tag) =	ssettag s2;
	_ =	strace s9  }
0x27: {  	s1 =	sld [smem:$0x3FAB]  }
0x28: {  	s2 =	sld [smem:$0x3FAC]  }
0x29: {  	s4 =	sld [smem:$0x3FAE]  }
0x2a: {  	p0 =	seq.s32 s5, $0x0;
	s5 =	sld [smem:$0x3FAF]  }
0x2b: {  	s6 =	sld [smem:$0x3FB0]  }
0x2c: {  	s7 =	sld [smem:$0x3FB1]  }
0x2d: {  	s3 =	simm.s32 $0x108;
	s8 =	sld [smem:$0x3FB2]  }
0x2e: {  	s3 =	simm.s32 @!p0 $0x1082;
	s9 =	sld [smem:$0x3FB3]  }
0x2f: {  	lr =	sadd.s32 s0, s3;
	s0 =	sld [smem:$0x3FAA]  }
0x30: {  	s3 =	sld [smem:$0x3FAD]  }
0x31: {  	[smem:$0x3FB6] =	sst s10  }
0x32: {  	s10 =	sld [smem:$0x3FB4];
	_ =	sdelay $0x3  }
0x33: {  	p0 =	seq.s32 s10, $0x1;
	s10 =	sld [smem:$0x3FB6];
	_ =	sdelay $0x3  }
0x34: {  	[smem:$0x3FB6] =	sst s10  }
0x35: {  	s10 =	sld [smem:$0x3FB5];
	_ =	sdelay $0x3  }
0x36: {  	p1 =	seq.s32 s10, $0x1;
	s10 =	sld [smem:$0x3FB6];
	_ =	sdelay $0x3  }
0x37: {  	[smem:$0x3FB6] =	sst s10  }
0x38: {  	s10 =	sld [smem:$0x3FB7]  }
0x39: {  	_ = 	snop;
	(pc) =	sbr.ind lr, $3  }
0x3a: {  	_ = 	snop  }
0x3b: {  	_ = 	snop  }
0x3c: {  	p2 =	seq.s32 s10, $0x1;
	s10 =	sld [smem:$0x3FB6]  }
0x3d: {  	_ =	shalt  }
0x3e: {  	_ =	shalt  }
0x3f: {  	_ =	shalt  }
0x40: {  	_ =	shalt  }
0x41: {  	_ =	shalt  }
0x42: {  	_ =	shalt  }
0x43: {  	_ =	shalt  }
0x44: {  	_ =	shalt  }
0x45: {  	_ =	shalt  }
0x46: {  	_ =	shalt  }
0x47: {  	_ =	shalt  }
0x48: {  	_ =	shalt  }
0x49: {  	_ =	shalt  }
0x4a: {  	_ =	shalt  }
0x4b: {  	_ =	shalt  }
0x4c: {  	_ =	shalt  }
0x4d: {  	_ =	shalt  }
0x4e: {  	_ =	shalt  }
0x4f: {  	_ =	shalt  }
0x50: {  	_ =	shalt  }
0x51: {  	_ =	shalt  }
0x52: {  	_ =	shalt  }
0x53: {  	_ =	shalt  }
0x54: {  	_ =	shalt  }
0x55: {  	_ =	shalt  }
0x56: {  	_ =	shalt  }
0x57: {  	_ =	shalt  }
0x58: {  	_ =	shalt  }
0x59: {  	_ =	shalt  }
0x5a: {  	_ =	shalt  }
0x5b: {  	_ =	shalt  }
0x5c: {  	_ =	shalt  }
0x5d: {  	_ =	shalt  }
0x5e: {  	_ =	shalt  }
0x5f: {  	_ =	shalt  }
0x60: {  	_ =	shalt  }
0x61: {  	_ =	shalt  }
0x62: {  	_ =	shalt  }
0x63: {  	_ =	shalt  }
0x64: {  	_ =	shalt  }
0x65: {  	_ =	shalt  }
0x66: {  	_ =	shalt  }
0x67: {  	_ =	shalt  }
0x68: {  	_ =	shalt  }
0x69: {  	_ =	shalt  }
0x6a: {  	_ =	shalt  }
0x6b: {  	_ =	shalt  }
0x6c: {  	_ =	shalt  }
0x6d: {  	_ =	shalt  }
0x6e: {  	_ =	shalt  }
0x6f: {  	_ =	shalt  }
0x70: {  	_ =	shalt  }
0x71: {  	_ =	shalt  }
0x72: {  	_ =	shalt  }
0x73: {  	_ =	shalt  }
0x74: {  	_ =	shalt  }
0x75: {  	_ =	shalt  }
0x76: {  	_ =	shalt  }
0x77: {  	_ =	shalt  }
0x78: {  	_ =	shalt  }
0x79: {  	_ =	shalt  }
0x7a: {  	_ =	shalt  }
0x7b: {  	_ =	shalt  }
0x7c: {  	_ =	shalt  }
0x7d: {  	_ =	shalt  }
0x7e: {  	_ =	shalt  }
0x7f: {  	_ =	shalt  }
0x80: {  	_ =	shalt  }
0x81: {  	_ =	shalt  }
0x82: {  	_ =	shalt  }
0x83: {  	_ =	shalt  }
0x84: {  	_ =	shalt  }
0x85: {  	_ =	shalt  }
0x86: {  	_ =	shalt  }
0x87: {  	_ =	shalt  }
.Lfunc_end0:
.L_simem_size_0:
called_computation.1_lowered:
.L_overlay_start_0:
0x88: {  	s2 =	sld [smem:$0x3FD9]  }
0x89: {  	s3 =	sld [smem:$0x3FFE];
	_ =	sdelay $0x1  }
0x8a: {  	s1 =	srdreg.scid  }
0x8b: {  	s0 =	sand.u32 $0x1, s1  }
0x8c: {  	s14 =	sshll.u32 s0, $0xA;
	s2 =	sadd.s32 s3, s2  }
0x8d: {  	s2 =	sadd.s32 s2, s14  }
0x8e: {  	[smem:$0x3FC2] =	sst s2  }
0x8f: {  	_ = 	snop  }
0x90: {  	s2 =	sld [smem:$0x3FD0];
	_ =	sdelay $0x2  }
0x91: {  	s15 =	simm.s32 $0xA;
	s4 =	simm.s32 $0x10  }
0x92: {  	[smem:s4], [sflag:s15] =	dma.local [hbm:s2], $0x1  }
0x93: {  	_ =	swait.eq [sflag:s15], $0x1  }
0x94: {  	s16 =	sld [smem:$0x10]  }
0x95: {  	s17 =	sld [smem:$0x11];
	[sflag:s15] =	ssyncset.done $0x0  }
0x96: {  	s5 =	sld [smem:$0x12];
	[sflag:s15] =	ssyncadd.s32 $0xFFFFFFFF  }
0x97: {  	s18 =	sld [smem:$0x13];
	(tm) =	ssettm $0x1  }
0x98: {  	s6 =	sld [smem:$0x3FFB];
	_ =	sdelay $0x3  }
0x99: {  	_ =	strace s6  }
0x9a: {  	s6 =	sld [smem:$0x3FFC];
	_ =	sdelay $0x3  }
0x9b: {  	_ =	strace s6  }
0x9c: {  	s6 =	sld [smem:$0x3FFD];
	_ =	sdelay $0x3  }
0x9d: {  	_ =	strace s6  }
0x9e: {  	_ =	strace $0x8FFFFFFF  }
0x9f: {  	s19 =	sld [smem:$0x3FDB];
	_ =	sdelay $0x1  }
0xa0: {  	s7 =	simm.s32 $_scs_section_size  }
0xa1: {  	s8 =	simm.s32 $_size__tile_overlayer_lowered;
	s9 =	simm.s32 $_tile_overlayer_lowered  }
0xa2: {  	s22 =	simm.s32 $0x1BFF;
	s21 =	sshll.u32 s9, $0x1;
	s6 =	sadd.s32 s7, s19  }
0xa3: {  	s10 =	simm.s32 $0x0;
	s20 =	sshll.u32 s8, $0x1;
	s8 =	sadd.s32 s21, s6  }
0xa4: {  	[timem:s10], [sflag:s22] =	dma.local [hbm:s8], s20  }
0xa5: {  	_ =	swait.ge [sflag:s22], s20  }
0xa6: {  	s7 =	ssub.s32 $0x0, s20;
	[sflag:s22] =	ssyncset.done $0x0  }
0xa7: {  	[sflag:s22] =	ssyncadd.s32 s7;
	_ =	sdelay $0x1  }
0xa8: {  	s23 =	simm.s32 $0x1B8B  }
0xa9: {  	_ =	swait.ge [sflag:s23], $0x1  }
0xaa: {  	[sflag:s23] =	ssyncset.done $0x0  }
0xab: {  	s25 =	simm.s32 $0x1B8E;
	s24 =	sld [smem:$0x3FFE];
	[sflag:s23] =	ssyncadd.s32 $0xFFFFFFFF  }
0xac: {  	s26 =	simm.s32 $execute0_lowered;
	[smem:$0x3FD2] =	sst s25  }
0xad: {  	s8 =	sshll.u32 s26, $0x1;
	_ =	strace $0x80000046;
	[dreg:$0x1] =	wrdreg $0xFFFFFFFF  }
0xae: {  	s28 =	simm.s32 $_size_execute0_lowered;
	s6 =	sadd.s32 s6, s8;
	[dreg:$0x0] =	wrdreg $0x0  }
0xaf: {  	s8 =	sshll.u32 s28, $0x1;
	[dreg:$0x2] =	wrdreg s6  }
0xb0: {  	[dreg:$0x3] =	wrdreg s8  }
0xb1: {  	[dreg:$0x4] =	wrdreg $0xC0  }
0xb2: {  	_ =	task [dreg:s10], $0x5FFFF  }
0xb3: {  	[dreg:$0x1] =	wrdreg $0xFFFFFFFF  }
0xb4: {  	[dreg:$0x0] =	wrdreg $0x60  }
0xb5: {  	[dreg:$0x2] =	wrdreg s24  }
0xb6: {  	[dreg:$0x3] =	wrdreg s5  }
0xb7: {  	[dreg:$0x4] =	wrdreg s17  }
0xb8: {  	[dreg:$0x5] =	wrdreg s16  }
0xb9: {  	[dreg:$0x6] =	wrdreg s18  }
0xba: {  	[dreg:$0x7] =	wrdreg $0x9  }
0xbb: {  	_ =	task.clear_ibuf [dreg:s10], $0x8FFFF;
	_ =	strace $0x90000046  }
0xbc: {  	s29 =	simm.s32 $0x9;
	_ =	strace $0x8000004D  }
0xbd: {  	_ =	swait.ge [sflag:s29], $0x1  }
0xbe: {  	[sflag:s29] =	ssyncadd.s32 $0xFFFFFFFF  }
0xbf: {  	_ =	strace $0x9000004D  }
0xc0: {  	_ =	sfence  }
0xc1: {  	s30 =	sld [smem:$0x0];
	_ =	sdelay $0x2  }
0xc2: {  	s31 =	sshll.u32 s1, $0xD;
	s1 =	sshrl.u32 s1, $0x2  }
0xc3: {  	s3 =	sand.u32 $0x4000, s31;
	s1 =	sadd.s32 s1, s30  }
0xc4: {  	s0 =	sor.u32 s3, s0;
	s1 =	sshll.u32 s1, $0x11  }
0xc5: {  	s0 =	sor.u32 s1, s0  }
0xc6: {  	s0 =	sadd.s32 $0x8F2B, s0  }
0xc7: {  	[sflag:s0] =	ssyncadd.remote.s32 $0x1  }
0xc8: {  	_ =	sfence.sel $0xFFFF  }
0xc9: {  	[dreg:$0x0] =	wrdreg $0xFFFFFFFF;
	(pc) =	sbr.abs _section_cstart, $3  }
0xca: {  	[dreg:$0x1] =	wrdreg $0xFFFFFFFF  }
0xcb: {  	_ =	task.clear_ibuf [dreg:s10], $0x2FFFF;
	_ =	strace $0x9FFFFFFF  }
0xcc: {  	(tm) =	ssettm $0x7FFFFFFF  }
0xcd: {  	_ =	shalt  }
tec
execute0_lowered:
.L_overlay_start_1:
0x0: {  	(tag) =	ssettag $0x1  }
0x1: {  	s0 =	rddreg [dreg:$0x0]  }
0x2: {  	s11 =	rddreg [dreg:$0x1]  }
0x3: {  	s1 =	srdreg.scid;
	s13 =	rddreg [dreg:$0x3]  }
0x4: {  	s2 =	stileid.u32;
	s14 =	rddreg [dreg:$0x4];
	s20 =	simm.s32 $0x0  }
0x5: {  	s17 =	simm.s32 $0x11E00;
	s18 =	simm.s32 $0x12670;
	s1 =	sand.u32 $0x1, s1  }
0x6: {  	s2 =	sshll.u32 s2, $0x1;
	[smem:$0x7FF] =	sst s20;
	s4 =	sadd.s32 $0xC00, s0  }
0x7: {  	s25 =	sadd.s32 $0xE00, s0;
	_ =	strace $0x80000047;
	[dreg:$0x6] =	wrdreg s4  }
0x8: {  	s26 =	sadd.s32 $0xA00, s0;
	s2 =	sor.u32 s1, s2;
	[dreg:$0x7] =	wrdreg s25  }
0x9: {  	[dreg:$0x8] =	wrdreg s26;
	s1 =	ssub.s32 $0x2, s1;
	s26 =	sadd.s32 $0x7E00, s0  }
0xa: {  	s3 =	smul.u32 $0x320, s2;
	s28 =	sshrl.u32 s1, $0x1;
	s30 =	sshll.u32 s2, $0xD  }
.Ltmp0:
0xb: {  	s31 =	sshll.u32 s2, $0x7;
	[dreg:$0xb] =	wrdreg s30;
	(pc) =	sbr.rel .LBB2_1-.Ltmp0, $4  }
0xc: {  	[dreg:$0xc] =	wrdreg s31;
	s3 =	sadd.s32 s3, s0;
	s0 =	sadd.s32 $0x197E00, s0  }
0xd: {  	[dreg:$0x9] =	wrdreg s0;
	s0 =	ssub.s32 s1, s28;
	s29 =	sadd.s32 $0x1A00, s3  }
0xe: {  	s19 =	simm.s32 $0x17AD0;
	v0 =	vimm.s32 $0x0;
	vm0 =	vcmask $0x300;
	[dreg:$0xa] =	wrdreg s29;
	s0 =	smax.u32 s0, $0x1  }
0xf: {  	s7 =	simm.s32 $0x80;
	v0 =	vsel vm0, $0x3, v0;
	s2 =	simm.s32 $0x0;
	[dreg:$0xd] =	wrdreg s0  }
.LBB2_21:
0x10: {  	s1 =	simm.s32 $0x5  }
0x11: {  	_ =	swait.ge [sflag:s1], $0x2000  }
0x12: {  	[sflag:s1] =	ssyncset.done $0x0  }
0x13: {  	[sflag:s1] =	ssyncadd.s32 $0xFFFFE000  }
0x14: {  	_ =	swait.ge [sflag:s1], $0x2000  }
0x15: {  	[sflag:s1] =	ssyncset.done $0x0  }
0x16: {  	[sflag:s1] =	ssyncadd.s32 $0xFFFFE000  }
0x17: {  	_ =	swait.ge [sflag:s1], $0x2000  }
0x18: {  	[sflag:s1] =	ssyncset.done $0x0  }
0x19: {  	[sflag:s1] =	ssyncadd.s32 $0xFFFFE000  }
0x1a: {  	_ =	swait.ge [sflag:s1], $0x2000  }
0x1b: {  	s2 =	rddreg [dreg:$0xe]  }
0x1c: {  	s0 =	rddreg [dreg:$0xd];
	s2 =	sadd.s32 $0x1, s2  }
0x1d: {  	p0 =	sne.s32 s2, s0  }
.Ltmp1:
0x1e: {  	_ = 	snop;
	(pc) =	sbr.rel @!p0 .LBB2_22-.Ltmp1, $3  }
0x1f: {  	_ =	sdelay $0x1  }
0x20: {  	[sflag:s1] =	ssyncset.done $0x0  }
0x21: {  	[sflag:s1] =	ssyncadd.s32 $0xFFFFE000  }
.LBB2_1:
0x22: {  	[dreg:$0xe] =	wrdreg s2  }
0x23: {  	s0 =	rddreg [dreg:$0xa];
	s1 =	simm.s32 $0x6  }
0x24: {  	[tilespmem:s20], [sflag:$0x6] =	stream.linear.gather [hbm4b:s0+s20], $0x1900, $0x38;
	[tilespmem:$0x17C38] =	vst v63  }
0x25: {  	_ =	swait.ge [sflag:s1], $0x1900  }
0x26: {  	[sflag:s1] =	ssyncset.done $0x0  }
0x27: {  	s12 =	rddreg [dreg:$0x6];
	[sflag:s1] =	ssyncadd.s32 $0xFFFFE700  }
0x28: {  	[tilespmem:s17], [sflag:$0x6] =	stream.linear.gather [hbm4b:s12+s20], $0x870, $0x38;
	[tilespmem:$0x17C38] =	vst v63  }
0x29: {  	_ =	swait.ge [sflag:s1], $0x870  }
0x2a: {  	[sflag:s1] =	ssyncset.done $0x0  }
0x2b: {  	s15 =	rddreg [dreg:$0x7];
	[sflag:s1] =	ssyncadd.s32 $0xFFFFF790  }
0x2c: {  	[tilespmem:s18], [sflag:$0x6] =	stream.linear.gather [hbm4b:s15+s20], $0x5460, $0x38;
	[tilespmem:$0x17C38] =	vst v63  }
0x2d: {  	_ =	swait.ge [sflag:s1], $0x5460  }
0x2e: {  	[sflag:s1] =	ssyncset.done $0x0  }
0x2f: {  	s16 =	rddreg [dreg:$0x8];
	[sflag:s1] =	ssyncadd.s32 $0xFFFFABA0  }
0x30: {  	[tilespmem:s19], [sflag:$0x6] =	stream.linear.gather [hbm4b:s16+s20], $0x168, $0x38;
	[tilespmem:$0x17C38] =	vst v63  }
0x31: {  	_ =	swait.ge [sflag:s1], $0x168  }
0x32: {  	[sflag:s1] =	ssyncset.done $0x0  }
0x33: {  	s21 =	simm.s32 $0x1900;
	[sflag:s1] =	ssyncadd.s32 $0xFFFFFE98  }
0x34: {  	[tilespmem:s21], [sflag:$0x1] =	stream.indirect.gather [hbm4b:s11+s7], $0x1, s20, s7, $0xb8;
	[tilespmem:$0x17C38] =	vst v63  }
0x35: {  	s22 =	simm.s32 $0x1980;
	s23 =	simm.s32 $0x1  }
0x36: {  	[tilespmem:s22], [sflag:$0x2] =	stream.indirect.gather [hbm4b:s11+s7], $0x1, s7, s7, $0xb8;
	[tilespmem:$0x17C38] =	vst v63  }
0x37: {  	_ =	swait.ge [sflag:s23], $0x80  }
0x38: {  	[sflag:s23] =	ssyncset.done $0x0  }
0x39: {  	[sflag:s23] =	ssyncadd.s32 $0xFFFFFF80  }
0x3a: {  	v1 =	vld [tilespmem:$0x1900];
	_ =	sdelay $0x3  }
0x3b: {  	v2 =	vld [tilespmem:$0x1910]  }
0x3c: {  	v3 =	vand.u32 $0x1FFF, v1;
	v4 =	vshrl.u32 v1, $0xD  }
0x3d: {  	[tilespmem:$0x1A00] =	vst v3;
	v3 =	vand.u32 $0x1F, v4;
	v4 =	vshrl.u32 v1, $0x12  }
0x3e: {  	[tilespmem:$0x1A80] =	vst v3;
	v3 =	vand.u32 $0x1FF, v4  }
0x3f: {  	v1 =	vshrl.u32 v1, $0x1B;
	[tilespmem:$0x1B00] =	vst v3;
	v3 =	vld [tilespmem:$0x1920]  }
0x40: {  	[tilespmem:$0x1B80] =	vst v1;
	v1 =	vand.u32 $0x1FFF, v2;
	v4 =	vshrl.u32 v2, $0xD  }
0x41: {  	[tilespmem:$0x1A10] =	vst v1;
	v1 =	vand.u32 $0x1F, v4;
	v4 =	vshrl.u32 v2, $0x12  }
0x42: {  	[tilespmem:$0x1A90] =	vst v1;
	v1 =	vand.u32 $0x1FF, v4  }
0x43: {  	[tilespmem:$0x1B10] =	vst v1;
	v1 =	vshrl.u32 v2, $0x1B;
	v2 =	vld [tilespmem:$0x1930]  }
0x44: {  	[tilespmem:$0x1B90] =	vst v1;
	v1 =	vand.u32 $0x1FFF, v3;
	v4 =	vshrl.u32 v3, $0xD  }
0x45: {  	[tilespmem:$0x1A20] =	vst v1;
	v1 =	vand.u32 $0x1F, v4;
	v4 =	vshrl.u32 v3, $0x12  }
0x46: {  	[tilespmem:$0x1AA0] =	vst v1;
	v1 =	vand.u32 $0x1FF, v4  }
0x47: {  	[tilespmem:$0x1B20] =	vst v1;
	v1 =	vshrl.u32 v3, $0x1B;
	v3 =	vld [tilespmem:$0x1940]  }
0x48: {  	v4 =	vshrl.u32 v2, $0xD;
	[tilespmem:$0x1BA0] =	vst v1;
	v1 =	vand.u32 $0x1FFF, v2  }
0x49: {  	[tilespmem:$0x1A30] =	vst v1;
	v1 =	vand.u32 $0x1F, v4;
	v4 =	vshrl.u32 v2, $0x12  }
0x4a: {  	[tilespmem:$0x1AB0] =	vst v1;
	v1 =	vand.u32 $0x1FF, v4  }
0x4b: {  	[tilespmem:$0x1B30] =	vst v1;
	v1 =	vshrl.u32 v2, $0x1B;
	v2 =	vld [tilespmem:$0x1950]  }
0x4c: {  	[tilespmem:$0x1BB0] =	vst v1;
	v1 =	vand.u32 $0x1FFF, v3;
	v4 =	vshrl.u32 v3, $0xD  }
0x4d: {  	[tilespmem:$0x1A40] =	vst v1;
	v1 =	vand.u32 $0x1F, v4;
	v4 =	vshrl.u32 v3, $0x12  }
0x4e: {  	[tilespmem:$0x1AC0] =	vst v1;
	v1 =	vand.u32 $0x1FF, v4  }
0x4f: {  	[tilespmem:$0x1B40] =	vst v1;
	v1 =	vshrl.u32 v3, $0x1B;
	v3 =	vld [tilespmem:$0x1960]  }
0x50: {  	[tilespmem:$0x1BC0] =	vst v1;
	v1 =	vand.u32 $0x1FFF, v2;
	v4 =	vshrl.u32 v2, $0xD  }
0x51: {  	[tilespmem:$0x1A50] =	vst v1;
	v1 =	vand.u32 $0x1F, v4;
	v4 =	vshrl.u32 v2, $0x12  }
0x52: {  	[tilespmem:$0x1AD0] =	vst v1;
	v1 =	vand.u32 $0x1FF, v4  }
0x53: {  	[tilespmem:$0x1B50] =	vst v1;
	v1 =	vshrl.u32 v2, $0x1B;
	v2 =	vld [tilespmem:$0x1970]  }
0x54: {  	[tilespmem:$0x1BD0] =	vst v1;
	v1 =	vand.u32 $0x1FFF, v3;
	v4 =	vshrl.u32 v3, $0xD  }
0x55: {  	[tilespmem:$0x1A60] =	vst v1;
	v1 =	vand.u32 $0x1F, v4;
	v4 =	vshrl.u32 v3, $0x12  }
0x56: {  	[tilespmem:$0x1AE0] =	vst v1;
	v1 =	vand.u32 $0x1FF, v4  }
0x57: {  	[tilespmem:$0x1B60] =	vst v1;
	v1 =	vshrl.u32 v3, $0x1B  }
0x58: {  	[tilespmem:$0x1BE0] =	vst v1;
	v1 =	vand.u32 $0x1FFF, v2;
	v3 =	vshrl.u32 v2, $0xD  }
0x59: {  	[tilespmem:$0x1A70] =	vst v1;
	v1 =	vand.u32 $0x1F, v3;
	v3 =	vshrl.u32 v2, $0x12  }
0x5a: {  	s30 =	simm.s32 $0x0;
	[tilespmem:$0x1AF0] =	vst v1;
	v1 =	vand.u32 $0x1FF, v3  }
0x5b: {  	s24 =	simm.s32 $0x1A00;
	s25 =	simm.s32 $0x1E00;
	s4 =	sand.u32 $0x38, s30;
	[tilespmem:$0x1B70] =	vst v1;
	v1 =	vshrl.u32 v2, $0x1B  }
0x5c: {  	s2 =	sand.u32 $0x70, s20;
	s6 =	sor.u32 $0x2, s4;
	s0 =	rddreg [dreg:$0x2];
	[tilespmem:$0x1BF0] =	vst v1  }
0x5d: {  	[tilespmem:s25], [sflag:$0x3] =	stream.indirect.gather [hbm4b:s0+s7], $0x40, s24, s7, $0xb8;
	[tilespmem:$0x17C38] =	vst v63  }
0x5e: {  	s10 =	sor.u32 $0x3, s4;
	s5 =	sor.u32 $0x5, s4;
	s8 =	sor.u32 $0x6, s4;
	v5 =	vmov s6;
	v1 =	vld [tilespmem:s2+$0x1A80]  }
0x5f: {  	s31 =	sor.u32 $0x7, s4;
	v6 =	vmov s10;
	v8 =	vmov s5;
	v10 =	vmov s8;
	s16 =	sor.u32 $0x4, s4  }
0x60: {  	v10 =	vshrl.u32 v10, $0x3;
	s12 =	sor.u32 $0x1, s4;
	v7 =	vmov s16;
	v4 =	vmov s31  }
0x61: {  	v4 =	vshrl.u32 v4, $0x3;
	v3 =	vmov s12;
	v2 =	vmov s4  }
0x62: {  	v4 =	vshll.u32 v4, v0;
	v3 =	vshrl.u32 v3, $0x3;
	v2 =	vshrl.u32 v2, $0x3  }
0x63: {  	v3 =	vshll.u32 v3, v0;
	v9 =	vmul.u32 $0x48, v1;
	v1 =	vbroadcast v4, $0x0  }
0x64: {  	v3 =	vbroadcast v3, $0x0;
	v4 =	vshrl.u32 v5, $0x3;
	v5 =	vshrl.u32 v6, $0x3  }
0x65: {  	v6 =	vshrl.u32 v7, $0x3;
	v7 =	vshrl.u32 v8, $0x3;
	v8 =	vadd.s32 v1, v9  }
0x66: {  	v2 =	vshll.u32 v2, v0;
	v4 =	vshll.u32 v4, v0;
	v11 =	vor.u32 $0x7, v8  }
0x67: {  	v12 =	vshll.u32 v6, v0;
	v8 =	vshll.u32 v5, v0;
	v5 =	vbroadcast v4, $0x0  }
0x68: {  	v13 =	vshll.u32 v7, v0;
	v14 =	vadd.s32 v3, v9;
	v7 =	vbroadcast v12, $0x0  }
0x69: {  	s0 =	simm.s32 $0x8;
	v14 =	vor.u32 $0x1, v14;
	v6 =	vbroadcast v8, $0x0;
	v12 =	vadd.s32 v5, v9  }
0x6a: {  	s3 =	simm.s32 $0x2;
	v10 =	vshll.u32 v10, v0;
	v2 =	vbroadcast v2, $0x0;
	s15 =	sand.u32 $0x38, s0;
	v12 =	vor.u32 $0x2, v12  }
0x6b: {  	s9 =	sand.u32 $0x70, s3;
	v18 =	vmov s15;
	s23 =	sor.u32 $0x1, s15;
	v4 =	vbroadcast v10, $0x0;
	v10 =	vadd.s32 v6, v9;
	v11 =	vld.idx.msk [tilespmem:v11+s17+$0x0], $0xffff  }
0x6c: {  	s28 =	sor.u32 $0x2, s15;
	s29 =	sor.u32 $0x3, s15;
	s21 =	sor.u32 $0x4, s15;
	v18 =	vshrl.u32 v18, $0x3;
	v20 =	vmov s23;
	v10 =	vor.u32 $0x3, v10  }
0x6d: {  	s25 =	sshll.u32 s12, $0x7;
	v17 =	vld [tilespmem:s9+$0x1A80];
	s22 =	sor.u32 $0x5, s15;
	v21 =	vmov s28;
	v22 =	vmov s29;
	v23 =	vmov s21  }
0x6e: {  	s7 =	sshll.u32 s10, $0x7;
	s10 =	sshll.u32 s8, $0x7;
	s8 =	sshll.u32 s31, $0x7;
	v24 =	vmov s22;
	v8 =	vbroadcast v13, $0x0;
	v13 =	vadd.s32 v7, v9;
	v14 =	vld.idx.msk [tilespmem:v14+s17+$0x0], $0xffff  }
0x6f: {  	s31 =	sor.u32 s2, s8;
	s3 =	sor.u32 $0x7, s15;
	v20 =	vshrl.u32 v20, $0x3;
	v19 =	vadd.s32 v2, v9;
	v13 =	vor.u32 $0x4, v13;
	v12 =	vld.idx.msk [tilespmem:v12+s17+$0x0], $0xffff;
	[dreg:$0x13] =	wrdreg s25  }
0x70: {  	s6 =	sshll.u32 s6, $0x7;
	v16 =	vadd.s32 v4, v9;
	v15 =	vadd.s32 v8, v9;
	v9 =	vmov s3;
	[tilespmem:s31+$0x5E00] =	vst v11  }
0x71: {  	v21 =	vshrl.u32 v21, $0x3;
	v15 =	vor.u32 $0x5, v15;
	v9 =	vshrl.u32 v9, $0x3;
	v26 =	vld.idx.msk [tilespmem:v10+s17+$0x0], $0xffff;
	[dreg:$0x10] =	wrdreg s6  }
0x72: {  	s30 =	sshll.u32 s16, $0x7;
	s24 =	sor.u32 $0x6, s15;
	v22 =	vshrl.u32 v22, $0x3;
	v16 =	vor.u32 $0x6, v16;
	v25 =	vshll.u32 v9, v0;
	[dreg:$0x11] =	wrdreg s7  }
0x73: {  	s5 =	sshll.u32 s5, $0x7;
	s16 =	sshll.u32 s4, $0x7;
	v9 =	vmul.u32 $0x48, v17;
	v17 =	vmov s24;
	v25 =	vbroadcast v25, $0x0;
	[dreg:$0x12] =	wrdreg s30  }
0x74: {  	s4 =	simm.s32 $0x4;
	s1 =	sor.u32 s2, s25;
	v58 =	vshrl.u32 v24, $0x3;
	v61 =	vshll.u32 v22, v0;
	v17 =	vshrl.u32 v17, $0x3;
	v13 =	vld.idx.msk [tilespmem:v13+s17+$0x0], $0xffff;
	[dreg:$0xf] =	wrdreg s5  }
0x75: {  	s12 =	sor.u32 s2, s10;
	s21 =	sshll.u32 s21, $0x7;
	v17 =	vshll.u32 v17, v0;
	v59 =	vadd.s32 v25, v9;
	v10 =	vshrl.u32 v23, $0x3;
	[dreg:$0x14] =	wrdreg s16  }
0x76: {  	s22 =	sshll.u32 s22, $0x7;
	s24 =	sshll.u32 s24, $0x7;
	s25 =	sor.u32 s2, s7;
	v23 =	vshll.u32 v58, v0;
	v11 =	vshll.u32 v20, v0;
	v20 =	vor.u32 $0x7, v59;
	v60 =	vld.idx.msk [tilespmem:v15+s17+$0x0], $0xffff  }
0x77: {  	s31 =	sor.u32 s2, s5;
	v62 =	vshll.u32 v10, v0;
	s6 =	sor.u32 s2, s6;
	s30 =	sor.u32 s2, s30;
	v15 =	vshll.u32 v21, v0;
	[tilespmem:s1+$0x5E00] =	vst v14;
	v14 =	vbroadcast v11, $0x0;
	v10 =	vld.idx.msk [tilespmem:v16+s17+$0x0], $0xffff  }
0x78: {  	s7 =	sshll.u32 s29, $0x7;
	s29 =	sor.u32 s9, s22;
	s5 =	sor.u32 s2, s16;
	[tilespmem:s6+$0x5E00] =	vst v12;
	v12 =	vshll.u32 v18, v0;
	v18 =	vbroadcast v61, $0x0;
	v11 =	vld.idx.msk [tilespmem:v19+s17+$0x0], $0xffff;
	v15 =	vbroadcast v15, $0x0  }
0x79: {  	v63 =	vbroadcast v23, $0x0;
	s16 =	sshll.u32 s23, $0x7;
	s23 =	sshll.u32 s28, $0x7;
	s28 =	sor.u32 s9, s21;
	v19 =	vbroadcast v62, $0x0;
	[tilespmem:s25+$0x5E00] =	vst v26;
	v14 =	vadd.s32 v14, v9  }
0x7a: {  	s16 =	sor.u32 s9, s16;
	s1 =	sor.u32 s9, s24;
	s25 =	sshll.u32 s15, $0x7;
	v18 =	vadd.s32 v18, v9;
	v16 =	vadd.s32 v15, v9;
	v15 =	vbroadcast v17, $0x0;
	[tilespmem:s30+$0x5E00] =	vst v13  }
0x7b: {  	s15 =	sor.u32 s9, s23;
	s23 =	sor.u32 s9, s7;
	s2 =	sor.u32 s9, s25;
	v19 =	vadd.s32 v19, v9;
	v17 =	vadd.s32 v63, v9;
	v13 =	vbroadcast v12, $0x0;
	v12 =	vld.idx.msk [tilespmem:v20+s17+$0x0], $0xffff;
	[tilespmem:s31+$0x5E00] =	vst v60  }
.LBB2_2:
0x7c: {  	s0 =	sadd.s32 $0x8, s0;
	s6 =	sand.u32 $0x70, s4;
	v14 =	vor.u32 $0x1, v14;
	v16 =	vor.u32 $0x2, v16;
	v15 =	vadd.s32 v15, v9;
	[tilespmem:s12+$0x5E00] =	vst v10;
	s12 =	smov.u32 s1  }
0x7d: {  	v18 =	vor.u32 $0x3, v18;
	v19 =	vor.u32 $0x4, v19;
	v17 =	vor.u32 $0x5, v17;
	s1 =	sand.u32 $0x38, s0;
	v10 =	vld [tilespmem:s6+$0x1A80];
	p0 =	slt.u32 s0, $0x1F8;
	[tilespmem:s5+$0x5E00] =	vst v11  }
0x7e: {  	v13 =	vadd.s32 v13, v9;
	s21 =	sshll.u32 s3, $0x7;
	v15 =	vor.u32 $0x6, v15;
	v11 =	vmov s1;
	s5 =	sor.u32 $0x1, s1;
	s3 =	sor.u32 $0x7, s1  }
0x7f: {  	s9 =	sor.u32 s9, s21;
	s22 =	sor.u32 $0x2, s1;
	s24 =	sor.u32 $0x3, s1;
	v20 =	vshrl.u32 v11, $0x3;
	v11 =	vmov s5;
	v9 =	vmov s3  }
0x80: {  	s21 =	sor.u32 $0x4, s1;
	s30 =	sor.u32 $0x5, s1;
	s31 =	sor.u32 $0x6, s1;
	v21 =	vmov s22;
	v22 =	vmov s24;
	v9 =	vshrl.u32 v9, $0x3;
	[tilespmem:s9+$0x5E00] =	vst v12  }
0x81: {  	s5 =	sshll.u32 s5, $0x7;
	v23 =	vmov s30;
	s9 =	sshll.u32 s22, $0x7;
	s22 =	sshll.u32 s24, $0x7;
	v12 =	vmov s21;
	v24 =	vshll.u32 v9, v0;
	v14 =	vld.idx.msk [tilespmem:v14+s17+$0x0], $0xffff  }
0x82: {  	s21 =	sshll.u32 s21, $0x7;
	s24 =	sshll.u32 s30, $0x7;
	s30 =	sshll.u32 s31, $0x7;
	v9 =	vmul.u32 $0x48, v10;
	v10 =	vmov s31;
	v24 =	vbroadcast v24, $0x0;
	v16 =	vld.idx.msk [tilespmem:v16+s17+$0x0], $0xffff  }
0x83: {  	s1 =	sshll.u32 s1, $0x7;
	v11 =	vshrl.u32 v11, $0x3;
	v21 =	vshrl.u32 v21, $0x3;
	v22 =	vshrl.u32 v22, $0x3;
	s25 =	sor.u32 s6, s9;
	s31 =	sor.u32 s6, s5;
	v18 =	vld.idx.msk [tilespmem:v18+s17+$0x0], $0xffff  }
0x84: {  	v23 =	vshrl.u32 v23, $0x3;
	s22 =	sor.u32 s6, s22;
	v12 =	vshrl.u32 v12, $0x3;
	s21 =	sor.u32 s6, s21;
	s24 =	sor.u32 s6, s24;
	v24 =	vadd.s32 v24, v9;
	v19 =	vld.idx.msk [tilespmem:v19+s17+$0x0], $0xffff  }
0x85: {  	s7 =	sor.u32 s6, s1;
	v11 =	vshll.u32 v11, v0;
	s1 =	sor.u32 s6, s30;
	s9 =	smov.u32 s6;
	v25 =	vshrl.u32 v10, $0x3;
	v24 =	vor.u32 $0x7, v24;
	v26 =	vld.idx.msk [tilespmem:v17+s17+$0x0], $0xffff  }
0x86: {  	v12 =	vshll.u32 v12, v0;
	s5 =	smov.u32 s2;
	s2 =	smov.u32 s7;
	v17 =	vshll.u32 v21, v0;
	v21 =	vshll.u32 v22, v0;
	v10 =	vld.idx.msk [tilespmem:v15+s17+$0x0], $0xffff  }
.Ltmp2:
0x87: {  	v22 =	vshll.u32 v23, v0;
	v23 =	vshll.u32 v25, v0;
	v15 =	vbroadcast v11, $0x0;
	v11 =	vld.idx.msk [tilespmem:v13+s17+$0x0], $0xffff;
	[tilespmem:s16+$0x5E00] =	vst v14;
	s16 =	smov.u32 s31;
	(pc) =	sbr.rel @p0 .LBB2_2-.Ltmp2, $4  }
0x88: {  	v17 =	vbroadcast v17, $0x0;
	v13 =	vshll.u32 v20, v0;
	v20 =	vbroadcast v21, $0x0;
	[tilespmem:s15+$0x5E00] =	vst v16;
	s15 =	smov.u32 s25  }
0x89: {  	v22 =	vbroadcast v22, $0x0;
	v21 =	vbroadcast v12, $0x0;
	v14 =	vadd.s32 v15, v9;
	[tilespmem:s23+$0x5E00] =	vst v18;
	s23 =	smov.u32 s22  }
0x8a: {  	v13 =	vbroadcast v13, $0x0;
	v16 =	vadd.s32 v17, v9;
	v15 =	vbroadcast v23, $0x0;
	v12 =	vld.idx.msk [tilespmem:v24+s17+$0x0], $0xffff;
	[tilespmem:s28+$0x5E00] =	vst v19;
	s28 =	smov.u32 s21  }
0x8b: {  	s4 =	sadd.s32 $0x2, s4;
	v17 =	vadd.s32 v22, v9;
	v18 =	vadd.s32 v20, v9;
	v19 =	vadd.s32 v21, v9;
	[tilespmem:s29+$0x5E00] =	vst v26;
	s29 =	smov.u32 s24  }
0x8c: {  	v14 =	vor.u32 $0x1, v14  }
0x8d: {  	v16 =	vor.u32 $0x2, v16  }
0x8e: {  	v18 =	vor.u32 $0x3, v18  }
0x8f: {  	v19 =	vor.u32 $0x4, v19  }
0x90: {  	v17 =	vor.u32 $0x5, v17  }
0x91: {  	v15 =	vadd.s32 v15, v9;
	v9 =	vadd.s32 v13, v9;
	v14 =	vld.idx.msk [tilespmem:v14+s17+$0x0], $0xffff  }
0x92: {  	v15 =	vor.u32 $0x6, v15;
	v47 =	vld.idx.msk [tilespmem:v16+s17+$0x0], $0xffff  }
0x93: {  	[tilespmem:s12+$0x5E00] =	vst v10;
	s0 =	sshll.u32 s3, $0x7;
	v10 =	vld.idx.msk [tilespmem:v18+s17+$0x0], $0xffff  }
0x94: {  	[tilespmem:s5+$0x5E00] =	vst v11;
	s0 =	sor.u32 s9, s0;
	v11 =	vld.idx.msk [tilespmem:v19+s17+$0x0], $0xffff  }
0x95: {  	[tilespmem:s0+$0x5E00] =	vst v12;
	v48 =	vld.idx.msk [tilespmem:v17+s17+$0x0], $0xffff  }
0x96: {  	v9 =	vld.idx.msk [tilespmem:v9+s17+$0x0], $0xffff;
	[tilespmem:s16+$0x5E00] =	vst v14  }
0x97: {  	v15 =	vld.idx.msk [tilespmem:v15+s17+$0x0], $0xffff;
	[tilespmem:s15+$0x5E00] =	vst v47  }
0x98: {  	[tilespmem:s23+$0x5E00] =	vst v10  }
0x99: {  	[tilespmem:s28+$0x5E00] =	vst v11  }
0x9a: {  	[tilespmem:s29+$0x5E00] =	vst v48  }
0x9b: {  	s3 =	simm.s32 $0x0;
	[tilespmem:s2+$0x5E00] =	vst v9  }
0x9c: {  	s3 =	sand.u32 $0x70, s3;
	[tilespmem:s1+$0x5E00] =	vst v15  }
0x9d: {  	v9 =	vld [tilespmem:s3+$0x1B00];
	_ =	sdelay $0x3  }
0x9e: {  	s9 =	simm.s32 $0x8  }
0x9f: {  	s1 =	sand.u32 $0x38, s9;
	v9 =	vmul.u32 $0x48, v9  }
0xa0: {  	v11 =	vmov s1;
	s12 =	sor.u32 $0x7, s1;
	s15 =	sor.u32 $0x2, s1  }
0xa1: {  	s6 =	sor.u32 $0x3, s1;
	s16 =	sor.u32 $0x4, s1;
	v49 =	vmov s12;
	v50 =	vmov s15;
	v1 =	vadd.s32 v1, v9  }
0xa2: {  	s28 =	sor.u32 $0x5, s1;
	v51 =	vmov s6;
	v52 =	vmov s16;
	v1 =	vor.u32 $0x7, v1  }
0xa3: {  	s4 =	simm.s32 $0x2;
	v53 =	vmov s28;
	v14 =	vshrl.u32 v50, $0x3;
	v3 =	vadd.s32 v3, v9  }
0xa4: {  	s0 =	sand.u32 $0x70, s4;
	v15 =	vshrl.u32 v51, $0x3;
	v5 =	vadd.s32 v5, v9;
	v3 =	vor.u32 $0x1, v3  }
0xa5: {  	v10 =	vld [tilespmem:s0+$0x1B00];
	v56 =	vshrl.u32 v53, $0x3;
	v6 =	vadd.s32 v6, v9;
	v5 =	vor.u32 $0x2, v5  }
0xa6: {  	v60 =	vshll.u32 v15, v0;
	v7 =	vadd.s32 v7, v9;
	v6 =	vor.u32 $0x3, v6  }
0xa7: {  	s4 =	rddreg [dreg:$0x13];
	v8 =	vadd.s32 v8, v9;
	v4 =	vadd.s32 v4, v9;
	v7 =	vor.u32 $0x4, v7;
	v13 =	vld.idx.msk [tilespmem:v1+s18+$0x0], $0xffff  }
0xa8: {  	s7 =	rddreg [dreg:$0x10];
	v9 =	vadd.s32 v2, v9;
	v8 =	vor.u32 $0x5, v8;
	v1 =	vshrl.u32 v49, $0x3  }
0xa9: {  	s29 =	sor.u32 s3, s8;
	s5 =	sor.u32 $0x1, s1;
	s30 =	rddreg [dreg:$0x11];
	v2 =	vor.u32 $0x6, v4;
	v4 =	vshrl.u32 v11, $0x3;
	v3 =	vld.idx.msk [tilespmem:v3+s18+$0x0], $0xffff;
	v54 =	vshll.u32 v1, v0  }
0xaa: {  	s21 =	sor.u32 $0x6, s1;
	s31 =	rddreg [dreg:$0x12];
	s1 =	sshll.u32 s1, $0x7;
	v11 =	vmov s5;
	v5 =	vld.idx.msk [tilespmem:v5+s18+$0x0], $0xffff;
	v1 =	vmul.u32 $0x48, v10;
	v17 =	vbroadcast v54, $0x0  }
0xab: {  	s22 =	sor.u32 s3, s4;
	s8 =	sor.u32 s3, s7;
	s23 =	sor.u32 s3, s30;
	v62 =	vbroadcast v60, $0x0;
	v11 =	vshrl.u32 v11, $0x3;
	v4 =	vshll.u32 v4, v0;
	v55 =	vld.idx.msk [tilespmem:v6+s18+$0x0], $0xffff  }
0xac: {  	s24 =	sor.u32 s3, s31;
	s2 =	sshll.u32 s5, $0x7;
	s6 =	sshll.u32 s6, $0x7;
	v6 =	vshrl.u32 v52, $0x3;
	v58 =	vld.idx.msk [tilespmem:v7+s18+$0x0], $0xffff;
	v7 =	vshll.u32 v11, v0;
	v57 =	vadd.s32 v17, v1;
	[tilespmem:s29+$0x7E00] =	vst v13  }
0xad: {  	s30 =	sshll.u32 s28, $0x7;
	s31 =	sshll.u32 s21, $0x7;
	v59 =	vld.idx.msk [tilespmem:v8+s18+$0x0], $0xffff;
	v8 =	vshll.u32 v14, v0;
	v10 =	vmov s21;
	v11 =	vor.u32 $0x7, v57;
	s4 =	rddreg [dreg:$0xf]  }
0xae: {  	s5 =	sshll.u32 s15, $0x7;
	s15 =	sor.u32 s0, s2;
	v2 =	vld.idx.msk [tilespmem:v2+s18+$0x0], $0xffff;
	v61 =	vshll.u32 v6, v0;
	v6 =	vbroadcast v7, $0x0;
	v7 =	vshll.u32 v56, v0;
	s7 =	rddreg [dreg:$0x14];
	[tilespmem:s22+$0x7E00] =	vst v3  }
0xaf: {  	s2 =	sor.u32 s0, s1;
	s1 =	sor.u32 s0, s31;
	v8 =	vbroadcast v8, $0x0;
	v10 =	vshrl.u32 v10, $0x3;
	v63 =	vbroadcast v7, $0x0;
	[tilespmem:s8+$0x7E00] =	vst v5;
	s8 =	sor.u32 s0, s5;
	v3 =	vld.idx.msk [tilespmem:v9+s18+$0x0], $0xffff  }
0xb0: {  	v10 =	vshll.u32 v10, v0;
	v6 =	vadd.s32 v6, v1;
	v9 =	vbroadcast v61, $0x0;
	[tilespmem:s23+$0x7E00] =	vst v55;
	s22 =	sor.u32 s0, s30;
	s23 =	simm.s32 $0x4;
	s25 =	sor.u32 s3, s4  }
0xb1: {  	v8 =	vadd.s32 v8, v1;
	v7 =	vbroadcast v10, $0x0;
	v10 =	vadd.s32 v62, v1;
	[tilespmem:s24+$0x7E00] =	vst v58;
	s4 =	sor.u32 s3, s7;
	s7 =	sor.u32 s3, s10;
	s10 =	sshll.u32 s16, $0x7  }
0xb2: {  	v5 =	vbroadcast v4, $0x0;
	s5 =	smov.u32 s0;
	s16 =	sor.u32 s0, s6;
	s21 =	sor.u32 s0, s10;
	[tilespmem:s25+$0x7E00] =	vst v59;
	v4 =	vld.idx.msk [tilespmem:v11+s18+$0x0], $0xffff;
	v11 =	vadd.s32 v9, v1;
	v9 =	vadd.s32 v63, v1  }
.LBB2_4:
0xb3: {  	s9 =	sadd.s32 $0x8, s9;
	s6 =	sand.u32 $0x70, s23;
	v6 =	vor.u32 $0x1, v6;
	v8 =	vor.u32 $0x2, v8;
	v7 =	vadd.s32 v7, v1;
	[tilespmem:s7+$0x7E00] =	vst v2;
	s7 =	smov.u32 s1  }
0xb4: {  	v10 =	vor.u32 $0x3, v10;
	v11 =	vor.u32 $0x4, v11;
	v9 =	vor.u32 $0x5, v9;
	s1 =	sand.u32 $0x38, s9;
	v2 =	vld [tilespmem:s6+$0x1B00];
	p0 =	slt.u32 s9, $0x1F8;
	[tilespmem:s4+$0x7E00] =	vst v3  }
0xb5: {  	v5 =	vadd.s32 v5, v1;
	s24 =	sshll.u32 s12, $0x7;
	v7 =	vor.u32 $0x6, v7;
	v3 =	vmov s1;
	s4 =	sor.u32 $0x1, s1;
	s12 =	sor.u32 $0x7, s1  }
0xb6: {  	s5 =	sor.u32 s5, s24;
	s25 =	sor.u32 $0x2, s1;
	s28 =	sor.u32 $0x3, s1;
	v12 =	vshrl.u32 v3, $0x3;
	v3 =	vmov s4;
	v1 =	vmov s12  }
0xb7: {  	s24 =	sor.u32 $0x4, s1;
	s29 =	sor.u32 $0x5, s1;
	s30 =	sor.u32 $0x6, s1;
	v13 =	vmov s25;
	v14 =	vmov s28;
	v1 =	vshrl.u32 v1, $0x3;
	[tilespmem:s5+$0x7E00] =	vst v4  }
0xb8: {  	s4 =	sshll.u32 s4, $0x7;
	v15 =	vmov s29;
	s5 =	sshll.u32 s25, $0x7;
	s25 =	sshll.u32 s28, $0x7;
	v4 =	vmov s24;
	v16 =	vshll.u32 v1, v0;
	v6 =	vld.idx.msk [tilespmem:v6+s18+$0x0], $0xffff  }
0xb9: {  	s24 =	sshll.u32 s24, $0x7;
	s28 =	sshll.u32 s29, $0x7;
	s29 =	sshll.u32 s30, $0x7;
	v1 =	vmul.u32 $0x48, v2;
	v2 =	vmov s30;
	v16 =	vbroadcast v16, $0x0;
	v8 =	vld.idx.msk [tilespmem:v8+s18+$0x0], $0xffff  }
0xba: {  	s1 =	sshll.u32 s1, $0x7;
	v3 =	vshrl.u32 v3, $0x3;
	v13 =	vshrl.u32 v13, $0x3;
	v14 =	vshrl.u32 v14, $0x3;
	s31 =	sor.u32 s6, s5;
	s30 =	sor.u32 s6, s4;
	v10 =	vld.idx.msk [tilespmem:v10+s18+$0x0], $0xffff  }
0xbb: {  	v15 =	vshrl.u32 v15, $0x3;
	s25 =	sor.u32 s6, s25;
	v4 =	vshrl.u32 v4, $0x3;
	s24 =	sor.u32 s6, s24;
	s28 =	sor.u32 s6, s28;
	v16 =	vadd.s32 v16, v1;
	v11 =	vld.idx.msk [tilespmem:v11+s18+$0x0], $0xffff  }
0xbc: {  	s10 =	sor.u32 s6, s1;
	v3 =	vshll.u32 v3, v0;
	s1 =	sor.u32 s6, s29;
	s5 =	smov.u32 s6;
	v17 =	vshrl.u32 v2, $0x3;
	v16 =	vor.u32 $0x7, v16;
	v18 =	vld.idx.msk [tilespmem:v9+s18+$0x0], $0xffff  }
0xbd: {  	v4 =	vshll.u32 v4, v0;
	s4 =	smov.u32 s2;
	s2 =	smov.u32 s10;
	v9 =	vshll.u32 v13, v0;
	v13 =	vshll.u32 v14, v0;
	v2 =	vld.idx.msk [tilespmem:v7+s18+$0x0], $0xffff  }
.Ltmp3:
0xbe: {  	v14 =	vshll.u32 v15, v0;
	v15 =	vshll.u32 v17, v0;
	v7 =	vbroadcast v3, $0x0;
	v3 =	vld.idx.msk [tilespmem:v5+s18+$0x0], $0xffff;
	[tilespmem:s15+$0x7E00] =	vst v6;
	s15 =	smov.u32 s30;
	(pc) =	sbr.rel @p0 .LBB2_4-.Ltmp3, $4  }
0xbf: {  	v9 =	vbroadcast v9, $0x0;
	v5 =	vshll.u32 v12, v0;
	v12 =	vbroadcast v13, $0x0;
	[tilespmem:s8+$0x7E00] =	vst v8;
	s8 =	smov.u32 s31  }
0xc0: {  	v14 =	vbroadcast v14, $0x0;
	v13 =	vbroadcast v4, $0x0;
	v6 =	vadd.s32 v7, v1;
	[tilespmem:s16+$0x7E00] =	vst v10;
	s16 =	smov.u32 s25  }
0xc1: {  	v5 =	vbroadcast v5, $0x0;
	v8 =	vadd.s32 v9, v1;
	v7 =	vbroadcast v15, $0x0;
	v4 =	vld.idx.msk [tilespmem:v16+s18+$0x0], $0xffff;
	[tilespmem:s21+$0x7E00] =	vst v11;
	s21 =	smov.u32 s24  }
0xc2: {  	s23 =	sadd.s32 $0x2, s23;
	v9 =	vadd.s32 v14, v1;
	v10 =	vadd.s32 v12, v1;
	v11 =	vadd.s32 v13, v1;
	[tilespmem:s22+$0x7E00] =	vst v18;
	s22 =	smov.u32 s28  }
0xc3: {  	v6 =	vor.u32 $0x1, v6  }
0xc4: {  	v8 =	vor.u32 $0x2, v8  }
0xc5: {  	v10 =	vor.u32 $0x3, v10  }
0xc6: {  	v11 =	vor.u32 $0x4, v11  }
0xc7: {  	v9 =	vor.u32 $0x5, v9  }
0xc8: {  	v7 =	vadd.s32 v7, v1;
	v1 =	vadd.s32 v5, v1;
	v6 =	vld.idx.msk [tilespmem:v6+s18+$0x0], $0xffff  }
0xc9: {  	v7 =	vor.u32 $0x6, v7;
	v5 =	vld.idx.msk [tilespmem:v8+s18+$0x0], $0xffff  }
0xca: {  	[tilespmem:s7+$0x7E00] =	vst v2;
	s6 =	sshll.u32 s12, $0x7;
	v2 =	vld.idx.msk [tilespmem:v10+s18+$0x0], $0xffff  }
0xcb: {  	[tilespmem:s4+$0x7E00] =	vst v3;
	s12 =	sor.u32 s5, s6;
	v3 =	vld.idx.msk [tilespmem:v11+s18+$0x0], $0xffff  }
0xcc: {  	[tilespmem:s12+$0x7E00] =	vst v4;
	v4 =	vld.idx.msk [tilespmem:v9+s18+$0x0], $0xffff  }
0xcd: {  	v1 =	vld.idx.msk [tilespmem:v1+s18+$0x0], $0xffff;
	[tilespmem:s15+$0x7E00] =	vst v6  }
0xce: {  	v7 =	vld.idx.msk [tilespmem:v7+s18+$0x0], $0xffff;
	[tilespmem:s8+$0x7E00] =	vst v5  }
0xcf: {  	[tilespmem:s16+$0x7E00] =	vst v2  }
0xd0: {  	[tilespmem:s21+$0x7E00] =	vst v3  }
0xd1: {  	[tilespmem:s22+$0x7E00] =	vst v4  }
0xd2: {  	[tilespmem:s2+$0x7E00] =	vst v1;
	s22 =	simm.s32 $0x0  }
0xd3: {  	[tilespmem:s1+$0x7E00] =	vst v7;
	s1 =	sand.u32 $0x38, s22  }
0xd4: {  	v1 =	vld [tilespmem:s3+$0x1B80];
	v2 =	vmov s1;
	s23 =	sor.u32 $0x1, s1;
	s28 =	sor.u32 $0x7, s1  }
0xd5: {  	s24 =	sor.u32 $0x2, s1;
	s25 =	sor.u32 $0x3, s1;
	s29 =	sor.u32 $0x4, s1;
	v2 =	vshrl.u32 v2, $0x3;
	v3 =	vmov s23;
	v4 =	vmov s28  }
0xd6: {  	s30 =	sor.u32 $0x5, s1;
	s31 =	sor.u32 $0x6, s1;
	v5 =	vmov s24;
	v6 =	vmov s25;
	v7 =	vmov s29  }
0xd7: {  	v8 =	vmov s30;
	v9 =	vmov s31;
	v4 =	vshrl.u32 v4, $0x3  }
0xd8: {  	v3 =	vshrl.u32 v3, $0x3;
	v5 =	vshrl.u32 v5, $0x3;
	v4 =	vshll.u32 v4, v0  }
0xd9: {  	v6 =	vshrl.u32 v6, $0x3;
	v4 =	vbroadcast v4, $0x0;
	v1 =	vmul.u32 $0x48, v1  }
0xda: {  	v7 =	vshrl.u32 v7, $0x3;
	v8 =	vshrl.u32 v8, $0x3;
	v9 =	vshrl.u32 v9, $0x3  }
0xdb: {  	v2 =	vshll.u32 v2, v0;
	v3 =	vshll.u32 v3, v0;
	v4 =	vadd.s32 v4, v1  }
0xdc: {  	p1 =	por $0x1, $0x1;
	p0 =	por $0x0, $0x0;
	v8 =	vshll.u32 v8, v0;
	v3 =	vbroadcast v3, $0x0;
	v10 =	vor.u32 $0x7, v4  }
.Ltmp4:
0xdd: {  	s1 =	sshll.u32 s1, $0x7;
	s2 =	sshll.u32 s23, $0x7;
	v7 =	vshll.u32 v7, v0;
	v12 =	vbroadcast v8, $0x0;
	v4 =	vshll.u32 v5, v0;
	(pc) =	sbr.rel @!p1 .LBB2_6-.Ltmp4, $4  }
0xde: {  	s4 =	sshll.u32 s24, $0x7;
	s5 =	sshll.u32 s25, $0x7;
	s6 =	sshll.u32 s29, $0x7;
	v5 =	vshll.u32 v6, v0;
	v6 =	vadd.s32 v3, v1;
	v3 =	vbroadcast v7, $0x0  }
0xdf: {  	s7 =	sshll.u32 s30, $0x7;
	s8 =	sshll.u32 s31, $0x7;
	s12 =	sor.u32 s3, s1;
	v9 =	vshll.u32 v9, v0;
	v11 =	vbroadcast v4, $0x0;
	v5 =	vbroadcast v5, $0x0  }
0xe0: {  	s21 =	sor.u32 s3, s2;
	s16 =	sor.u32 s3, s4;
	s2 =	sor.u32 s3, s5;
	v7 =	vbroadcast v9, $0x0;
	v9 =	vadd.s32 v12, v1;
	v4 =	vbroadcast v2, $0x0  }
0xe1: {  	s25 =	sor.u32 s3, s6;
	s24 =	sor.u32 s3, s7;
	s7 =	sor.u32 s3, s8;
	v8 =	vadd.s32 v11, v1;
	v11 =	vadd.s32 v3, v1;
	v2 =	vld.idx.msk [tilespmem:v10+s19+$0x0], $0xffff;
	v10 =	vadd.s32 v5, v1  }
0xe2: {  	s8 =	simm.s32 $0x8;
	v3 =	vor.u32 $0x1, v6;
	v5 =	vor.u32 $0x2, v8;
	v6 =	vadd.s32 v7, v1  }
0xe3: {  	v8 =	vor.u32 $0x3, v10;
	v10 =	vor.u32 $0x4, v11;
	v9 =	vor.u32 $0x5, v9;
	s1 =	sand.u32 $0x38, s8  }
0xe4: {  	v7 =	vld [tilespmem:s0+$0x1B80];
	v4 =	vadd.s32 v4, v1;
	v6 =	vor.u32 $0x6, v6;
	v11 =	vmov s1;
	s4 =	sor.u32 $0x1, s1;
	s9 =	sor.u32 $0x7, s1  }
0xe5: {  	s5 =	sor.u32 $0x2, s1;
	s6 =	sor.u32 $0x3, s1;
	s10 =	sor.u32 $0x4, s1;
	v11 =	vshrl.u32 v11, $0x3;
	v12 =	vmov s4;
	v1 =	vmov s9  }
0xe6: {  	s15 =	sor.u32 $0x5, s1;
	v13 =	vmov s5;
	v14 =	vmov s6;
	v15 =	vmov s10  }
0xe7: {  	v16 =	vmov s15;
	v1 =	vshrl.u32 v1, $0x3;
	v12 =	vshrl.u32 v12, $0x3;
	v3 =	vld.idx.msk [tilespmem:v3+s19+$0x0], $0xffff  }
0xe8: {  	s23 =	sshll.u32 s28, $0x7;
	v13 =	vshrl.u32 v13, $0x3;
	v14 =	vshrl.u32 v14, $0x3;
	v17 =	vshll.u32 v1, v0;
	v5 =	vld.idx.msk [tilespmem:v5+s19+$0x0], $0xffff  }
0xe9: {  	s3 =	sor.u32 s3, s23;
	s22 =	sor.u32 $0x6, s1;
	v15 =	vshrl.u32 v15, $0x3;
	v1 =	vmul.u32 $0x48, v7;
	v8 =	vld.idx.msk [tilespmem:v8+s19+$0x0], $0xffff;
	v17 =	vbroadcast v17, $0x0  }
0xea: {  	v16 =	vshrl.u32 v16, $0x3;
	[tilespmem:s3+$0x9E00] =	vst v2;
	v7 =	vmov s22;
	v10 =	vld.idx.msk [tilespmem:v10+s19+$0x0], $0xffff;
	v2 =	vshll.u32 v12, v0  }
0xeb: {  	v60 =	vld.idx.msk [tilespmem:v9+s19+$0x0], $0xffff;
	v9 =	vshll.u32 v13, v0;
	v61 =	vshll.u32 v14, v0;
	v17 =	vadd.s32 v17, v1  }
0xec: {  	p1 =	por $0x1, $0x1;
	p0 =	por $0x1, $0x1;
	s1 =	sshll.u32 s1, $0x7;
	v62 =	vshll.u32 v15, v0;
	v63 =	vshll.u32 v16, v0;
	v59 =	vor.u32 $0x7, v17  }
.Ltmp5:
0xed: {  	s4 =	sshll.u32 s4, $0x7;
	s5 =	sshll.u32 s5, $0x7;
	v7 =	vshrl.u32 v7, $0x3;
	v2 =	vbroadcast v2, $0x0;
	v9 =	vbroadcast v9, $0x0;
	[tilespmem:s21+$0x9E00] =	vst v3;
	v3 =	vld.idx.msk [tilespmem:v6+s19+$0x0], $0xffff;
	(pc) =	sbr.rel @!p1 .LBB2_8-.Ltmp5, $4  }
0xee: {  	s23 =	sshll.u32 s6, $0x7;
	s29 =	sshll.u32 s10, $0x7;
	s30 =	sshll.u32 s15, $0x7;
	v13 =	vbroadcast v61, $0x0;
	v14 =	vbroadcast v62, $0x0;
	v7 =	vshll.u32 v7, v0;
	[tilespmem:s16+$0x9E00] =	vst v5;
	v5 =	vld.idx.msk [tilespmem:v4+s19+$0x0], $0xffff  }
0xef: {  	s31 =	sshll.u32 s22, $0x7;
	v11 =	vshll.u32 v11, v0;
	s15 =	sor.u32 s0, s23;
	s23 =	sor.u32 s0, s29;
	v15 =	vbroadcast v63, $0x0;
	v7 =	vbroadcast v7, $0x0;
	[tilespmem:s2+$0x9E00] =	vst v8  }
0xf0: {  	s3 =	simm.s32 $0x4;
	s22 =	sor.u32 s0, s30;
	s21 =	sor.u32 s0, s4;
	v6 =	vadd.s32 v2, v1;
	v8 =	vadd.s32 v9, v1;
	[tilespmem:s25+$0x9E00] =	vst v10;
	v10 =	vadd.s32 v13, v1  }
0xf1: {  	s16 =	sor.u32 s0, s5;
	s2 =	sor.u32 s0, s1;
	v4 =	vbroadcast v11, $0x0;
	s4 =	sor.u32 s0, s31;
	v11 =	vadd.s32 v14, v1;
	v9 =	vadd.s32 v15, v1;
	[tilespmem:s24+$0x9E00] =	vst v60;
	v2 =	vld.idx.msk [tilespmem:v59+s19+$0x0], $0xffff  }
.LBB2_9:
0xf2: {  	s8 =	sadd.s32 $0x8, s8;
	s1 =	sand.u32 $0x70, s3;
	v6 =	vor.u32 $0x1, v6;
	v8 =	vor.u32 $0x2, v8;
	v7 =	vadd.s32 v7, v1;
	[tilespmem:s7+$0x9E00] =	vst v3;
	s7 =	smov.u32 s4  }
0xf3: {  	v10 =	vor.u32 $0x3, v10;
	v11 =	vor.u32 $0x4, v11;
	v9 =	vor.u32 $0x5, v9;
	s4 =	sand.u32 $0x38, s8;
	v3 =	vld [tilespmem:s1+$0x1B80];
	p1 =	slt.u32 s8, $0x1F8;
	[tilespmem:s12+$0x9E00] =	vst v5  }
0xf4: {  	v4 =	vadd.s32 v4, v1;
	s6 =	sshll.u32 s9, $0x7;
	v7 =	vor.u32 $0x6, v7;
	v5 =	vmov s4;
	s5 =	sor.u32 $0x1, s4;
	s9 =	sor.u32 $0x7, s4  }
0xf5: {  	s0 =	sor.u32 s0, s6;
	s10 =	sor.u32 $0x2, s4;
	s12 =	sor.u32 $0x3, s4;
	v12 =	vshrl.u32 v5, $0x3;
	v5 =	vmov s5;
	v1 =	vmov s9  }
0xf6: {  	s6 =	sor.u32 $0x4, s4;
	s24 =	sor.u32 $0x5, s4;
	s25 =	sor.u32 $0x6, s4;
	v13 =	vmov s10;
	v14 =	vmov s12;
	v1 =	vshrl.u32 v1, $0x3;
	[tilespmem:s0+$0x9E00] =	vst v2  }
0xf7: {  	v15 =	vmov s24;
	s0 =	sshll.u32 s5, $0x7;
	s5 =	sshll.u32 s10, $0x7;
	s10 =	sshll.u32 s12, $0x7;
	v2 =	vmov s6;
	v16 =	vshll.u32 v1, v0;
	v6 =	vld.idx.msk [tilespmem:v6+s19+$0x0], $0xffff  }
0xf8: {  	s6 =	sshll.u32 s6, $0x7;
	s12 =	sshll.u32 s24, $0x7;
	s24 =	sshll.u32 s25, $0x7;
	v1 =	vmul.u32 $0x48, v3;
	v3 =	vmov s25;
	v16 =	vbroadcast v16, $0x0;
	v8 =	vld.idx.msk [tilespmem:v8+s19+$0x0], $0xffff  }
0xf9: {  	s4 =	sshll.u32 s4, $0x7;
	v5 =	vshrl.u32 v5, $0x3;
	v13 =	vshrl.u32 v13, $0x3;
	v14 =	vshrl.u32 v14, $0x3;
	s5 =	sor.u32 s1, s5;
	s25 =	sor.u32 s1, s0;
	v10 =	vld.idx.msk [tilespmem:v10+s19+$0x0], $0xffff  }
0xfa: {  	v15 =	vshrl.u32 v15, $0x3;
	s10 =	sor.u32 s1, s10;
	v2 =	vshrl.u32 v2, $0x3;
	s6 =	sor.u32 s1, s6;
	s28 =	sor.u32 s1, s12;
	v16 =	vadd.s32 v16, v1;
	v11 =	vld.idx.msk [tilespmem:v11+s19+$0x0], $0xffff  }
0xfb: {  	s29 =	sor.u32 s1, s4;
	v5 =	vshll.u32 v5, v0;
	s4 =	sor.u32 s1, s24;
	s0 =	smov.u32 s1;
	v17 =	vshrl.u32 v3, $0x3;
	v16 =	vor.u32 $0x7, v16;
	v18 =	vld.idx.msk [tilespmem:v9+s19+$0x0], $0xffff  }
0xfc: {  	s12 =	smov.u32 s2;
	s2 =	smov.u32 s29;
	v2 =	vshll.u32 v2, v0;
	v9 =	vshll.u32 v13, v0;
	v13 =	vshll.u32 v14, v0;
	v3 =	vld.idx.msk [tilespmem:v7+s19+$0x0], $0xffff  }
.Ltmp6:
0xfd: {  	v14 =	vshll.u32 v15, v0;
	v15 =	vshll.u32 v17, v0;
	v7 =	vbroadcast v5, $0x0;
	v5 =	vld.idx.msk [tilespmem:v4+s19+$0x0], $0xffff;
	[tilespmem:s21+$0x9E00] =	vst v6;
	s21 =	smov.u32 s25;
	(pc) =	sbr.rel @p1 .LBB2_9-.Ltmp6, $4  }
0xfe: {  	v9 =	vbroadcast v9, $0x0;
	v4 =	vshll.u32 v12, v0;
	v12 =	vbroadcast v13, $0x0;
	[tilespmem:s16+$0x9E00] =	vst v8;
	s16 =	smov.u32 s5  }
0xff: {  	v14 =	vbroadcast v14, $0x0;
	v13 =	vbroadcast v2, $0x0;
	v6 =	vadd.s32 v7, v1;
	[tilespmem:s15+$0x9E00] =	vst v10;
	s15 =	smov.u32 s10  }
0x100: {  	v4 =	vbroadcast v4, $0x0;
	v8 =	vadd.s32 v9, v1;
	v7 =	vbroadcast v15, $0x0;
	v2 =	vld.idx.msk [tilespmem:v16+s19+$0x0], $0xffff;
	[tilespmem:s23+$0x9E00] =	vst v11;
	s23 =	smov.u32 s6  }
0x101: {  	s3 =	sadd.s32 $0x2, s3;
	v9 =	vadd.s32 v14, v1;
	v10 =	vadd.s32 v12, v1;
	v11 =	vadd.s32 v13, v1;
	[tilespmem:s22+$0x9E00] =	vst v18;
	s22 =	smov.u32 s28  }
0x102: {  	s1 =	smov.u32 s7;
	s5 =	smov.u32 s12;
	s7 =	smov.u32 s4  }
0x103: {  	s28 =	smov.u32 s9;
	s3 =	smov.u32 s0;
	s12 =	smov.u32 s2  }
0x104: {  	s2 =	smov.u32 s15;
	s25 =	smov.u32 s23;
	s24 =	smov.u32 s22  }
.LBB2_11:
0x105: {  	v6 =	vor.u32 $0x1, v6  }
0x106: {  	v8 =	vor.u32 $0x2, v8  }
0x107: {  	v10 =	vor.u32 $0x3, v10  }
0x108: {  	v11 =	vor.u32 $0x4, v11  }
0x109: {  	v9 =	vor.u32 $0x5, v9  }
0x10a: {  	v7 =	vadd.s32 v7, v1;
	v1 =	vadd.s32 v4, v1;
	v6 =	vld.idx.msk [tilespmem:v6+s19+$0x0], $0xffff  }
0x10b: {  	v7 =	vor.u32 $0x6, v7;
	v62 =	vld.idx.msk [tilespmem:v8+s19+$0x0], $0xffff  }
0x10c: {  	[tilespmem:s1+$0x9E00] =	vst @p0 v3;
	s0 =	sshll.u32 s28, $0x7;
	v3 =	vld.idx.msk [tilespmem:v10+s19+$0x0], $0xffff  }
0x10d: {  	[tilespmem:s5+$0x9E00] =	vst @p0 v5;
	s0 =	sor.u32 s3, s0;
	v63 =	vld.idx.msk [tilespmem:v11+s19+$0x0], $0xffff  }
0x10e: {  	[tilespmem:s0+$0x9E00] =	vst v2;
	v2 =	vld.idx.msk [tilespmem:v9+s19+$0x0], $0xffff  }
0x10f: {  	v1 =	vld.idx.msk [tilespmem:v1+s19+$0x0], $0xffff;
	[tilespmem:s21+$0x9E00] =	vst v6  }
0x110: {  	v7 =	vld.idx.msk [tilespmem:v7+s19+$0x0], $0xffff;
	[tilespmem:s16+$0x9E00] =	vst v62  }
.Ltmp7:
0x111: {  	[tilespmem:s2+$0x9E00] =	vst v3;
	(pc) =	sbr.rel .LBB2_12-.Ltmp7, $4  }
0x112: {  	[tilespmem:s25+$0x9E00] =	vst v63  }
0x113: {  	[tilespmem:s24+$0x9E00] =	vst v2  }
0x114: {  	[tilespmem:s12+$0x9E00] =	vst v1  }
0x115: {  	s30 =	simm.s32 $0x0;
	[tilespmem:s7+$0x9E00] =	vst v7;
	s7 =	simm.s32 $0x80  }
.LBB2_20:
0x116: {  	s0 =	sand.u32 $0x1, s30  }
0x117: {  	_ =	strace $0x8000004C;
	s1 =	sadd.s32 $0x3, s0  }
0x118: {  	_ =	swait.ge [sflag:s1], $0x2000  }
0x119: {  	s2 =	sshll.u32 s30, $0x12;
	[sflag:s1] =	ssyncset.done $0x0;
	s3 =	rddreg [dreg:$0xb]  }
0x11a: {  	s21 =	sshll.u32 s0, $0xD;
	s3 =	sor.u32 s3, s2;
	[sflag:s1] =	ssyncadd.s32 $0xFFFFE000  }
0x11b: {  	s0 =	smul.u32 $0x18000, s0;
	s16 =	sshrl.u32 s3, $0x3;
	_ =	strace $0x9000004C  }
0x11c: {  	s3 =	sor.u32 $0x1E00, s21;
	s1 =	sadd.s32 s13, s16;
	s22 =	rddreg [dreg:$0xc]  }
0x11d: {  	[hbm4b:s1+s20] =	stream.linear.scatter [tilespmem:s3], [sflag:$0x5], $0x2000, $0x38;
	[tilespmem:$0x17C38] =	vst v63  }
0x11e: {  	s1 =	sor.u32 s22, s2  }
0x11f: {  	s4 =	simm.s32 $0x1000;
	s0 =	sshrl.u32 s0, $0x2;
	s1 =	sshrl.u32 s1, $0x3  }
0x120: {  	p0 =	slt.u32 s31, $0x32;
	s24 =	sadd.s32 $0x5E00, s0;
	s23 =	sadd.s32 s14, s1  }
0x121: {  	[hbm4b:s23+s7] =	stream.strided.scatter [tilespmem:s24], [sflag:$0x5], $0x2000, s4, s7, $0x38;
	[tilespmem:$0x17C38] =	vst v63  }
.Ltmp8:
0x122: {  	_ = 	snop;
	(pc) =	sbr.rel @!p0 .LBB2_21-.Ltmp8, $4  }
0x123: {  	s28 =	sadd.s32 $0x7E00, s0;
	s29 =	rddreg [dreg:$0x9];
	s25 =	sadd.s32 s26, s1  }
0x124: {  	[hbm4b:s25+s7] =	stream.strided.scatter [tilespmem:s28], [sflag:$0x5], $0x2000, s4, s7, $0x38;
	[tilespmem:$0x17C38] =	vst v63  }
0x125: {  	s30 =	smov.u32 s31;
	s0 =	sor.u32 $0x9E00, s0;
	s1 =	sadd.s32 s29, s1  }
0x126: {  	[hbm4b:s1+s7] =	stream.strided.scatter [tilespmem:s0], [sflag:$0x5], $0x2000, s4, s7, $0x38;
	[tilespmem:$0x17C38] =	vst v63  }
.LBB2_12:
0x127: {  	p0 =	sgt.u32 s30, $0x2F  }
0x128: {  	s0 =	sand.u32 @!p0 $0x1, s30;
	s2 =	sshll.u32 @!p0 s30, $0x7;
	s3 =	simm.s32 @!p0 $0x80  }
0x129: {  	p1 =	seq.s32 @!p0 s30, $0x0;
	s1 =	sshll.u32 @!p0 s0, $0x7;
	s2 =	sand.u32 @!p0 $0x3FFFFF80, s2  }
0x12a: {  	s0 =	sadd.s32 @!p0 $0x1, s0;
	s1 =	sor.u32 @!p0 $0x1900, s1;
	s2 =	sadd.s32 @!p0 $0x100, s2  }
0x12b: {  	[tilespmem:s1], [sflag:s0] =	stream.indirect.gather @!p0 [hbm4b:s11+s3], $0x1, s2, s3, $0xb8;
	[tilespmem:$0x17C38] =	vst v63  }
0x12c: {  	p0 =	por p0, !p1  }
0x12d: {  	_ =	strace @p0 $0x80000048;
	s0 =	simm.s32 @p0 $0x5  }
0x12e: {  	_ =	swait.ge @p0 [sflag:s0], $0x2000  }
0x12f: {  	[sflag:s0] =	ssyncset.done @p0 $0x0  }
0x130: {  	[sflag:s0] =	ssyncadd.s32 @p0 $0xFFFFE000  }
0x131: {  	_ =	swait.ge @p0 [sflag:s0], $0x2000  }
0x132: {  	[sflag:s0] =	ssyncset.done @p0 $0x0  }
0x133: {  	[sflag:s0] =	ssyncadd.s32 @p0 $0xFFFFE000  }
0x134: {  	p1 =	seq.s32 @p0 s30, $0x31;
	_ =	swait.ge @p0 [sflag:s0], $0x2000  }
0x135: {  	p1 =	por !p0, !p1;
	[sflag:s0] =	ssyncset.done @p0 $0x0  }
.Ltmp9:
0x136: {  	[sflag:s0] =	ssyncadd.s32 @p0 $0xFFFFE000;
	(pc) =	sbr.rel @!p1 .LBB2_20-.Ltmp9, $4  }
0x137: {  	_ =	swait.ge @p0 [sflag:s0], $0x2000  }
0x138: {  	[sflag:s0] =	ssyncset.done @p0 $0x0  }
0x139: {  	[sflag:s0] =	ssyncadd.s32 @p0 $0xFFFFE000  }
0x13a: {  	s31 =	simm.s32 @p0 $0x32;
	_ =	strace @p0 $0x90000048  }
0x13b: {  	s31 =	sadd.s32 @p0 $0x1, s30  }
0x13c: {  	s31 =	simm.s32 @!p0 $0x1  }
0x13d: {  	s0 =	sand.u32 $0x1, s31  }
0x13e: {  	_ =	strace $0x80000049;
	s1 =	sadd.s32 $0x1, s0  }
0x13f: {  	_ =	swait.ge [sflag:s1], $0x80  }
0x140: {  	[sflag:s1] =	ssyncset.done $0x0  }
0x141: {  	[sflag:s1] =	ssyncadd.s32 $0xFFFFFF80  }
0x142: {  	s2 =	sshll.u32 s0, $0x9;
	_ =	strace $0x90000049  }
0x143: {  	s21 =	sshrl.u32 s2, $0x2;
	_ =	strace $0x8000004A  }
0x144: {  	v1 =	vld [tilespmem:s21+$0x1900];
	_ =	sdelay $0x4  }
0x145: {  	v2 =	vand.u32 $0x1FFF, v1;
	v3 =	vshrl.u32 v1, $0xD  }
0x146: {  	[tilespmem:s2+$0x1A00] =	vst v2;
	v2 =	vand.u32 $0x1F, v3  }
0x147: {  	v3 =	vshrl.u32 v1, $0x12;
	v1 =	vshrl.u32 v1, $0x1B;
	[tilespmem:s2+$0x1A80] =	vst v2  }
0x148: {  	v2 =	vand.u32 $0x1FF, v3;
	[tilespmem:s2+$0x1B80] =	vst v1  }
0x149: {  	[tilespmem:s2+$0x1B00] =	vst v2  }
0x14a: {  	v1 =	vld [tilespmem:s21+$0x1910];
	_ =	sdelay $0x4  }
0x14b: {  	v2 =	vand.u32 $0x1FFF, v1;
	v3 =	vshrl.u32 v1, $0xD  }
0x14c: {  	[tilespmem:s2+$0x1A10] =	vst v2;
	v2 =	vand.u32 $0x1F, v3  }
0x14d: {  	v3 =	vshrl.u32 v1, $0x12;
	v1 =	vshrl.u32 v1, $0x1B;
	[tilespmem:s2+$0x1A90] =	vst v2  }
0x14e: {  	v2 =	vand.u32 $0x1FF, v3;
	[tilespmem:s2+$0x1B90] =	vst v1  }
0x14f: {  	[tilespmem:s2+$0x1B10] =	vst v2  }
0x150: {  	v1 =	vld [tilespmem:s21+$0x1920];
	_ =	sdelay $0x4  }
0x151: {  	v2 =	vand.u32 $0x1FFF, v1;
	v3 =	vshrl.u32 v1, $0xD  }
0x152: {  	[tilespmem:s2+$0x1A20] =	vst v2;
	v2 =	vand.u32 $0x1F, v3  }
0x153: {  	v3 =	vshrl.u32 v1, $0x12;
	v1 =	vshrl.u32 v1, $0x1B;
	[tilespmem:s2+$0x1AA0] =	vst v2  }
0x154: {  	v2 =	vand.u32 $0x1FF, v3;
	[tilespmem:s2+$0x1BA0] =	vst v1  }
0x155: {  	[tilespmem:s2+$0x1B20] =	vst v2  }
0x156: {  	v1 =	vld [tilespmem:s21+$0x1930];
	_ =	sdelay $0x4  }
0x157: {  	v2 =	vand.u32 $0x1FFF, v1;
	v3 =	vshrl.u32 v1, $0xD  }
0x158: {  	[tilespmem:s2+$0x1A30] =	vst v2;
	v2 =	vand.u32 $0x1F, v3  }
0x159: {  	v3 =	vshrl.u32 v1, $0x12;
	v1 =	vshrl.u32 v1, $0x1B;
	[tilespmem:s2+$0x1AB0] =	vst v2  }
0x15a: {  	v2 =	vand.u32 $0x1FF, v3;
	[tilespmem:s2+$0x1BB0] =	vst v1  }
0x15b: {  	[tilespmem:s2+$0x1B30] =	vst v2  }
0x15c: {  	v1 =	vld [tilespmem:s21+$0x1940];
	_ =	sdelay $0x4  }
0x15d: {  	v2 =	vand.u32 $0x1FFF, v1;
	v3 =	vshrl.u32 v1, $0xD  }
0x15e: {  	[tilespmem:s2+$0x1A40] =	vst v2;
	v2 =	vand.u32 $0x1F, v3  }
0x15f: {  	v3 =	vshrl.u32 v1, $0x12;
	v1 =	vshrl.u32 v1, $0x1B;
	[tilespmem:s2+$0x1AC0] =	vst v2  }
0x160: {  	v2 =	vand.u32 $0x1FF, v3;
	[tilespmem:s2+$0x1BC0] =	vst v1  }
0x161: {  	[tilespmem:s2+$0x1B40] =	vst v2  }
0x162: {  	v1 =	vld [tilespmem:s21+$0x1950];
	_ =	sdelay $0x4  }
0x163: {  	v2 =	vand.u32 $0x1FFF, v1;
	v3 =	vshrl.u32 v1, $0xD  }
0x164: {  	[tilespmem:s2+$0x1A50] =	vst v2;
	v2 =	vand.u32 $0x1F, v3  }
0x165: {  	v3 =	vshrl.u32 v1, $0x12;
	v1 =	vshrl.u32 v1, $0x1B;
	[tilespmem:s2+$0x1AD0] =	vst v2  }
0x166: {  	v2 =	vand.u32 $0x1FF, v3;
	[tilespmem:s2+$0x1BD0] =	vst v1  }
0x167: {  	[tilespmem:s2+$0x1B50] =	vst v2  }
0x168: {  	v1 =	vld [tilespmem:s21+$0x1960];
	_ =	sdelay $0x4  }
0x169: {  	v2 =	vand.u32 $0x1FFF, v1;
	v3 =	vshrl.u32 v1, $0xD  }
0x16a: {  	[tilespmem:s2+$0x1A60] =	vst v2;
	v2 =	vand.u32 $0x1F, v3  }
0x16b: {  	v3 =	vshrl.u32 v1, $0x12;
	v1 =	vshrl.u32 v1, $0x1B;
	[tilespmem:s2+$0x1AE0] =	vst v2  }
0x16c: {  	v2 =	vand.u32 $0x1FF, v3;
	[tilespmem:s2+$0x1BE0] =	vst v1  }
0x16d: {  	[tilespmem:s2+$0x1B60] =	vst v2  }
0x16e: {  	v1 =	vld [tilespmem:s21+$0x1970];
	_ =	sdelay $0x4  }
0x16f: {  	s24 =	simm.s32 $0x0;
	v2 =	vand.u32 $0x1FFF, v1;
	v3 =	vshrl.u32 v1, $0xD  }
0x170: {  	s23 =	simm.s32 $0x0;
	s20 =	smov.u32 s26;
	s1 =	sand.u32 $0x38, s24;
	[tilespmem:s2+$0x1A70] =	vst v2;
	v2 =	vand.u32 $0x1F, v3  }
0x171: {  	s3 =	sshll.u32 s0, $0xD;
	s25 =	sor.u32 $0x1, s1;
	s26 =	sor.u32 $0x7, s1;
	v3 =	vshrl.u32 v1, $0x12;
	v1 =	vshrl.u32 v1, $0x1B;
	[tilespmem:s2+$0x1AF0] =	vst v2  }
0x172: {  	s4 =	sadd.s32 $0x1A80, s2;
	s24 =	sor.u32 $0x3, s1;
	s8 =	sor.u32 $0x4, s1;
	v4 =	vmov s25;
	v5 =	vmov s26;
	v2 =	vand.u32 $0x1FF, v3;
	[tilespmem:s2+$0x1BF0] =	vst v1  }
0x173: {  	s5 =	sadd.s32 $0x3, s0;
	s9 =	sor.u32 $0x5, s1;
	s10 =	sor.u32 $0x6, s1;
	v7 =	vmov s24;
	v8 =	vmov s8;
	v1 =	vmov s4;
	[tilespmem:s2+$0x1B70] =	vst v2  }
0x174: {  	s0 =	smul.u32 $0x18000, s0;
	s22 =	sadd.s32 $0x1A00, s2;
	v9 =	vmov s9;
	v10 =	vmov s10;
	v5 =	vshrl.u32 v5, $0x3;
	_ =	strace $0x9000004A  }
0x175: {  	s3 =	sor.u32 $0x1E00, s3;
	v4 =	vshrl.u32 v4, $0x3;
	v7 =	vshrl.u32 v7, $0x3;
	v8 =	vshrl.u32 v8, $0x3;
	s21 =	sadd.s32 $0x1B00, s2;
	s6 =	rddreg [dreg:$0x2]  }
0x176: {  	v9 =	vshrl.u32 v9, $0x3;
	v10 =	vshrl.u32 v10, $0x3;
	v5 =	vshll.u32 v5, v0;
	[tilespmem:s3], [sflag:s5] =	stream.indirect.gather [hbm4b:s6+s7], $0x40, s22, s7, $0xb8;
	[tilespmem:$0x17C38] =	vst v63  }
0x177: {  	v4 =	vshll.u32 v4, v0;
	v7 =	vshll.u32 v7, v0;
	v8 =	vshll.u32 v8, v0;
	s3 =	sadd.s32 $0x1B80, s2;
	s2 =	sand.u32 $0x70, s23;
	_ =	strace $0x8000004B  }
0x178: {  	v9 =	vshll.u32 v9, v0;
	v10 =	vshll.u32 v10, v0;
	v5 =	vbroadcast v5, $0x0;
	v2 =	vld.idx.msk [tilespmem:v1+s2+$0x0 ss:$0x1], $0xffff  }
0x179: {  	s0 =	sshrl.u32 s0, $0x2;
	v4 =	vbroadcast v4, $0x0;
	v7 =	vbroadcast v7, $0x0;
	v3 =	vmov s1;
	s23 =	sor.u32 $0x2, s1  }
0x17a: {  	v8 =	vbroadcast v8, $0x0;
	v3 =	vshrl.u32 v3, $0x3;
	s22 =	sadd.s32 $0x5E00, s0;
	s5 =	sshll.u32 s25, $0x7;
	s7 =	sshll.u32 s24, $0x7;
	v6 =	vmov s23  }
0x17b: {  	v9 =	vbroadcast v9, $0x0;
	v3 =	vshll.u32 v3, v0;
	s25 =	simm.s32 $0x2;
	s12 =	sadd.s32 s7, s22;
	s7 =	simm.s32 $0x8;
	v6 =	vshrl.u32 v6, $0x3  }
0x17c: {  	v10 =	vbroadcast v10, $0x0;
	v3 =	vbroadcast v3, $0x0;
	s24 =	sand.u32 $0x70, s25;
	s25 =	sand.u32 $0x38, s7;
	v6 =	vshll.u32 v6, v0  }
0x17d: {  	v12 =	vmov s25;
	s29 =	sor.u32 $0x2, s25;
	s11 =	sor.u32 $0x3, s25;
	v6 =	vbroadcast v6, $0x0;
	v2 =	vmul.u32 $0x48, v2  }
0x17e: {  	s13 =	sor.u32 $0x4, s25;
	s14 =	sor.u32 $0x5, s25;
	v12 =	vshrl.u32 v12, $0x3;
	v14 =	vmov s29;
	v15 =	vmov s11  }
0x17f: {  	s8 =	sshll.u32 s8, $0x7;
	v16 =	vmov s13;
	v17 =	vmov s14;
	v5 =	vadd.s32 v5, v2  }
0x180: {  	s9 =	sshll.u32 s9, $0x7;
	s10 =	sshll.u32 s10, $0x7;
	s26 =	sshll.u32 s26, $0x7;
	v4 =	vadd.s32 v4, v2;
	v6 =	vadd.s32 v6, v2;
	v5 =	vor.u32 $0x7, v5  }
0x181: {  	s1 =	sshll.u32 s1, $0x7;
	s6 =	sshll.u32 s23, $0x7;
	s5 =	sadd.s32 s5, s22;
	v11 =	vld.idx.msk [tilespmem:v1+s24+$0x0 ss:$0x1], $0xffff;
	v7 =	vadd.s32 v7, v2;
	v8 =	vadd.s32 v8, v2;
	v4 =	vor.u32 $0x1, v4  }
0x182: {  	s16 =	sadd.s32 s8, s22;
	s9 =	sadd.s32 s9, s22;
	s8 =	sor.u32 $0x7, s25;
	v9 =	vadd.s32 v9, v2;
	v10 =	vadd.s32 v10, v2;
	v6 =	vor.u32 $0x2, v6  }
0x183: {  	s23 =	sadd.s32 s1, s22;
	s10 =	sadd.s32 s10, s22;
	s26 =	sadd.s32 s26, s22;
	v13 =	vadd.s32 v3, v2;
	v2 =	vmov s8;
	v7 =	vor.u32 $0x3, v7  }
0x184: {  	s6 =	sadd.s32 s6, s22;
	s1 =	sadd.s32 s2, s5;
	s5 =	sadd.s32 s2, s16;
	v14 =	vshrl.u32 v14, $0x3;
	v8 =	vor.u32 $0x4, v8;
	v2 =	vshrl.u32 v2, $0x3  }
0x185: {  	s4 =	sadd.s32 s2, s23;
	s9 =	sadd.s32 s2, s9;
	s28 =	sor.u32 $0x1, s25;
	v17 =	vshrl.u32 v17, $0x3;
	v9 =	vor.u32 $0x5, v9;
	v18 =	vshll.u32 v2, v0;
	v5 =	vld.idx.msk [tilespmem:v5+s17+$0x0], $0xffff  }
0x186: {  	s15 =	sadd.s32 s2, s6;
	s6 =	sadd.s32 s2, s12;
	s16 =	sor.u32 $0x6, s25;
	v10 =	vor.u32 $0x6, v10;
	v2 =	vmul.u32 $0x48, v11;
	v18 =	vbroadcast v18, $0x0;
	v4 =	vld.idx.msk [tilespmem:v4+s17+$0x0], $0xffff  }
0x187: {  	s12 =	sadd.s32 s2, s10;
	s2 =	sadd.s32 s2, s26;
	s25 =	sshll.u32 s25, $0x7;
	v15 =	vshrl.u32 v15, $0x3;
	v12 =	vshll.u32 v12, v0;
	v62 =	vshll.u32 v17, v0;
	v6 =	vld.idx.msk [tilespmem:v6+s17+$0x0], $0xffff  }
0x188: {  	s23 =	sshll.u32 s28, $0x7;
	s26 =	sshll.u32 s29, $0x7;
	s11 =	sshll.u32 s11, $0x7;
	v3 =	vmov s28;
	v11 =	vmov s16;
	v18 =	vadd.s32 v18, v2;
	v7 =	vld.idx.msk [tilespmem:v7+s17+$0x0], $0xffff  }
0x189: {  	s13 =	sshll.u32 s13, $0x7;
	s14 =	sshll.u32 s14, $0x7;
	s29 =	sadd.s32 s25, s22;
	v3 =	vshrl.u32 v3, $0x3;
	v11 =	vshrl.u32 v11, $0x3;
	v19 =	vld.idx.msk [tilespmem:v8+s17+$0x0], $0xffff;
	v18 =	vor.u32 $0x7, v18  }
0x18a: {  	v16 =	vshrl.u32 v16, $0x3;
	s10 =	sadd.s32 s23, s22;
	s23 =	sadd.s32 s26, s22;
	s11 =	sadd.s32 s11, s22;
	v63 =	vshll.u32 v11, v0;
	v8 =	vshll.u32 v3, v0;
	v3 =	vld.idx.msk [tilespmem:v9+s17+$0x0], $0xffff;
	[tilespmem:s2+$0x0] =	vst v5  }
0x18b: {  	s13 =	sadd.s32 s13, s22;
	s14 =	sadd.s32 s14, s22;
	s25 =	sadd.s32 s24, s23;
	v9 =	vbroadcast v8, $0x0;
	v5 =	vshll.u32 v14, v0;
	v14 =	vshll.u32 v15, v0;
	[tilespmem:s1+$0x0] =	vst v4;
	v4 =	vld.idx.msk [tilespmem:v10+s17+$0x0], $0xffff  }
0x18c: {  	s23 =	sadd.s32 s24, s11;
	s28 =	sadd.s32 s24, s10;
	s16 =	sshll.u32 s16, $0x7;
	v15 =	vshll.u32 v16, v0;
	[tilespmem:s15+$0x0] =	vst v6;
	v10 =	vbroadcast v62, $0x0;
	v20 =	vbroadcast v5, $0x0;
	v5 =	vld.idx.msk [tilespmem:v13+s17+$0x0], $0xffff  }
0x18d: {  	s26 =	sadd.s32 s16, s22;
	s16 =	sadd.s32 s24, s13;
	v9 =	vadd.s32 v9, v2;
	s15 =	sadd.s32 s24, s29;
	[tilespmem:s6+$0x0] =	vst v7;
	v8 =	vbroadcast v14, $0x0;
	v11 =	vbroadcast v15, $0x0  }
0x18e: {  	s29 =	sadd.s32 s24, s14;
	s1 =	sadd.s32 s24, s26;
	v7 =	vbroadcast v12, $0x0;
	v12 =	vbroadcast v63, $0x0;
	v6 =	vld.idx.msk [tilespmem:v18+s17+$0x0], $0xffff;
	s2 =	simm.s32 $0x4;
	[tilespmem:s5+$0x0] =	vst v19;
	v13 =	vadd.s32 v20, v2  }
.LBB2_14:
0x18f: {  	s5 =	sand.u32 $0x70, s2;
	v8 =	vadd.s32 v8, v2;
	v11 =	vadd.s32 v11, v2;
	v10 =	vadd.s32 v10, v2;
	[tilespmem:s9+$0x0] =	vst v3;
	s9 =	smov.u32 s29  }
0x190: {  	s7 =	sadd.s32 $0x8, s7;
	v9 =	vor.u32 $0x1, v9;
	v13 =	vor.u32 $0x2, v13;
	s6 =	sshll.u32 s8, $0x7;
	v3 =	vld.idx.msk [tilespmem:v1+s5+$0x0 ss:$0x1], $0xffff;
	v12 =	vadd.s32 v12, v2;
	[tilespmem:s12+$0x0] =	vst v4;
	s12 =	smov.u32 s1  }
0x191: {  	s1 =	sand.u32 $0x38, s7;
	p0 =	slt.u32 s7, $0x1F8;
	v4 =	vor.u32 $0x3, v8;
	v8 =	vor.u32 $0x4, v11;
	v10 =	vor.u32 $0x5, v10;
	s6 =	sadd.s32 s6, s22;
	[tilespmem:s4+$0x0] =	vst v5  }
0x192: {  	v7 =	vadd.s32 v7, v2;
	v5 =	vmov s1;
	s4 =	sor.u32 $0x1, s1;
	s8 =	sor.u32 $0x7, s1;
	v11 =	vor.u32 $0x6, v12;
	s10 =	sor.u32 $0x2, s1  }
0x193: {  	s11 =	sor.u32 $0x3, s1;
	s6 =	sadd.s32 s24, s6;
	s13 =	sor.u32 $0x4, s1;
	v12 =	vshrl.u32 v5, $0x3;
	v5 =	vmov s4;
	v2 =	vmov s8  }
0x194: {  	s14 =	sor.u32 $0x5, s1;
	s24 =	sor.u32 $0x6, s1;
	s1 =	sshll.u32 s1, $0x7;
	v14 =	vmov s10;
	v15 =	vmov s11;
	v2 =	vshrl.u32 v2, $0x3;
	[tilespmem:s6+$0x0] =	vst v6  }
0x195: {  	s4 =	sshll.u32 s4, $0x7;
	v16 =	vmov s14;
	s6 =	sshll.u32 s10, $0x7;
	s10 =	sshll.u32 s11, $0x7;
	v6 =	vmov s13;
	v17 =	vshll.u32 v2, v0;
	v9 =	vld.idx.msk [tilespmem:v9+s17+$0x0], $0xffff  }
0x196: {  	s11 =	sshll.u32 s13, $0x7;
	s13 =	sshll.u32 s14, $0x7;
	s14 =	sshll.u32 s24, $0x7;
	v2 =	vmul.u32 $0x48, v3;
	v3 =	vmov s24;
	v17 =	vbroadcast v17, $0x0;
	v13 =	vld.idx.msk [tilespmem:v13+s17+$0x0], $0xffff  }
0x197: {  	s1 =	sadd.s32 s1, s22;
	v5 =	vshrl.u32 v5, $0x3;
	s4 =	sadd.s32 s4, s22;
	v14 =	vshrl.u32 v14, $0x3;
	v15 =	vshrl.u32 v15, $0x3;
	s6 =	sadd.s32 s6, s22;
	v18 =	vld.idx.msk [tilespmem:v4+s17+$0x0], $0xffff  }
0x198: {  	s10 =	sadd.s32 s10, s22;
	s11 =	sadd.s32 s11, s22;
	s13 =	sadd.s32 s13, s22;
	v4 =	vshrl.u32 v6, $0x3;
	v6 =	vshrl.u32 v16, $0x3;
	v16 =	vadd.s32 v17, v2;
	v17 =	vld.idx.msk [tilespmem:v8+s17+$0x0], $0xffff  }
0x199: {  	v5 =	vshll.u32 v5, v0;
	s4 =	sadd.s32 s5, s4;
	s14 =	sadd.s32 s14, s22;
	s6 =	sadd.s32 s5, s6;
	v8 =	vshrl.u32 v3, $0x3;
	v16 =	vor.u32 $0x7, v16;
	v3 =	vld.idx.msk [tilespmem:v10+s17+$0x0], $0xffff  }
.Ltmp10:
0x19a: {  	s10 =	sadd.s32 s5, s10;
	s11 =	sadd.s32 s5, s11;
	v10 =	vshll.u32 v14, v0;
	v14 =	vshll.u32 v15, v0;
	v15 =	vshll.u32 v4, v0;
	v4 =	vld.idx.msk [tilespmem:v11+s17+$0x0], $0xffff;
	(pc) =	sbr.rel @p0 .LBB2_14-.Ltmp10, $4  }
0x19b: {  	s26 =	sadd.s32 s5, s1;
	s29 =	sadd.s32 s5, s13;
	s1 =	sadd.s32 s5, s14;
	v6 =	vshll.u32 v6, v0;
	v19 =	vshll.u32 v8, v0;
	v11 =	vbroadcast v5, $0x0;
	v5 =	vld.idx.msk [tilespmem:v7+s17+$0x0], $0xffff;
	[tilespmem:s28+$0x0] =	vst v9  }
0x19c: {  	s24 =	smov.u32 s5;
	v8 =	vbroadcast v14, $0x0;
	v7 =	vshll.u32 v12, v0;
	v12 =	vbroadcast v10, $0x0;
	s28 =	smov.u32 s4;
	[tilespmem:s25+$0x0] =	vst v13;
	s25 =	smov.u32 s6  }
0x19d: {  	v10 =	vbroadcast v6, $0x0;
	s4 =	smov.u32 s15;
	s15 =	smov.u32 s26;
	v9 =	vadd.s32 v11, v2;
	v11 =	vbroadcast v15, $0x0;
	[tilespmem:s23+$0x0] =	vst v18;
	s23 =	smov.u32 s10  }
0x19e: {  	s2 =	sadd.s32 $0x2, s2;
	v7 =	vbroadcast v7, $0x0;
	v13 =	vadd.s32 v12, v2;
	v12 =	vbroadcast v19, $0x0;
	v6 =	vld.idx.msk [tilespmem:v16+s17+$0x0], $0xffff;
	[tilespmem:s16+$0x0] =	vst v17;
	s16 =	smov.u32 s11  }
0x19f: {  	v1 =	vor.u32 $0x1, v9  }
0x1a0: {  	v9 =	vor.u32 $0x2, v13;
	v12 =	vadd.s32 v12, v2  }
0x1a1: {  	v8 =	vadd.s32 v8, v2;
	v12 =	vor.u32 $0x6, v12  }
0x1a2: {  	v11 =	vadd.s32 v11, v2;
	v8 =	vor.u32 $0x3, v8  }
0x1a3: {  	v11 =	vor.u32 $0x4, v11  }
0x1a4: {  	v10 =	vadd.s32 v10, v2;
	v2 =	vadd.s32 v7, v2;
	v1 =	vld.idx.msk [tilespmem:v1+s17+$0x0], $0xffff  }
0x1a5: {  	[tilespmem:s9+$0x0] =	vst v3;
	s2 =	sshll.u32 s8, $0x7;
	v10 =	vor.u32 $0x5, v10;
	v3 =	vld.idx.msk [tilespmem:v9+s17+$0x0], $0xffff  }
0x1a6: {  	[tilespmem:s12+$0x0] =	vst v4;
	s2 =	sadd.s32 s2, s22;
	v7 =	vld.idx.msk [tilespmem:v12+s17+$0x0], $0xffff  }
0x1a7: {  	[tilespmem:s4+$0x0] =	vst v5;
	s2 =	sadd.s32 s24, s2;
	v4 =	vld.idx.msk [tilespmem:v8+s17+$0x0], $0xffff  }
0x1a8: {  	[tilespmem:s2+$0x0] =	vst v6;
	v5 =	vld.idx.msk [tilespmem:v11+s17+$0x0], $0xffff  }
0x1a9: {  	[tilespmem:s28+$0x0] =	vst v1;
	v1 =	vld.idx.msk [tilespmem:v2+s17+$0x0], $0xffff  }
0x1aa: {  	s24 =	simm.s32 $0x0;
	v6 =	vld.idx.msk [tilespmem:v10+s17+$0x0], $0xffff;
	[tilespmem:s25+$0x0] =	vst v3  }
0x1ab: {  	[tilespmem:s1+$0x0] =	vst v7;
	s1 =	sand.u32 $0x38, s24  }
0x1ac: {  	[tilespmem:s23+$0x0] =	vst v4;
	v3 =	vmov s1  }
0x1ad: {  	[tilespmem:s16+$0x0] =	vst v5;
	s5 =	sor.u32 $0x1, s1;
	s4 =	sor.u32 $0x7, s1;
	v3 =	vshrl.u32 v3, $0x3  }
0x1ae: {  	s6 =	sor.u32 $0x2, s1;
	s7 =	sor.u32 $0x3, s1;
	s25 =	sor.u32 $0x4, s1;
	v4 =	vmov s5;
	v5 =	vmov s4;
	[tilespmem:s15+$0x0] =	vst v1;
	v1 =	vmov s21  }
0x1af: {  	[tilespmem:s29+$0x0] =	vst v6;
	s26 =	sor.u32 $0x5, s1;
	s10 =	sor.u32 $0x6, s1;
	v6 =	vmov s6;
	v7 =	vmov s7;
	v8 =	vmov s25  }
0x1b0: {  	v9 =	vmov s26;
	v10 =	vmov s10;
	v5 =	vshrl.u32 v5, $0x3  }
0x1b1: {  	s23 =	simm.s32 $0x0;
	v4 =	vshrl.u32 v4, $0x3;
	v6 =	vshrl.u32 v6, $0x3;
	v7 =	vshrl.u32 v7, $0x3  }
0x1b2: {  	s2 =	sand.u32 $0x70, s23;
	v8 =	vshrl.u32 v8, $0x3;
	v9 =	vshrl.u32 v9, $0x3;
	v10 =	vshrl.u32 v10, $0x3  }
0x1b3: {  	v3 =	vshll.u32 v3, v0;
	v5 =	vshll.u32 v5, v0;
	v4 =	vshll.u32 v4, v0;
	v2 =	vld.idx.msk [tilespmem:v1+s2+$0x0 ss:$0x1], $0xffff  }
0x1b4: {  	v6 =	vshll.u32 v6, v0;
	v7 =	vshll.u32 v7, v0;
	v3 =	vbroadcast v3, $0x0  }
0x1b5: {  	s22 =	sadd.s32 $0x7E00, s0;
	s7 =	sshll.u32 s7, $0x7;
	v8 =	vshll.u32 v8, v0;
	v5 =	vbroadcast v5, $0x0;
	v4 =	vbroadcast v4, $0x0  }
0x1b6: {  	s6 =	sshll.u32 s6, $0x7;
	s11 =	sadd.s32 s7, s22;
	s7 =	simm.s32 $0x8;
	v9 =	vshll.u32 v9, v0;
	v6 =	vbroadcast v6, $0x0;
	v7 =	vbroadcast v7, $0x0  }
0x1b7: {  	s8 =	sshll.u32 s25, $0x7;
	s6 =	sadd.s32 s6, s22;
	v10 =	vshll.u32 v10, v0;
	s14 =	sand.u32 $0x38, s7;
	v8 =	vbroadcast v8, $0x0;
	v9 =	vbroadcast v9, $0x0  }
0x1b8: {  	s15 =	sadd.s32 s2, s6;
	v10 =	vbroadcast v10, $0x0;
	v12 =	vmov s14;
	s23 =	sor.u32 $0x2, s14;
	s24 =	sor.u32 $0x3, s14;
	v2 =	vmul.u32 $0x48, v2  }
0x1b9: {  	s6 =	sadd.s32 s2, s11;
	s11 =	sor.u32 $0x4, s14;
	s25 =	sor.u32 $0x5, s14;
	v12 =	vshrl.u32 v12, $0x3;
	v14 =	vmov s23;
	v15 =	vmov s24  }
0x1ba: {  	s9 =	sshll.u32 s26, $0x7;
	s26 =	simm.s32 $0x2;
	v16 =	vmov s11;
	v17 =	vmov s25;
	v5 =	vadd.s32 v5, v2  }
0x1bb: {  	s21 =	sand.u32 $0x70, s26;
	v4 =	vadd.s32 v4, v2;
	v6 =	vadd.s32 v6, v2;
	v5 =	vor.u32 $0x7, v5  }
0x1bc: {  	s1 =	sshll.u32 s1, $0x7;
	s5 =	sshll.u32 s5, $0x7;
	v11 =	vld.idx.msk [tilespmem:v1+s21+$0x0 ss:$0x1], $0xffff;
	v7 =	vadd.s32 v7, v2;
	v8 =	vadd.s32 v8, v2;
	v4 =	vor.u32 $0x1, v4  }
0x1bd: {  	s10 =	sshll.u32 s10, $0x7;
	s29 =	sadd.s32 s8, s22;
	s8 =	sor.u32 $0x7, s14;
	v9 =	vadd.s32 v9, v2;
	v10 =	vadd.s32 v10, v2;
	v6 =	vor.u32 $0x2, v6  }
0x1be: {  	s13 =	sadd.s32 s1, s22;
	s5 =	sadd.s32 s5, s22;
	s9 =	sadd.s32 s9, s22;
	v13 =	vadd.s32 v3, v2;
	v2 =	vmov s8;
	v7 =	vor.u32 $0x3, v7  }
0x1bf: {  	s10 =	sadd.s32 s10, s22;
	s1 =	sadd.s32 s2, s5;
	s5 =	sadd.s32 s2, s29;
	v14 =	vshrl.u32 v14, $0x3;
	v8 =	vor.u32 $0x4, v8;
	v2 =	vshrl.u32 v2, $0x3  }
0x1c0: {  	s29 =	sshll.u32 s4, $0x7;
	s4 =	sadd.s32 s2, s13;
	s9 =	sadd.s32 s2, s9;
	v17 =	vshrl.u32 v17, $0x3;
	v9 =	vor.u32 $0x5, v9;
	v18 =	vshll.u32 v2, v0;
	v5 =	vld.idx.msk [tilespmem:v5+s18+$0x0], $0xffff  }
0x1c1: {  	s12 =	sadd.s32 s2, s10;
	s16 =	sor.u32 $0x1, s14;
	s26 =	sor.u32 $0x6, s14;
	v10 =	vor.u32 $0x6, v10;
	v2 =	vmul.u32 $0x48, v11;
	v18 =	vbroadcast v18, $0x0;
	v4 =	vld.idx.msk [tilespmem:v4+s18+$0x0], $0xffff  }
0x1c2: {  	s29 =	sadd.s32 s29, s22;
	s14 =	sshll.u32 s14, $0x7;
	s23 =	sshll.u32 s23, $0x7;
	v15 =	vshrl.u32 v15, $0x3;
	v12 =	vshll.u32 v12, v0;
	v62 =	vshll.u32 v17, v0;
	v6 =	vld.idx.msk [tilespmem:v6+s18+$0x0], $0xffff  }
0x1c3: {  	s24 =	sshll.u32 s24, $0x7;
	s11 =	sshll.u32 s11, $0x7;
	s25 =	sshll.u32 s25, $0x7;
	v3 =	vmov s16;
	v11 =	vmov s26;
	v18 =	vadd.s32 v18, v2;
	v7 =	vld.idx.msk [tilespmem:v7+s18+$0x0], $0xffff  }
0x1c4: {  	s14 =	sadd.s32 s14, s22;
	s13 =	sadd.s32 s23, s22;
	s2 =	sadd.s32 s2, s29;
	v3 =	vshrl.u32 v3, $0x3;
	v11 =	vshrl.u32 v11, $0x3;
	v19 =	vld.idx.msk [tilespmem:v8+s18+$0x0], $0xffff;
	v18 =	vor.u32 $0x7, v18  }
0x1c5: {  	v16 =	vshrl.u32 v16, $0x3;
	s11 =	sadd.s32 s11, s22;
	s29 =	sshll.u32 s26, $0x7;
	s16 =	sshll.u32 s16, $0x7;
	v63 =	vshll.u32 v11, v0;
	v8 =	vshll.u32 v3, v0;
	v3 =	vld.idx.msk [tilespmem:v9+s18+$0x0], $0xffff;
	[tilespmem:s2+$0x0] =	vst v5  }
0x1c6: {  	s23 =	sadd.s32 s21, s11;
	s29 =	sadd.s32 s29, s22;
	s10 =	sadd.s32 s16, s22;
	v9 =	vbroadcast v8, $0x0;
	v5 =	vshll.u32 v14, v0;
	v14 =	vshll.u32 v15, v0;
	[tilespmem:s1+$0x0] =	vst v4;
	v4 =	vld.idx.msk [tilespmem:v10+s18+$0x0], $0xffff  }
0x1c7: {  	s16 =	sadd.s32 s24, s22;
	s24 =	sadd.s32 s21, s13;
	s26 =	sadd.s32 s25, s22;
	v15 =	vshll.u32 v16, v0;
	[tilespmem:s15+$0x0] =	vst v6;
	v10 =	vbroadcast v62, $0x0;
	v20 =	vbroadcast v5, $0x0;
	v5 =	vld.idx.msk [tilespmem:v13+s18+$0x0], $0xffff  }
0x1c8: {  	s25 =	sadd.s32 s21, s10;
	s16 =	sadd.s32 s21, s16;
	s28 =	sadd.s32 s21, s26;
	v9 =	vadd.s32 v9, v2;
	[tilespmem:s6+$0x0] =	vst v7;
	v8 =	vbroadcast v14, $0x0;
	v11 =	vbroadcast v15, $0x0  }
0x1c9: {  	s15 =	sadd.s32 s21, s14;
	s1 =	sadd.s32 s21, s29;
	v7 =	vbroadcast v12, $0x0;
	v12 =	vbroadcast v63, $0x0;
	v6 =	vld.idx.msk [tilespmem:v18+s18+$0x0], $0xffff;
	s2 =	simm.s32 $0x4;
	[tilespmem:s5+$0x0] =	vst v19;
	v13 =	vadd.s32 v20, v2  }
.LBB2_16:
0x1ca: {  	s5 =	sand.u32 $0x70, s2;
	v8 =	vadd.s32 v8, v2;
	v11 =	vadd.s32 v11, v2;
	v10 =	vadd.s32 v10, v2;
	[tilespmem:s9+$0x0] =	vst v3;
	s9 =	smov.u32 s28  }
0x1cb: {  	s7 =	sadd.s32 $0x8, s7;
	v9 =	vor.u32 $0x1, v9;
	v13 =	vor.u32 $0x2, v13;
	s6 =	sshll.u32 s8, $0x7;
	v3 =	vld.idx.msk [tilespmem:v1+s5+$0x0 ss:$0x1], $0xffff;
	v12 =	vadd.s32 v12, v2;
	[tilespmem:s12+$0x0] =	vst v4;
	s12 =	smov.u32 s1  }
0x1cc: {  	s1 =	sand.u32 $0x38, s7;
	p0 =	slt.u32 s7, $0x1F8;
	v4 =	vor.u32 $0x3, v8;
	v8 =	vor.u32 $0x4, v11;
	v10 =	vor.u32 $0x5, v10;
	s6 =	sadd.s32 s6, s22;
	[tilespmem:s4+$0x0] =	vst v5  }
0x1cd: {  	v7 =	vadd.s32 v7, v2;
	v5 =	vmov s1;
	s4 =	sor.u32 $0x1, s1;
	s8 =	sor.u32 $0x7, s1;
	v11 =	vor.u32 $0x6, v12;
	s10 =	sor.u32 $0x2, s1  }
0x1ce: {  	s11 =	sor.u32 $0x3, s1;
	s6 =	sadd.s32 s21, s6;
	s13 =	sor.u32 $0x4, s1;
	v12 =	vshrl.u32 v5, $0x3;
	v5 =	vmov s4;
	v2 =	vmov s8  }
0x1cf: {  	s14 =	sor.u32 $0x5, s1;
	s21 =	sor.u32 $0x6, s1;
	s1 =	sshll.u32 s1, $0x7;
	v14 =	vmov s10;
	v15 =	vmov s11;
	v2 =	vshrl.u32 v2, $0x3;
	[tilespmem:s6+$0x0] =	vst v6  }
0x1d0: {  	s4 =	sshll.u32 s4, $0x7;
	v16 =	vmov s14;
	s6 =	sshll.u32 s10, $0x7;
	s10 =	sshll.u32 s11, $0x7;
	v6 =	vmov s13;
	v17 =	vshll.u32 v2, v0;
	v9 =	vld.idx.msk [tilespmem:v9+s18+$0x0], $0xffff  }
0x1d1: {  	s11 =	sshll.u32 s13, $0x7;
	s13 =	sshll.u32 s14, $0x7;
	s14 =	sshll.u32 s21, $0x7;
	v2 =	vmul.u32 $0x48, v3;
	v3 =	vmov s21;
	v17 =	vbroadcast v17, $0x0;
	v13 =	vld.idx.msk [tilespmem:v13+s18+$0x0], $0xffff  }
0x1d2: {  	s1 =	sadd.s32 s1, s22;
	v5 =	vshrl.u32 v5, $0x3;
	s4 =	sadd.s32 s4, s22;
	v14 =	vshrl.u32 v14, $0x3;
	v15 =	vshrl.u32 v15, $0x3;
	s6 =	sadd.s32 s6, s22;
	v18 =	vld.idx.msk [tilespmem:v4+s18+$0x0], $0xffff  }
0x1d3: {  	s10 =	sadd.s32 s10, s22;
	s11 =	sadd.s32 s11, s22;
	s13 =	sadd.s32 s13, s22;
	v4 =	vshrl.u32 v6, $0x3;
	v6 =	vshrl.u32 v16, $0x3;
	v16 =	vadd.s32 v17, v2;
	v17 =	vld.idx.msk [tilespmem:v8+s18+$0x0], $0xffff  }
0x1d4: {  	v5 =	vshll.u32 v5, v0;
	s4 =	sadd.s32 s5, s4;
	s14 =	sadd.s32 s14, s22;
	s6 =	sadd.s32 s5, s6;
	v8 =	vshrl.u32 v3, $0x3;
	v16 =	vor.u32 $0x7, v16;
	v3 =	vld.idx.msk [tilespmem:v10+s18+$0x0], $0xffff  }
.Ltmp11:
0x1d5: {  	s10 =	sadd.s32 s5, s10;
	s11 =	sadd.s32 s5, s11;
	v10 =	vshll.u32 v14, v0;
	v14 =	vshll.u32 v15, v0;
	v15 =	vshll.u32 v4, v0;
	v4 =	vld.idx.msk [tilespmem:v11+s18+$0x0], $0xffff;
	(pc) =	sbr.rel @p0 .LBB2_16-.Ltmp11, $4  }
0x1d6: {  	s26 =	sadd.s32 s5, s1;
	s28 =	sadd.s32 s5, s13;
	s1 =	sadd.s32 s5, s14;
	v6 =	vshll.u32 v6, v0;
	v19 =	vshll.u32 v8, v0;
	v11 =	vbroadcast v5, $0x0;
	v5 =	vld.idx.msk [tilespmem:v7+s18+$0x0], $0xffff;
	[tilespmem:s25+$0x0] =	vst v9  }
0x1d7: {  	s21 =	smov.u32 s5;
	v8 =	vbroadcast v14, $0x0;
	v7 =	vshll.u32 v12, v0;
	v12 =	vbroadcast v10, $0x0;
	s25 =	smov.u32 s4;
	[tilespmem:s24+$0x0] =	vst v13;
	s24 =	smov.u32 s6  }
0x1d8: {  	v10 =	vbroadcast v6, $0x0;
	s4 =	smov.u32 s15;
	s15 =	smov.u32 s26;
	v9 =	vadd.s32 v11, v2;
	v11 =	vbroadcast v15, $0x0;
	[tilespmem:s16+$0x0] =	vst v18;
	s16 =	smov.u32 s10  }
0x1d9: {  	s2 =	sadd.s32 $0x2, s2;
	v7 =	vbroadcast v7, $0x0;
	v13 =	vadd.s32 v12, v2;
	v12 =	vbroadcast v19, $0x0;
	v6 =	vld.idx.msk [tilespmem:v16+s18+$0x0], $0xffff;
	[tilespmem:s23+$0x0] =	vst v17;
	s23 =	smov.u32 s11  }
0x1da: {  	v1 =	vor.u32 $0x1, v9  }
0x1db: {  	v8 =	vadd.s32 v8, v2;
	v9 =	vor.u32 $0x2, v13  }
0x1dc: {  	v8 =	vor.u32 $0x3, v8;
	v12 =	vadd.s32 v12, v2  }
0x1dd: {  	v11 =	vadd.s32 v11, v2;
	v12 =	vor.u32 $0x6, v12  }
0x1de: {  	v10 =	vadd.s32 v10, v2;
	v11 =	vor.u32 $0x4, v11  }
0x1df: {  	v10 =	vor.u32 $0x5, v10;
	v1 =	vld.idx.msk [tilespmem:v1+s18+$0x0], $0xffff  }
0x1e0: {  	[tilespmem:s9+$0x0] =	vst v3;
	s2 =	sshll.u32 s8, $0x7;
	v2 =	vadd.s32 v7, v2;
	v3 =	vld.idx.msk [tilespmem:v9+s18+$0x0], $0xffff  }
0x1e1: {  	[tilespmem:s12+$0x0] =	vst v4;
	s2 =	sadd.s32 s2, s22;
	v4 =	vld.idx.msk [tilespmem:v8+s18+$0x0], $0xffff  }
0x1e2: {  	[tilespmem:s4+$0x0] =	vst v5;
	s2 =	sadd.s32 s21, s2;
	v7 =	vld.idx.msk [tilespmem:v12+s18+$0x0], $0xffff  }
0x1e3: {  	[tilespmem:s2+$0x0] =	vst v6;
	v5 =	vld.idx.msk [tilespmem:v11+s18+$0x0], $0xffff  }
0x1e4: {  	v6 =	vld.idx.msk [tilespmem:v10+s18+$0x0], $0xffff;
	[tilespmem:s25+$0x0] =	vst v1  }
0x1e5: {  	v1 =	vld.idx.msk [tilespmem:v2+s18+$0x0], $0xffff;
	[tilespmem:s24+$0x0] =	vst v3  }
0x1e6: {  	s25 =	simm.s32 $0x0;
	[tilespmem:s16+$0x0] =	vst v4  }
0x1e7: {  	[tilespmem:s1+$0x0] =	vst v7;
	s1 =	sand.u32 $0x38, s25  }
0x1e8: {  	[tilespmem:s23+$0x0] =	vst v5;
	v3 =	vmov s1  }
0x1e9: {  	[tilespmem:s28+$0x0] =	vst v6;
	s28 =	sor.u32 $0x1, s1;
	s29 =	sor.u32 $0x7, s1;
	v3 =	vshrl.u32 v3, $0x3  }
0x1ea: {  	s5 =	sor.u32 $0x2, s1;
	s6 =	sor.u32 $0x3, s1;
	s7 =	sor.u32 $0x4, s1;
	v4 =	vmov s28;
	v5 =	vmov s29;
	[tilespmem:s15+$0x0] =	vst v1;
	v1 =	vmov s3  }
0x1eb: {  	s16 =	sor.u32 $0x6, s1;
	v6 =	vmov s5;
	v7 =	vmov s6;
	v8 =	vmov s7  }
0x1ec: {  	v10 =	vmov s16;
	v5 =	vshrl.u32 v5, $0x3;
	v4 =	vshrl.u32 v4, $0x3  }
0x1ed: {  	s24 =	simm.s32 $0x0;
	s15 =	sor.u32 $0x5, s1;
	v6 =	vshrl.u32 v6, $0x3;
	v7 =	vshrl.u32 v7, $0x3;
	v8 =	vshrl.u32 v8, $0x3  }
0x1ee: {  	s2 =	sand.u32 $0x70, s24;
	v10 =	vshrl.u32 v10, $0x3;
	v3 =	vshll.u32 v3, v0;
	v9 =	vmov s15  }
0x1ef: {  	v5 =	vshll.u32 v5, v0;
	v4 =	vshll.u32 v4, v0;
	v6 =	vshll.u32 v6, v0;
	v2 =	vld.idx.msk [tilespmem:v1+s2+$0x0 ss:$0x1], $0xffff  }
0x1f0: {  	v7 =	vshll.u32 v7, v0;
	v8 =	vshll.u32 v8, v0;
	v3 =	vbroadcast v3, $0x0  }
0x1f1: {  	s0 =	sadd.s32 $0x9E00, s0;
	s3 =	sshll.u32 s28, $0x7;
	v10 =	vshll.u32 v10, v0;
	v5 =	vbroadcast v5, $0x0;
	v4 =	vbroadcast v4, $0x0  }
0x1f2: {  	s1 =	sshll.u32 s1, $0x7;
	s10 =	sadd.s32 s3, s0;
	s3 =	simm.s32 $0x8;
	v9 =	vshrl.u32 v9, $0x3;
	v6 =	vbroadcast v6, $0x0;
	v7 =	vbroadcast v7, $0x0  }
0x1f3: {  	s13 =	sadd.s32 s1, s0;
	v8 =	vbroadcast v8, $0x0;
	v10 =	vbroadcast v10, $0x0;
	s1 =	sadd.s32 s2, s10;
	s10 =	sand.u32 $0x38, s3;
	v9 =	vshll.u32 v9, v0  }
0x1f4: {  	v12 =	vmov s10;
	s21 =	sor.u32 $0x2, s10;
	s22 =	sor.u32 $0x3, s10;
	v9 =	vbroadcast v9, $0x0;
	v2 =	vmul.u32 $0x48, v2  }
0x1f5: {  	s23 =	sor.u32 $0x4, s10;
	s24 =	sor.u32 $0x5, s10;
	v12 =	vshrl.u32 v12, $0x3;
	v14 =	vmov s21;
	v15 =	vmov s22  }
0x1f6: {  	s26 =	smov.u32 s20;
	s20 =	simm.s32 $0x2;
	v16 =	vmov s23;
	v17 =	vmov s24;
	v5 =	vadd.s32 v5, v2  }
0x1f7: {  	s12 =	sand.u32 $0x70, s20;
	s5 =	sshll.u32 s5, $0x7;
	s6 =	sshll.u32 s6, $0x7;
	v4 =	vadd.s32 v4, v2;
	v6 =	vadd.s32 v6, v2;
	v5 =	vor.u32 $0x7, v5  }
0x1f8: {  	s7 =	sshll.u32 s7, $0x7;
	s9 =	sshll.u32 s16, $0x7;
	s5 =	sadd.s32 s5, s0;
	v11 =	vld.idx.msk [tilespmem:v1+s12+$0x0 ss:$0x1], $0xffff;
	v7 =	vadd.s32 v7, v2;
	v8 =	vadd.s32 v8, v2;
	v4 =	vor.u32 $0x1, v4  }
0x1f9: {  	s6 =	sadd.s32 s6, s0;
	s11 =	sadd.s32 s7, s0;
	s7 =	sor.u32 $0x7, s10;
	v9 =	vadd.s32 v9, v2;
	v10 =	vadd.s32 v10, v2;
	v6 =	vor.u32 $0x2, v6  }
0x1fa: {  	s9 =	sadd.s32 s9, s0;
	s28 =	sshll.u32 s29, $0x7;
	s8 =	sshll.u32 s15, $0x7;
	v13 =	vadd.s32 v3, v2;
	v2 =	vmov s7;
	v7 =	vor.u32 $0x3, v7  }
0x1fb: {  	s15 =	sadd.s32 s2, s5;
	s6 =	sadd.s32 s2, s6;
	s5 =	sadd.s32 s2, s11;
	v14 =	vshrl.u32 v14, $0x3;
	v8 =	vor.u32 $0x4, v8;
	v2 =	vshrl.u32 v2, $0x3  }
0x1fc: {  	s11 =	sadd.s32 s28, s0;
	s9 =	sadd.s32 s2, s9;
	s8 =	sadd.s32 s8, s0;
	v17 =	vshrl.u32 v17, $0x3;
	v9 =	vor.u32 $0x5, v9;
	v18 =	vshll.u32 v2, v0;
	v5 =	vld.idx.msk [tilespmem:v5+s19+$0x0], $0xffff  }
0x1fd: {  	s4 =	sadd.s32 s2, s13;
	s14 =	sor.u32 $0x1, s10;
	s29 =	sor.u32 $0x6, s10;
	v10 =	vor.u32 $0x6, v10;
	v2 =	vmul.u32 $0x48, v11;
	v18 =	vbroadcast v18, $0x0;
	v4 =	vld.idx.msk [tilespmem:v4+s19+$0x0], $0xffff  }
0x1fe: {  	s8 =	sadd.s32 s2, s8;
	s10 =	sshll.u32 s10, $0x7;
	s20 =	sshll.u32 s21, $0x7;
	v15 =	vshrl.u32 v15, $0x3;
	v12 =	vshll.u32 v12, v0;
	v62 =	vshll.u32 v17, v0;
	v6 =	vld.idx.msk [tilespmem:v6+s19+$0x0], $0xffff  }
0x1ff: {  	s21 =	sshll.u32 s22, $0x7;
	s25 =	sshll.u32 s23, $0x7;
	s28 =	sshll.u32 s24, $0x7;
	v3 =	vmov s14;
	v11 =	vmov s29;
	v18 =	vadd.s32 v18, v2;
	v7 =	vld.idx.msk [tilespmem:v7+s19+$0x0], $0xffff  }
0x200: {  	s10 =	sadd.s32 s10, s0;
	s2 =	sadd.s32 s2, s11;
	s20 =	sadd.s32 s20, s0;
	v3 =	vshrl.u32 v3, $0x3;
	v11 =	vshrl.u32 v11, $0x3;
	v19 =	vld.idx.msk [tilespmem:v8+s19+$0x0], $0xffff;
	v18 =	vor.u32 $0x7, v18  }
0x201: {  	v16 =	vshrl.u32 v16, $0x3;
	s24 =	sadd.s32 s21, s0;
	s25 =	sadd.s32 s25, s0;
	s28 =	sadd.s32 s28, s0;
	v63 =	vshll.u32 v11, v0;
	v8 =	vshll.u32 v3, v0;
	v3 =	vld.idx.msk [tilespmem:v9+s19+$0x0], $0xffff;
	[tilespmem:s2+$0x0] =	vst v5  }
0x202: {  	s21 =	sadd.s32 s12, s20;
	s16 =	sadd.s32 s12, s24;
	s14 =	sshll.u32 s14, $0x7;
	v9 =	vbroadcast v8, $0x0;
	v5 =	vshll.u32 v14, v0;
	v14 =	vshll.u32 v15, v0;
	[tilespmem:s1+$0x0] =	vst v4;
	v4 =	vld.idx.msk [tilespmem:v10+s19+$0x0], $0xffff  }
0x203: {  	s22 =	sadd.s32 s12, s25;
	s11 =	sadd.s32 s14, s0;
	s29 =	sshll.u32 s29, $0x7;
	v15 =	vshll.u32 v16, v0;
	[tilespmem:s15+$0x0] =	vst v6;
	v10 =	vbroadcast v62, $0x0;
	v20 =	vbroadcast v5, $0x0;
	v5 =	vld.idx.msk [tilespmem:v13+s19+$0x0], $0xffff  }
0x204: {  	s24 =	sadd.s32 s12, s28;
	s23 =	sadd.s32 s12, s11;
	s29 =	sadd.s32 s29, s0;
	v9 =	vadd.s32 v9, v2;
	[tilespmem:s6+$0x0] =	vst v7;
	v8 =	vbroadcast v14, $0x0;
	v11 =	vbroadcast v15, $0x0  }
0x205: {  	s15 =	sadd.s32 s12, s10;
	s1 =	sadd.s32 s12, s29;
	v7 =	vbroadcast v12, $0x0;
	v12 =	vbroadcast v63, $0x0;
	v6 =	vld.idx.msk [tilespmem:v18+s19+$0x0], $0xffff;
	s2 =	simm.s32 $0x4;
	[tilespmem:s5+$0x0] =	vst v19;
	v13 =	vadd.s32 v20, v2  }
.LBB2_18:
0x206: {  	s5 =	sand.u32 $0x70, s2;
	v8 =	vadd.s32 v8, v2;
	v11 =	vadd.s32 v11, v2;
	v10 =	vadd.s32 v10, v2;
	[tilespmem:s8+$0x0] =	vst v3;
	s8 =	smov.u32 s24  }
0x207: {  	s3 =	sadd.s32 $0x8, s3;
	v9 =	vor.u32 $0x1, v9;
	v13 =	vor.u32 $0x2, v13;
	s6 =	sshll.u32 s7, $0x7;
	v3 =	vld.idx.msk [tilespmem:v1+s5+$0x0 ss:$0x1], $0xffff;
	v12 =	vadd.s32 v12, v2;
	[tilespmem:s9+$0x0] =	vst v4;
	s9 =	smov.u32 s1  }
0x208: {  	s1 =	sand.u32 $0x38, s3;
	p0 =	slt.u32 s3, $0x1F8;
	v4 =	vor.u32 $0x3, v8;
	v8 =	vor.u32 $0x4, v11;
	v10 =	vor.u32 $0x5, v10;
	s6 =	sadd.s32 s6, s0;
	[tilespmem:s4+$0x0] =	vst v5  }
0x209: {  	v7 =	vadd.s32 v7, v2;
	v5 =	vmov s1;
	s4 =	sor.u32 $0x1, s1;
	s7 =	sor.u32 $0x7, s1;
	v11 =	vor.u32 $0x6, v12;
	s10 =	sor.u32 $0x2, s1  }
0x20a: {  	s11 =	sor.u32 $0x3, s1;
	s6 =	sadd.s32 s12, s6;
	s12 =	sor.u32 $0x4, s1;
	v12 =	vshrl.u32 v5, $0x3;
	v5 =	vmov s4;
	v2 =	vmov s7  }
0x20b: {  	s13 =	sor.u32 $0x5, s1;
	s14 =	sor.u32 $0x6, s1;
	s1 =	sshll.u32 s1, $0x7;
	v14 =	vmov s10;
	v15 =	vmov s11;
	v2 =	vshrl.u32 v2, $0x3;
	[tilespmem:s6+$0x0] =	vst v6  }
0x20c: {  	s4 =	sshll.u32 s4, $0x7;
	v16 =	vmov s13;
	s6 =	sshll.u32 s10, $0x7;
	s10 =	sshll.u32 s11, $0x7;
	v6 =	vmov s12;
	v17 =	vshll.u32 v2, v0;
	v9 =	vld.idx.msk [tilespmem:v9+s19+$0x0], $0xffff  }
0x20d: {  	s11 =	sshll.u32 s12, $0x7;
	s12 =	sshll.u32 s13, $0x7;
	s13 =	sshll.u32 s14, $0x7;
	v2 =	vmul.u32 $0x48, v3;
	v3 =	vmov s14;
	v17 =	vbroadcast v17, $0x0;
	v13 =	vld.idx.msk [tilespmem:v13+s19+$0x0], $0xffff  }
0x20e: {  	s1 =	sadd.s32 s1, s0;
	v5 =	vshrl.u32 v5, $0x3;
	s4 =	sadd.s32 s4, s0;
	v14 =	vshrl.u32 v14, $0x3;
	v15 =	vshrl.u32 v15, $0x3;
	s6 =	sadd.s32 s6, s0;
	v18 =	vld.idx.msk [tilespmem:v4+s19+$0x0], $0xffff  }
0x20f: {  	s10 =	sadd.s32 s10, s0;
	s11 =	sadd.s32 s11, s0;
	s12 =	sadd.s32 s12, s0;
	v4 =	vshrl.u32 v6, $0x3;
	v6 =	vshrl.u32 v16, $0x3;
	v16 =	vadd.s32 v17, v2;
	v17 =	vld.idx.msk [tilespmem:v8+s19+$0x0], $0xffff  }
0x210: {  	v5 =	vshll.u32 v5, v0;
	s4 =	sadd.s32 s5, s4;
	s13 =	sadd.s32 s13, s0;
	s6 =	sadd.s32 s5, s6;
	v8 =	vshrl.u32 v3, $0x3;
	v16 =	vor.u32 $0x7, v16;
	v3 =	vld.idx.msk [tilespmem:v10+s19+$0x0], $0xffff  }
.Ltmp12:
0x211: {  	s10 =	sadd.s32 s5, s10;
	s11 =	sadd.s32 s5, s11;
	v10 =	vshll.u32 v14, v0;
	v14 =	vshll.u32 v15, v0;
	v15 =	vshll.u32 v4, v0;
	v4 =	vld.idx.msk [tilespmem:v11+s19+$0x0], $0xffff;
	(pc) =	sbr.rel @p0 .LBB2_18-.Ltmp12, $4  }
0x212: {  	s14 =	sadd.s32 s5, s1;
	s24 =	sadd.s32 s5, s12;
	s1 =	sadd.s32 s5, s13;
	v6 =	vshll.u32 v6, v0;
	v19 =	vshll.u32 v8, v0;
	v11 =	vbroadcast v5, $0x0;
	v5 =	vld.idx.msk [tilespmem:v7+s19+$0x0], $0xffff;
	[tilespmem:s23+$0x0] =	vst v9  }
0x213: {  	s12 =	smov.u32 s5;
	v8 =	vbroadcast v14, $0x0;
	v7 =	vshll.u32 v12, v0;
	v12 =	vbroadcast v10, $0x0;
	s23 =	smov.u32 s4;
	[tilespmem:s21+$0x0] =	vst v13;
	s21 =	smov.u32 s6  }
0x214: {  	v10 =	vbroadcast v6, $0x0;
	s4 =	smov.u32 s15;
	s15 =	smov.u32 s14;
	v9 =	vadd.s32 v11, v2;
	v11 =	vbroadcast v15, $0x0;
	[tilespmem:s16+$0x0] =	vst v18;
	s16 =	smov.u32 s10  }
0x215: {  	s2 =	sadd.s32 $0x2, s2;
	v7 =	vbroadcast v7, $0x0;
	v13 =	vadd.s32 v12, v2;
	v12 =	vbroadcast v19, $0x0;
	v6 =	vld.idx.msk [tilespmem:v16+s19+$0x0], $0xffff;
	[tilespmem:s22+$0x0] =	vst v17;
	s22 =	smov.u32 s11  }
0x216: {  	v1 =	vor.u32 $0x1, v9  }
0x217: {  	v8 =	vadd.s32 v8, v2;
	v59 =	vor.u32 $0x2, v13  }
0x218: {  	v11 =	vadd.s32 v11, v2;
	v8 =	vor.u32 $0x3, v8  }
0x219: {  	v10 =	vadd.s32 v10, v2;
	v11 =	vor.u32 $0x4, v11  }
0x21a: {  	v12 =	vadd.s32 v12, v2;
	v10 =	vor.u32 $0x5, v10  }
0x21b: {  	v12 =	vor.u32 $0x6, v12;
	v1 =	vld.idx.msk [tilespmem:v1+s19+$0x0], $0xffff  }
0x21c: {  	[tilespmem:s8+$0x0] =	vst v3;
	s2 =	sshll.u32 s7, $0x7;
	v2 =	vadd.s32 v7, v2;
	v3 =	vld.idx.msk [tilespmem:v59+s19+$0x0], $0xffff  }
0x21d: {  	[tilespmem:s9+$0x0] =	vst v4;
	s0 =	sadd.s32 s2, s0;
	v60 =	vld.idx.msk [tilespmem:v8+s19+$0x0], $0xffff  }
0x21e: {  	[tilespmem:s4+$0x0] =	vst v5;
	s0 =	sadd.s32 s12, s0;
	v61 =	vld.idx.msk [tilespmem:v11+s19+$0x0], $0xffff  }
0x21f: {  	[tilespmem:s0+$0x0] =	vst v6;
	v62 =	vld.idx.msk [tilespmem:v10+s19+$0x0], $0xffff  }
0x220: {  	v63 =	vld.idx.msk [tilespmem:v12+s19+$0x0], $0xffff;
	[tilespmem:s23+$0x0] =	vst v1  }
0x221: {  	v1 =	vld.idx.msk [tilespmem:v2+s19+$0x0], $0xffff;
	[tilespmem:s21+$0x0] =	vst v3  }
0x222: {  	[tilespmem:s16+$0x0] =	vst v60  }
0x223: {  	[tilespmem:s22+$0x0] =	vst v61  }
0x224: {  	[tilespmem:s24+$0x0] =	vst v62  }
0x225: {  	[tilespmem:s1+$0x0] =	vst v63  }
.Ltmp13:
0x226: {  	[tilespmem:s15+$0x0] =	vst v1;
	(pc) =	sbr.rel .LBB2_20-.Ltmp13, $4  }
0x227: {  	_ =	strace $0x9000004B  }
0x228: {  	s11 =	rddreg [dreg:$0x1]  }
0x229: {  	s13 =	rddreg [dreg:$0x3]  }
0x22a: {  	s20 =	simm.s32 $0x0;
	s7 =	simm.s32 $0x80;
	s14 =	rddreg [dreg:$0x4]  }
.LBB2_6:
.Ltmp14:
0x22b: {  	(pc) =	sbr.rel .LBB2_11-.Ltmp14, $2  }
0x22c: {  	_ =	sdelay $0x2  }
0x22d: {  	_ = 	snop  }
.LBB2_8:
.Ltmp15:
0x22e: {  	(pc) =	sbr.rel .LBB2_11-.Ltmp15, $4  }
0x22f: {  	_ = 	snop  }
0x230: {  	s1 =	smov.u32 s7;
	s5 =	smov.u32 s12;
	s7 =	smov.u32 s4  }
0x231: {  	s28 =	smov.u32 s9;
	s3 =	smov.u32 s0;
	s12 =	smov.u32 s2  }
0x232: {  	s2 =	smov.u32 s15;
	s25 =	smov.u32 s23;
	s24 =	smov.u32 s22  }
.LBB2_22:
0x233: {  	_ =	sfence.sel $0x180000  }
0x234: {  	[bflag:$0x0] =	sbarrier.arrive $0xFFFF  }
0x235: {  	_ =	strace $0x90000047  }
0x236: {  	s0 =	stileid.u32;
	[bflag:$0x2] =	sbarrier.arrive $0xFFFF  }
0x237: {  	p0 =	sne.s32 s0, $0x0;
	s0 =	rddreg [dreg:$0x5]  }
0x238: {  	s0 =	sadd.s32 @!p0 $0x100000, s0  }
0x239: {  	[sflag:s0] =	ssyncadd.tile.s32 @!p0 $0x1;
	_ =	shalt  }
.Lfunc_end2:
_tile_overlayer_lowered:
.L_overlay_start_2:
0x23a: {  	(tag) =	ssettag $0x2  }
0x23b: {  	s0 =	rddreg [dreg:$0x0];
	s2 =	stileid.u32  }
0x23c: {  	s1 =	rddreg [dreg:$0x1];
	p0 =	sne.s32 s2, $0x0  }
0x23d: {  	s3 =	rddreg [dreg:$0x2];
	[bflag:$0x3] =	sbarrier.arrive $0xFFFF;
	s2 =	simm.s32 @!p0 $0x1C06  }
0x23e: {  	[timem:s3], [sflag:s2] =	dma.local @!p0 [hbm:s0], s1  }
0x23f: {  	s0 =	simm.s32 @!p0 $0x6  }
0x240: {  	_ =	swait.ge @!p0 [sflag:s0], s1  }
0x241: {  	s1 =	ssub.s32 @!p0 $0x0, s1;
	[sflag:s0] =	ssyncset.done @!p0 $0x0  }
0x242: {  	[sflag:s0] =	ssyncadd.s32 @!p0 s1  }
0x243: {  	[bflag:$0x3] =	sbarrier.arrive $0xFFFF  }
0x244: {  	_ =	shalt  }

// kernel: sparse-core-data-format-call.cloned.1.call-start
scs
called_computation_lowered:
.L_overlay_start_0:
0x0: {  	s2 =	sld [smem:$0x3FD9]  }
0x1: {  	s3 =	sld [smem:$0x3FFE];
	_ =	sdelay $0x1  }
0x2: {  	s1 =	srdreg.scid  }
0x3: {  	s0 =	sand.u32 $0x1, s1  }
0x4: {  	s15 =	sshll.u32 s0, $0xA;
	s2 =	sadd.s32 s3, s2  }
0x5: {  	s2 =	sadd.s32 s2, s15  }
0x6: {  	[smem:$0x3FC2] =	sst s2  }
0x7: {  	_ = 	snop  }
0x8: {  	s2 =	sld [smem:$0x3FD0];
	_ =	sdelay $0x2  }
0x9: {  	s16 =	simm.s32 $0xA;
	s4 =	simm.s32 $0x10  }
0xa: {  	[smem:s4], [sflag:s16] =	dma.local [hbm:s2], $0x1  }
0xb: {  	_ =	swait.eq [sflag:s16], $0x1  }
0xc: {  	[sflag:s16] =	ssyncset.done $0x0  }
0xd: {  	[sflag:s16] =	ssyncadd.s32 $0xFFFFFFFF  }
0xe: {  	s17 =	sld [smem:$0x10];
	(tm) =	ssettm $0x1  }
0xf: {  	s18 =	sld [smem:$0x3FFB];
	_ =	sdelay $0x3  }
0x10: {  	_ =	strace s18  }
0x11: {  	s3 =	sld [smem:$0x3FFC];
	_ =	sdelay $0x3  }
0x12: {  	_ =	strace s3  }
0x13: {  	s3 =	sld [smem:$0x3FFD];
	_ =	sdelay $0x3  }
0x14: {  	_ =	strace s3  }
0x15: {  	_ =	strace $0x8FFFFFFF  }
0x16: {  	s19 =	sld [smem:$0x3FDB];
	_ =	sdelay $0x1  }
0x17: {  	s20 =	simm.s32 $_scs_section_size  }
0x18: {  	s5 =	simm.s32 $_size__tile_overlayer_lowered;
	s6 =	simm.s32 $_tile_overlayer_lowered  }
0x19: {  	s23 =	simm.s32 $0x1BFF;
	s22 =	sshll.u32 s6, $0x1;
	s3 =	sadd.s32 s20, s19  }
0x1a: {  	s7 =	simm.s32 $0x0;
	s21 =	sshll.u32 s5, $0x1;
	s5 =	sadd.s32 s22, s3  }
0x1b: {  	[timem:s7], [sflag:s23] =	dma.local [hbm:s5], s21  }
0x1c: {  	_ =	swait.ge [sflag:s23], s21  }
0x1d: {  	s4 =	ssub.s32 $0x0, s21;
	[sflag:s23] =	ssyncset.done $0x0  }
0x1e: {  	[sflag:s23] =	ssyncadd.s32 s4;
	_ =	sdelay $0x1  }
0x1f: {  	s24 =	simm.s32 $0x1B8B  }
0x20: {  	_ =	swait.ge [sflag:s24], $0x1  }
0x21: {  	[sflag:s24] =	ssyncset.done $0x0  }
0x22: {  	s26 =	simm.s32 $0x1B8E;
	s25 =	sld [smem:$0x3FFE];
	[sflag:s24] =	ssyncadd.s32 $0xFFFFFFFF  }
0x23: {  	s27 =	simm.s32 $execute0_lowered;
	[smem:$0x3FD2] =	sst s26  }
0x24: {  	s5 =	sshll.u32 s27, $0x1;
	_ =	strace $0x8000004E;
	[dreg:$0x1] =	wrdreg $0xFFFFFFFF  }
0x25: {  	s28 =	simm.s32 $_size_execute0_lowered;
	s3 =	sadd.s32 s3, s5;
	[dreg:$0x0] =	wrdreg $0x0  }
0x26: {  	s5 =	sshll.u32 s28, $0x1;
	[dreg:$0x2] =	wrdreg s3  }
0x27: {  	[dreg:$0x3] =	wrdreg s5  }
0x28: {  	[dreg:$0x4] =	wrdreg $0xC0  }
0x29: {  	_ =	task [dreg:s7], $0x5FFFF  }
0x2a: {  	[dreg:$0x1] =	wrdreg $0xFFFFFFFF  }
0x2b: {  	[dreg:$0x0] =	wrdreg $0x60  }
0x2c: {  	[dreg:$0x2] =	wrdreg s25  }
0x2d: {  	[dreg:$0x3] =	wrdreg s17  }
0x2e: {  	[dreg:$0x4] =	wrdreg $0x9  }
0x2f: {  	_ =	task.clear_ibuf [dreg:s7], $0x5FFFF;
	_ =	strace $0x9000004E  }
0x30: {  	s29 =	simm.s32 $0x9;
	_ =	strace $0x80000050  }
0x31: {  	_ =	swait.ge [sflag:s29], $0x1  }
0x32: {  	[sflag:s29] =	ssyncadd.s32 $0xFFFFFFFF  }
0x33: {  	_ =	strace $0x90000050  }
0x34: {  	_ =	sfence  }
0x35: {  	s30 =	sld [smem:$0x0];
	_ =	sdelay $0x2  }
0x36: {  	s31 =	sshll.u32 s1, $0xD;
	s1 =	sshrl.u32 s1, $0x2  }
0x37: {  	s3 =	sand.u32 $0x4000, s31;
	s1 =	sadd.s32 s1, s30  }
0x38: {  	s0 =	sor.u32 s3, s0;
	s1 =	sshll.u32 s1, $0x11  }
0x39: {  	s0 =	sor.u32 s1, s0  }
0x3a: {  	s0 =	sadd.s32 $0x8F2B, s0  }
0x3b: {  	[sflag:s0] =	ssyncadd.remote.s32 $0x1  }
0x3c: {  	_ =	sfence.sel $0xFFFF  }
0x3d: {  	[dreg:$0x0] =	wrdreg $0xFFFFFFFF;
	(pc) =	sbr.abs _section_cstart, $3  }
0x3e: {  	[dreg:$0x1] =	wrdreg $0xFFFFFFFF  }
0x3f: {  	_ =	task.clear_ibuf [dreg:s7], $0x2FFFF;
	_ =	strace $0x9FFFFFFF  }
0x40: {  	(tm) =	ssettm $0x7FFFFFFF  }
0x41: {  	_ =	shalt  }
tec
execute0_lowered:
.L_overlay_start_1:
0x0: {  	(tag) =	ssettag $0x1  }
0x1: {  	s0 =	srdreg.scid  }
0x2: {  	s1 =	sshll.u32 s0, $0x4  }
0x3: {  	s5 =	rddreg [dreg:$0x0];
	s0 =	stileid.u32;
	s1 =	sand.u32 $0x10, s1  }
0x4: {  	s3 =	rddreg [dreg:$0x1];
	s31 =	simm.s32 $0x2;
	s4 =	sor.u32 s0, s1  }
0x5: {  	s13 =	simm.s32 $0x0;
	s9 =	simm.s32 $0x400;
	s2 =	sshll.u32 s4, $0x7  }
0x6: {  	s10 =	simm.s32 $0x8000;
	s14 =	simm.s32 $0x0;
	s6 =	ssub.s32 $0x1000, s2  }
0x7: {  	s1 =	rddreg [dreg:$0x2];
	_ =	strace $0x8000004F;
	s7 =	sand.u32 $0xF80, s6  }
0x8: {  	s4 =	sshll.u32 s4, $0xB;
	p0 =	sne.s32 s7, $0x0;
	s7 =	simm.s32 $0x1  }
.Ltmp0:
0x9: {  	s6 =	sshrl.u32 s6, $0xC;
	s7 =	simm.s32 @!p0 $0x0;
	(pc) =	sbr.rel .LBB1_1-.Ltmp0, $4  }
0xa: {  	s8 =	sadd.s32 s4, s5;
	s4 =	simm.s32 $0x1;
	s30 =	sadd.s32 s7, s6  }
0xb: {  	s11 =	simm.s32 $0x0;
	[sflag:s4] =	ssyncpa.u1 $0x0;
	s5 =	smul.u32 $0x19, s30  }
0xc: {  	s12 =	simm.s32 $0x0;
	[sflag:s31] =	ssyncpa.u1 $0x0;
	p0 =	por $0x0, $0x0  }
0xd: {  	s6 =	sadd.s32 $0x327E00, s8;
	s7 =	sadd.s32 $0x337E00, s8;
	s8 =	sadd.s32 $0x1, s5  }
.LBB1_7:
0xe: {  	s15 =	sadd.s32 $0x2, s11  }
0xf: {  	p2 =	sgt.s32 s15, $0x31  }
0x10: {  	s15 =	simm.s32 @p2 $0x0;
	p2 =	sne.s32 s12, s8  }
.Ltmp1:
0x11: {  	p1 =	slt.u32 s12, $0x2;
	(pc) =	sbr.rel @!p2 .LBB1_8-.Ltmp1, $4  }
0x12: {  	s13 =	simm.s32 @!p1 $0x2  }
0x13: {  	s16 =	sadd.s32 $0x1, s12;
	s14 =	smov.u32 s11;
	_ =	swait.ge @!p1 [sflag:s13], $0x4000  }
0x14: {  	p0 =	por !p0, !p0;
	s12 =	smov.u32 s16;
	[sflag:s13] =	ssyncset.done @!p1 $0x0  }
0x15: {  	s11 =	smov.u32 s15;
	[sflag:s13] =	ssyncadd.s32 @!p1 $0xFFFFC000;
	s13 =	smov.u32 s2  }
.LBB1_1:
0x16: {  	p1 =	sge.u32 s12, s5  }
0x17: {  	s15 =	sxor.u32 @!p1 $0xFFFFFFFF, s12  }
0x18: {  	s16 =	sshll.u32 @!p1 s11, $0x10;
	s18 =	simm.s32 @!p1 $0x40;
	s15 =	sshll.u32 @!p1 s15, $0xE  }
0x19: {  	s19 =	simm.s32 @!p1 $0x80;
	s17 =	sadd.s32 @!p1 s16, s6;
	s15 =	sand.u32 @!p1 $0x4000, s15  }
0x1a: {  	[tilespmem:s15], [sflag:$0x1] =	stream.strided.gather @!p1 [hbm4b:s17+s18], $0x2000, s19, s18, $0x38;
	[tilespmem:$0x10100] =	vst v63  }
0x1b: {  	s31 =	sadd.s32 $0xFFFFFFFF, s12;
	s16 =	sadd.s32 @!p1 s16, s7;
	s15 =	sor.u32 @!p1 $0x2000, s15  }
0x1c: {  	[tilespmem:s15], [sflag:$0x1] =	stream.strided.gather @!p1 [hbm4b:s16+s18], $0x2000, s19, s18, $0x38;
	[tilespmem:$0x10100] =	vst v63  }
0x1d: {  	p1 =	sge.u32 s31, s5  }
.Ltmp2:
0x1e: {  	_ = 	snop;
	(pc) =	sbr.rel @p1 .LBB1_7-.Ltmp2, $1  }
0x1f: {  	_ =	sdelay $0x3  }
0x20: {  	s15 =	simm.s32 $0x1;
	s17 =	sand.u32 $0x1, s12  }
0x21: {  	_ =	swait.ge [sflag:s4], $0x4000;
	s15 =	simm.s32 @!p0 $0x0;
	s17 =	smul.u32 $0x10200, s17  }
0x22: {  	p2 =	por $0x1, $0x1;
	[sflag:s4] =	ssyncset.done $0x0;
	s16 =	smul.u32 $0x10200, s15  }
0x23: {  	s18 =	sshll.u32 s15, $0x10;
	[sflag:s4] =	ssyncadd.s32 $0xFFFFC000;
	s30 =	sshrl.u32 s17, $0x2  }
0x24: {  	s31 =	sshrl.u32 s18, $0x2;
	s18 =	simm.s32 $0x0;
	s16 =	sshrl.u32 s16, $0x2  }
0x25: {  	s15 =	sor.u32 $0x8000, s30;
	s17 =	sadd.s32 $0x20, s31;
	s16 =	sor.u32 $0x8000, s16  }
.LBB1_3:
0x26: {  	s19 =	sshll.u32 s18, $0xD  }
0x27: {  	s19 =	sand.u32 $0x3FFFE000, s19  }
0x28: {  	s21 =	sadd.s32 s19, s17  }
0x29: {  	s31 =	smul.u32 $0x8100, s18;
	v3 =	vld [tilespmem:s21+$0x10]  }
0x2a: {  	v1 =	vld [tilespmem:s21+$0xFFFFFFF0]  }
0x2b: {  	s18 =	sshra.s32 s31, $0x2;
	v0 =	vld [tilespmem:s21+$0x0]  }
0x2c: {  	s18 =	sadd.s32 s18, s16;
	v2 =	vld [tilespmem:s21+$0xFFFFFFE0]  }
0x2d: {  	s19 =	sadd.s32 $0x0, s18  }
0x2e: {  	p1 =	por p2, p2;
	s20 =	simm.s32 $0x4;
	s21 =	sadd.s32 $0x40, s21;
	[tilespmem:s19+$0x1830 ss:$0x81] =	vst.msk $0xffff, v3  }
.LBB1_4:
0x2f: {  	v3 =	vld [tilespmem:s21+$0x10];
	p2 =	sne.s32 s20, $0x1FC;
	[tilespmem:s19+$0x810 ss:$0x81] =	vst.msk $0xffff, v1;
	s22 =	smov.u32 s20;
	s20 =	sadd.s32 $0x4, s20  }
.Ltmp3:
0x30: {  	v1 =	vld [tilespmem:s21+$0xFFFFFFF0];
	[tilespmem:s19+$0x1020 ss:$0x81] =	vst.msk $0xffff, v0;
	(pc) =	sbr.rel @p2 .LBB1_4-.Ltmp3, $4  }
0x31: {  	v0 =	vld [tilespmem:s21+$0x0];
	[tilespmem:s19+$0x0 ss:$0x81] =	vst.msk $0xffff, v2  }
0x32: {  	s19 =	sshra.s32 s22, $0x2;
	v2 =	vld [tilespmem:s21+$0xFFFFFFE0]  }
0x33: {  	s19 =	sadd.s32 s19, s18  }
0x34: {  	s21 =	sadd.s32 $0x40, s21;
	[tilespmem:s19+$0x1830 ss:$0x81] =	vst.msk $0xffff, v3  }
.Ltmp4:
0x35: {  	(pc) =	sbr.rel @p1 .LBB1_3-.Ltmp4, $4  }
0x36: {  	_ = 	snop  }
0x37: {  	[tilespmem:s19+$0x810 ss:$0x81] =	vst.msk $0xffff, v1  }
0x38: {  	[tilespmem:s19+$0x1020 ss:$0x81] =	vst.msk $0xffff, v0  }
0x39: {  	s18 =	simm.s32 $0x1;
	p2 =	por $0x0, $0x0;
	[tilespmem:s19+$0x0 ss:$0x81] =	vst.msk $0xffff, v2  }
.Ltmp5:
0x3a: {  	(pc) =	sbr.rel .LBB1_7-.Ltmp5, $4  }
0x3b: {  	s14 =	sshll.u32 s14, $0xF  }
0x3c: {  	s14 =	sadd.s32 s3, s14  }
0x3d: {  	s13 =	sadd.s32 s13, s14  }
0x3e: {  	[hbm4b:s13+s9] =	stream.strided.scatter [tilespmem:s15], [sflag:$0x2], $0x4000, s10, s9, $0x20;
	[tilespmem:$0x10100] =	vst v63  }
.LBB1_8:
0x3f: {  	_ =	sfence.sel $0x180000  }
0x40: {  	s2 =	simm.s32 $0x1;
	[bflag:$0x0] =	sbarrier.arrive $0xFFFF  }
0x41: {  	s31 =	simm.s32 $0x2;
	[sflag:s2] =	ssyncpa.u1 $0x1  }
0x42: {  	[sflag:s31] =	ssyncpa.u1 $0x1  }
0x43: {  	p0 =	sne.s32 s0, $0x0;
	_ =	strace $0x9000004F  }
0x44: {  	s0 =	sadd.s32 @!p0 $0x100000, s1;
	[bflag:$0x2] =	sbarrier.arrive $0xFFFF  }
0x45: {  	[sflag:s0] =	ssyncadd.tile.s32 @!p0 $0x1;
	_ =	shalt  }
.Lfunc_end1:
_tile_overlayer_lowered:
.L_overlay_start_2:
0x46: {  	(tag) =	ssettag $0x2  }
0x47: {  	s0 =	rddreg [dreg:$0x0];
	s2 =	stileid.u32  }
0x48: {  	s1 =	rddreg [dreg:$0x1];
	p0 =	sne.s32 s2, $0x0  }
0x49: {  	s3 =	rddreg [dreg:$0x2];
	[bflag:$0x3] =	sbarrier.arrive $0xFFFF;
	s2 =	simm.s32 @!p0 $0x1C01  }
0x4a: {  	[timem:s3], [sflag:s2] =	dma.local @!p0 [hbm:s0], s1  }
0x4b: {  	s0 =	simm.s32 @!p0 $0x1  }
0x4c: {  	_ =	swait.ge @!p0 [sflag:s0], s1  }
0x4d: {  	s1 =	ssub.s32 @!p0 $0x0, s1;
	[sflag:s0] =	ssyncset.done @!p0 $0x0  }
0x4e: {  	[sflag:s0] =	ssyncadd.s32 @!p0 s1  }
0x4f: {  	[bflag:$0x3] =	sbarrier.arrive $0xFFFF  }
0x50: {  	_ =	shalt  }

</sc_bundles>
